<compile_context>
chip_gen: v7x
topology: tpu7x:2x2x1
jax: 0.10.2.dev20260603
libtpu: 0.0.44.dev20260713+nightly
codegen_flags: <defaults>
</compile_context>

<pallas_src>
import math

import jax
import jax.numpy as jnp
from jax import lax
from jax.experimental import pallas as pl
from jax.experimental.pallas import tpu as pltpu
from jax.experimental.pallas import tpu_sc as plsc

VOCAB = 1000000
D_MODEL = 64
COEFF = math.sqrt(D_MODEL)

NC = 2
NS = 16
LANES = 16
NW = NC * NS

CHUNK = 128
NBUF = 4


def _sc_gather(B):
    assert B % (NW * CHUNK) == 0
    b_per_w = B // NW
    G = b_per_w // CHUNK
    assert G % NBUF == 0 and G >= 2 * NBUF

    mesh = plsc.VectorSubcoreMesh(
        core_axis_name="c", subcore_axis_name="s", num_cores=NC, num_subcores=NS
    )

    def body(table_hbm, idx_hbm, out_hbm, idx_v, rows_in, rows_out, sem_g, sem_p):
        wid = lax.axis_index("s") * NC + lax.axis_index("c")
        row0 = wid * b_per_w

        pltpu.sync_copy(idx_hbm.at[wid], idx_v)

        def gather_start(g, b):
            pltpu.make_async_copy(
                table_hbm.at[idx_v.at[g]], rows_in[b], sem_g[b]
            ).start()

        def gather_wait(g, b):
            pltpu.make_async_copy(
                table_hbm.at[idx_v.at[g]], rows_in[b], sem_g[b]
            ).wait()

        def put_start(g, b):
            pltpu.make_async_copy(
                rows_out[b], out_hbm.at[pl.ds(row0 + g * CHUNK, CHUNK)], sem_p[b]
            ).start()

        def put_wait(g, b):
            pltpu.make_async_copy(
                rows_out[b], out_hbm.at[pl.ds(row0 + g * CHUNK, CHUNK)], sem_p[b]
            ).wait()

        def scale(b):
            src = rows_in[b]
            dst = rows_out[b]

            @plsc.parallel_loop(0, CHUNK, unroll=8)
            def _(r):
                for c in range(D_MODEL // LANES):
                    sl = pl.ds(c * LANES, LANES)
                    dst[r, sl] = src[r, sl] * COEFF

        def slot(i, t, first, last):
            b = t % NBUF
            gather_wait(i, b)
            if not first:
                put_wait(i - NBUF, b)
            scale(b)
            put_start(i, b)
            if not last:
                gather_start(i + NBUF, b)

        for t in range(NBUF):
            gather_start(t, t)
        for t in range(NBUF):
            slot(t, t, True, False)

        def loop_body(j, carry):
            i0 = j * NBUF
            for t in range(NBUF):
                slot(i0 + t, t, False, False)
            return carry

        lax.fori_loop(1, G // NBUF - 1, loop_body, 0)

        i0 = G - NBUF
        for t in range(NBUF):
            slot(i0 + t, t, False, True)
        for t in range(NBUF):
            put_wait(G - NBUF + t, t)

    kern = pl.kernel(
        body,
        out_type=jax.ShapeDtypeStruct((B, D_MODEL), jnp.float32),
        mesh=mesh,
        compiler_params=pltpu.CompilerParams(use_tc_tiling_on_sc=False),
        scratch_types=[
            pltpu.VMEM((G, CHUNK), jnp.int32),
            [pltpu.VMEM((CHUNK, D_MODEL), jnp.float32)] * NBUF,
            [pltpu.VMEM((CHUNK, D_MODEL), jnp.float32)] * NBUF,
            [pltpu.SemaphoreType.DMA] * NBUF,
            [pltpu.SemaphoreType.DMA] * NBUF,
        ],
    )
    return kern, b_per_w


def kernel(x, table):
    I, J = x.shape
    B = x.size
    x_t = x.T.astype(jnp.int32)
    kern, b_per_w = _sc_gather(B)
    idx = x_t.reshape(NW, b_per_w // CHUNK, CHUNK)
    g2 = kern(table, idx).reshape(J, I, D_MODEL)
    return jnp.transpose(g2, (1, 0, 2))

# --- scband reference (transcript-rebuilt; emitter-appended) ---
"""Pipeline reference for scband-embeddings-9715216024025 (READ-ONLY COPY).

The authoritative reference and input builder live on the scoring server;
editing this copy changes nothing except your own understanding.
"""

import math
import jax, jax.numpy as jnp
import numpy as np

VOCAB = 1000000
D_MODEL = 64
COEFF = math.sqrt(D_MODEL)

def setup_inputs(seed: int = 0) -> dict:
    key = jax.random.key(seed)
    k1, k2 = jax.random.split(key)
    x = jax.random.randint(k1, (4096, 200), 0, VOCAB, dtype=jnp.int64 if jax.config.jax_enable_x64 else jnp.int32)
    table = jax.random.normal(k2, (VOCAB, D_MODEL), dtype=jnp.float32) * 0.02
    return {"x": x, "table": table}

def reference(x, table):
    # nn.Embedding lookup -> gather rows, then scale by sqrt(d_model)
    emb = jnp.take(table, x, axis=0)
    return emb * COEFF

if __name__ == "__main__":
    import jax
    _d = setup_inputs()
    print(jax.jit(kernel)(*tuple(_d.values())))

</pallas_src>

<mosaic_0001>
#map = affine_map<(d0, d1) -> (0, 0)>
#map1 = affine_map<(d0, d1) -> (0, 0, 0)>
module attributes {stable_mosaic.version = 14 : i64} {
  func.func @body(%arg0: i32, %arg1: i32, %arg2: memref<1000000x64xf32, #tpu.memory_space<hbm>>, %arg3: memref<32x200x128xi32, #tpu.memory_space<hbm>>, %arg4: memref<819200x64xf32, #tpu.memory_space<hbm>>, %arg5: memref<200x128xi32, #tpu.memory_space<vmem>>, %arg6: memref<128x64xf32, #tpu.memory_space<vmem>>, %arg7: memref<128x64xf32, #tpu.memory_space<vmem>>, %arg8: memref<128x64xf32, #tpu.memory_space<vmem>>, %arg9: memref<128x64xf32, #tpu.memory_space<vmem>>, %arg10: memref<128x64xf32, #tpu.memory_space<vmem>>, %arg11: memref<128x64xf32, #tpu.memory_space<vmem>>, %arg12: memref<128x64xf32, #tpu.memory_space<vmem>>, %arg13: memref<128x64xf32, #tpu.memory_space<vmem>>, %arg14: memref<!tpu.dma_semaphore, #tpu.memory_space<semaphore_mem>>, %arg15: memref<!tpu.dma_semaphore, #tpu.memory_space<semaphore_mem>>, %arg16: memref<!tpu.dma_semaphore, #tpu.memory_space<semaphore_mem>>, %arg17: memref<!tpu.dma_semaphore, #tpu.memory_space<semaphore_mem>>, %arg18: memref<!tpu.dma_semaphore, #tpu.memory_space<semaphore_mem>>, %arg19: memref<!tpu.dma_semaphore, #tpu.memory_space<semaphore_mem>>, %arg20: memref<!tpu.dma_semaphore, #tpu.memory_space<semaphore_mem>>, %arg21: memref<!tpu.dma_semaphore, #tpu.memory_space<semaphore_mem>>) attributes {dimension_semantics = [#tpu.dimension_semantics<core_parallel>, #tpu.dimension_semantics<subcore_parallel>], iteration_bounds = array<i64: 2, 16>, scalar_prefetch = 0 : i64, scratch_operands = 17 : i64, tpu.core_type = #tpu.core_type<sc_vector_subcore>, window_params = [{transform_indices = #map}, {transform_indices = #map1}, {transform_indices = #map}]} {
    %mul3A = arith.constant 2 : i32
    %mul3A_0 = arith.muli %arg1, %mul3A : i32
    %add3A = arith.addi %mul3A_0, %arg0 : i32
    %mul3A_1 = arith.constant 25600 : i32
    %mul3A_2 = arith.muli %add3A, %mul3A_1 : i32
    "tpu.region"() ({
      %run_scoped3A = tpu.sem_alloc : memref<!tpu.dma_semaphore, #tpu.memory_space<semaphore_mem>>
      %dma_start3A_237 = arith.constant 0 : i32
      %dma_start3A_238 = arith.constant 0 : i32
      %dma_start3A_239 = tpu.memref_slice %arg3[%add3A, %dma_start3A_237, %dma_start3A_238] : memref<32x200x128xi32, #tpu.memory_space<hbm>> -> memref<1x200x128xi32, #tpu.memory_space<hbm>>
      %dma_start3A_240 = tpu.memref_squeeze %dma_start3A_239 : memref<1x200x128xi32, #tpu.memory_space<hbm>> -> memref<200x128xi32, #tpu.memory_space<hbm>>
      %dma_start3A_241 = arith.constant 0 : i32
      %dma_start3A_242 = arith.constant 0 : i32
      %dma_start3A_243 = tpu.memref_slice %arg3[%add3A, %dma_start3A_241, %dma_start3A_242] : memref<32x200x128xi32, #tpu.memory_space<hbm>> -> memref<1x200x128xi32, #tpu.memory_space<hbm>>
      %dma_start3A_244 = tpu.memref_squeeze %dma_start3A_243 : memref<1x200x128xi32, #tpu.memory_space<hbm>> -> memref<200x128xi32, #tpu.memory_space<hbm>>
      tpu.enqueue_dma source(%dma_start3A_244 : memref<200x128xi32, #tpu.memory_space<hbm>>) target(%arg5 : memref<200x128xi32, #tpu.memory_space<vmem>>) target_semaphore(%run_scoped3A : memref<!tpu.dma_semaphore, #tpu.memory_space<semaphore_mem>>)
      %dma_wait3A_245 = arith.constant 0 : i32
      %dma_wait3A_246 = arith.constant 0 : i32
      %dma_wait3A_247 = tpu.memref_slice %arg3[%add3A, %dma_wait3A_245, %dma_wait3A_246] : memref<32x200x128xi32, #tpu.memory_space<hbm>> -> memref<1x200x128xi32, #tpu.memory_space<hbm>>
      %dma_wait3A_248 = tpu.memref_squeeze %dma_wait3A_247 : memref<1x200x128xi32, #tpu.memory_space<hbm>> -> memref<200x128xi32, #tpu.memory_space<hbm>>
      %dma_wait3A_249 = arith.constant 0 : i32
      %dma_wait3A_250 = arith.constant 0 : i32
      %dma_wait3A_251 = tpu.memref_slice %arg3[%add3A, %dma_wait3A_249, %dma_wait3A_250] : memref<32x200x128xi32, #tpu.memory_space<hbm>> -> memref<1x200x128xi32, #tpu.memory_space<hbm>>
      %dma_wait3A_252 = tpu.memref_squeeze %dma_wait3A_251 : memref<1x200x128xi32, #tpu.memory_space<hbm>> -> memref<200x128xi32, #tpu.memory_space<hbm>>
      tpu.wait_dma2 semaphore(%run_scoped3A : memref<!tpu.dma_semaphore, #tpu.memory_space<semaphore_mem>>) src(%dma_wait3A_252 : memref<200x128xi32, #tpu.memory_space<hbm>>) dst(%arg5 : memref<200x128xi32, #tpu.memory_space<vmem>>)
      tpu.yield
    }) : () -> ()
    %dma_start3A = arith.constant 0 : i32
    %dma_start3A_3 = arith.constant 0 : i32
    %dma_start3A_4 = tpu.memref_slice %arg5[%dma_start3A, %dma_start3A_3] : memref<200x128xi32, #tpu.memory_space<vmem>> -> memref<1x128xi32, #tpu.memory_space<vmem>>
    %dma_start3A_5 = tpu.memref_squeeze %dma_start3A_4 : memref<1x128xi32, #tpu.memory_space<vmem>> -> memref<128xi32, #tpu.memory_space<vmem>>
    %dma_start3A_6 = arith.constant 0 : i32
    %dma_start3A_7 = arith.constant 0 : i32
    %dma_start3A_8 = tpu.memref_slice %arg2[%dma_start3A_6, %dma_start3A_7] : memref<1000000x64xf32, #tpu.memory_space<hbm>> -> memref<1000000x64xf32, #tpu.memory_space<hbm>>
    tpu.enqueue_indirect_dma source(%dma_start3A_8 : memref<1000000x64xf32, #tpu.memory_space<hbm>>) target(%arg6 : memref<128x64xf32, #tpu.memory_space<vmem>>) offsets(%dma_start3A_5 : memref<128xi32, #tpu.memory_space<vmem>>) semaphore(%arg14 : memref<!tpu.dma_semaphore, #tpu.memory_space<semaphore_mem>>)
    %dma_start3A_9 = arith.constant 1 : i32
    %dma_start3A_10 = arith.constant 0 : i32
    %dma_start3A_11 = tpu.memref_slice %arg5[%dma_start3A_9, %dma_start3A_10] : memref<200x128xi32, #tpu.memory_space<vmem>> -> memref<1x128xi32, #tpu.memory_space<vmem>>
    %dma_start3A_12 = tpu.memref_squeeze %dma_start3A_11 : memref<1x128xi32, #tpu.memory_space<vmem>> -> memref<128xi32, #tpu.memory_space<vmem>>
    %dma_start3A_13 = arith.constant 0 : i32
    %dma_start3A_14 = arith.constant 0 : i32
    %dma_start3A_15 = tpu.memref_slice %arg2[%dma_start3A_13, %dma_start3A_14] : memref<1000000x64xf32, #tpu.memory_space<hbm>> -> memref<1000000x64xf32, #tpu.memory_space<hbm>>
    tpu.enqueue_indirect_dma source(%dma_start3A_15 : memref<1000000x64xf32, #tpu.memory_space<hbm>>) target(%arg7 : memref<128x64xf32, #tpu.memory_space<vmem>>) offsets(%dma_start3A_12 : memref<128xi32, #tpu.memory_space<vmem>>) semaphore(%arg15 : memref<!tpu.dma_semaphore, #tpu.memory_space<semaphore_mem>>)
    %dma_start3A_16 = arith.constant 2 : i32
    %dma_start3A_17 = arith.constant 0 : i32
    %dma_start3A_18 = tpu.memref_slice %arg5[%dma_start3A_16, %dma_start3A_17] : memref<200x128xi32, #tpu.memory_space<vmem>> -> memref<1x128xi32, #tpu.memory_space<vmem>>
    %dma_start3A_19 = tpu.memref_squeeze %dma_start3A_18 : memref<1x128xi32, #tpu.memory_space<vmem>> -> memref<128xi32, #tpu.memory_space<vmem>>
    %dma_start3A_20 = arith.constant 0 : i32
    %dma_start3A_21 = arith.constant 0 : i32
    %dma_start3A_22 = tpu.memref_slice %arg2[%dma_start3A_20, %dma_start3A_21] : memref<1000000x64xf32, #tpu.memory_space<hbm>> -> memref<1000000x64xf32, #tpu.memory_space<hbm>>
    tpu.enqueue_indirect_dma source(%dma_start3A_22 : memref<1000000x64xf32, #tpu.memory_space<hbm>>) target(%arg8 : memref<128x64xf32, #tpu.memory_space<vmem>>) offsets(%dma_start3A_19 : memref<128xi32, #tpu.memory_space<vmem>>) semaphore(%arg16 : memref<!tpu.dma_semaphore, #tpu.memory_space<semaphore_mem>>)
    %dma_start3A_23 = arith.constant 3 : i32
    %dma_start3A_24 = arith.constant 0 : i32
    %dma_start3A_25 = tpu.memref_slice %arg5[%dma_start3A_23, %dma_start3A_24] : memref<200x128xi32, #tpu.memory_space<vmem>> -> memref<1x128xi32, #tpu.memory_space<vmem>>
    %dma_start3A_26 = tpu.memref_squeeze %dma_start3A_25 : memref<1x128xi32, #tpu.memory_space<vmem>> -> memref<128xi32, #tpu.memory_space<vmem>>
    %dma_start3A_27 = arith.constant 0 : i32
    %dma_start3A_28 = arith.constant 0 : i32
    %dma_start3A_29 = tpu.memref_slice %arg2[%dma_start3A_27, %dma_start3A_28] : memref<1000000x64xf32, #tpu.memory_space<hbm>> -> memref<1000000x64xf32, #tpu.memory_space<hbm>>
    tpu.enqueue_indirect_dma source(%dma_start3A_29 : memref<1000000x64xf32, #tpu.memory_space<hbm>>) target(%arg9 : memref<128x64xf32, #tpu.memory_space<vmem>>) offsets(%dma_start3A_26 : memref<128xi32, #tpu.memory_space<vmem>>) semaphore(%arg17 : memref<!tpu.dma_semaphore, #tpu.memory_space<semaphore_mem>>)
    %dma_wait3A = arith.constant 0 : i32
    %dma_wait3A_30 = arith.constant 0 : i32
    %dma_wait3A_31 = tpu.memref_slice %arg5[%dma_wait3A, %dma_wait3A_30] : memref<200x128xi32, #tpu.memory_space<vmem>> -> memref<1x128xi32, #tpu.memory_space<vmem>>
    %dma_wait3A_32 = tpu.memref_squeeze %dma_wait3A_31 : memref<1x128xi32, #tpu.memory_space<vmem>> -> memref<128xi32, #tpu.memory_space<vmem>>
    %dma_wait3A_33 = arith.constant 0 : i32
    %dma_wait3A_34 = arith.constant 0 : i32
    %dma_wait3A_35 = tpu.memref_slice %arg2[%dma_wait3A_33, %dma_wait3A_34] : memref<1000000x64xf32, #tpu.memory_space<hbm>> -> memref<1000000x64xf32, #tpu.memory_space<hbm>>
    tpu.wait_indirect_dma semaphore(%arg14 : memref<!tpu.dma_semaphore, #tpu.memory_space<semaphore_mem>>) src(%dma_wait3A_35 : memref<1000000x64xf32, #tpu.memory_space<hbm>>) dst(%arg6 : memref<128x64xf32, #tpu.memory_space<vmem>>)
    %parallel_loop3A = arith.constant 0 : i32
    %parallel_loop3A_36 = arith.constant 128 : i32
    %parallel_loop3A_37 = arith.constant 1 : i32
    scf.for %parallel_loop3A_237 = %parallel_loop3A to %parallel_loop3A_36 step %parallel_loop3A_37  : i32 {
      %parallel_loop3A_238 = arith.index_cast %parallel_loop3A_237 : i32 to index
      %parallel_loop3A_239 = arith.constant 0 : index
      %parallel_loop3A_240 = tpu.vector_load %arg6[%parallel_loop3A_238, %parallel_loop3A_239] {strides = array<i32>} : memref<128x64xf32, #tpu.memory_space<vmem>>, vector<1x16xf32>,
      %parallel_loop3A_241 = vector.shape_cast %parallel_loop3A_240 : vector<1x16xf32> to vector<16xf32>
      %parallel_loop3A_242 = arith.constant 8.000000e+00 : f32
      %parallel_loop3A_243 = vector.broadcast %parallel_loop3A_242 : f32 to vector<16xf32>
      %parallel_loop3A_244 = arith.mulf %parallel_loop3A_241, %parallel_loop3A_243 : vector<16xf32>
      %parallel_loop3A_245 = arith.index_cast %parallel_loop3A_237 : i32 to index
      %parallel_loop3A_246 = arith.constant 0 : index
      %parallel_loop3A_247 = tpu.vector_load %arg10[%parallel_loop3A_245, %parallel_loop3A_246] {strides = array<i32>} : memref<128x64xf32, #tpu.memory_space<vmem>>, vector<1x16xf32>,
      %parallel_loop3A_248 = vector.shape_cast %parallel_loop3A_247 : vector<1x16xf32> to vector<16xf32>
      %parallel_loop3A_249 = vector.shape_cast %parallel_loop3A_244 : vector<16xf32> to vector<1x16xf32>
      tpu.vector_store %arg10[%parallel_loop3A_245, %parallel_loop3A_246], %parallel_loop3A_249 {strides = array<i32>} : memref<128x64xf32, #tpu.memory_space<vmem>>, vector<1x16xf32>,
      %parallel_loop3A_250 = arith.index_cast %parallel_loop3A_237 : i32 to index
      %parallel_loop3A_251 = arith.constant 16 : index
      %parallel_loop3A_252 = tpu.vector_load %arg6[%parallel_loop3A_250, %parallel_loop3A_251] {strides = array<i32>} : memref<128x64xf32, #tpu.memory_space<vmem>>, vector<1x16xf32>,
      %parallel_loop3A_253 = vector.shape_cast %parallel_loop3A_252 : vector<1x16xf32> to vector<16xf32>
      %parallel_loop3A_254 = arith.constant 8.000000e+00 : f32
      %parallel_loop3A_255 = vector.broadcast %parallel_loop3A_254 : f32 to vector<16xf32>
      %parallel_loop3A_256 = arith.mulf %parallel_loop3A_253, %parallel_loop3A_255 : vector<16xf32>
      %parallel_loop3A_257 = arith.index_cast %parallel_loop3A_237 : i32 to index
      %parallel_loop3A_258 = arith.constant 16 : index
      %parallel_loop3A_259 = tpu.vector_load %arg10[%parallel_loop3A_257, %parallel_loop3A_258] {strides = array<i32>} : memref<128x64xf32, #tpu.memory_space<vmem>>, vector<1x16xf32>,
      %parallel_loop3A_260 = vector.shape_cast %parallel_loop3A_259 : vector<1x16xf32> to vector<16xf32>
      %parallel_loop3A_261 = vector.shape_cast %parallel_loop3A_256 : vector<16xf32> to vector<1x16xf32>
      tpu.vector_store %arg10[%parallel_loop3A_257, %parallel_loop3A_258], %parallel_loop3A_261 {strides = array<i32>} : memref<128x64xf32, #tpu.memory_space<vmem>>, vector<1x16xf32>,
      %parallel_loop3A_262 = arith.index_cast %parallel_loop3A_237 : i32 to index
      %parallel_loop3A_263 = arith.constant 32 : index
      %parallel_loop3A_264 = tpu.vector_load %arg6[%parallel_loop3A_262, %parallel_loop3A_263] {strides = array<i32>} : memref<128x64xf32, #tpu.memory_space<vmem>>, vector<1x16xf32>,
      %parallel_loop3A_265 = vector.shape_cast %parallel_loop3A_264 : vector<1x16xf32> to vector<16xf32>
      %parallel_loop3A_266 = arith.constant 8.000000e+00 : f32
      %parallel_loop3A_267 = vector.broadcast %parallel_loop3A_266 : f32 to vector<16xf32>
      %parallel_loop3A_268 = arith.mulf %parallel_loop3A_265, %parallel_loop3A_267 : vector<16xf32>
      %parallel_loop3A_269 = arith.index_cast %parallel_loop3A_237 : i32 to index
      %parallel_loop3A_270 = arith.constant 32 : index
      %parallel_loop3A_271 = tpu.vector_load %arg10[%parallel_loop3A_269, %parallel_loop3A_270] {strides = array<i32>} : memref<128x64xf32, #tpu.memory_space<vmem>>, vector<1x16xf32>,
      %parallel_loop3A_272 = vector.shape_cast %parallel_loop3A_271 : vector<1x16xf32> to vector<16xf32>
      %parallel_loop3A_273 = vector.shape_cast %parallel_loop3A_268 : vector<16xf32> to vector<1x16xf32>
      tpu.vector_store %arg10[%parallel_loop3A_269, %parallel_loop3A_270], %parallel_loop3A_273 {strides = array<i32>} : memref<128x64xf32, #tpu.memory_space<vmem>>, vector<1x16xf32>,
      %parallel_loop3A_274 = arith.index_cast %parallel_loop3A_237 : i32 to index
      %parallel_loop3A_275 = arith.constant 48 : index
      %parallel_loop3A_276 = tpu.vector_load %arg6[%parallel_loop3A_274, %parallel_loop3A_275] {strides = array<i32>} : memref<128x64xf32, #tpu.memory_space<vmem>>, vector<1x16xf32>,
      %parallel_loop3A_277 = vector.shape_cast %parallel_loop3A_276 : vector<1x16xf32> to vector<16xf32>
      %parallel_loop3A_278 = arith.constant 8.000000e+00 : f32
      %parallel_loop3A_279 = vector.broadcast %parallel_loop3A_278 : f32 to vector<16xf32>
      %parallel_loop3A_280 = arith.mulf %parallel_loop3A_277, %parallel_loop3A_279 : vector<16xf32>
      %parallel_loop3A_281 = arith.index_cast %parallel_loop3A_237 : i32 to index
      %parallel_loop3A_282 = arith.constant 48 : index
      %parallel_loop3A_283 = tpu.vector_load %arg10[%parallel_loop3A_281, %parallel_loop3A_282] {strides = array<i32>} : memref<128x64xf32, #tpu.memory_space<vmem>>, vector<1x16xf32>,
      %parallel_loop3A_284 = vector.shape_cast %parallel_loop3A_283 : vector<1x16xf32> to vector<16xf32>
      %parallel_loop3A_285 = vector.shape_cast %parallel_loop3A_280 : vector<16xf32> to vector<1x16xf32>
      tpu.vector_store %arg10[%parallel_loop3A_281, %parallel_loop3A_282], %parallel_loop3A_285 {strides = array<i32>} : memref<128x64xf32, #tpu.memory_space<vmem>>, vector<1x16xf32>,
    } {sc.loop_unroll_factor = 8 : i64, sc.parallel_access}
    %add3A_38 = arith.constant 0 : i32
    %add3A_39 = arith.addi %mul3A_2, %add3A_38 : i32
    %dma_start3A_40 = arith.constant 0 : i32
    %dma_start3A_41 = tpu.memref_slice %arg4[%add3A_39, %dma_start3A_40] : memref<819200x64xf32, #tpu.memory_space<hbm>> -> memref<128x64xf32, #tpu.memory_space<hbm>>
    %dma_start3A_42 = arith.constant 0 : i32
    %dma_start3A_43 = tpu.memref_slice %arg4[%add3A_39, %dma_start3A_42] : memref<819200x64xf32, #tpu.memory_space<hbm>> -> memref<128x64xf32, #tpu.memory_space<hbm>>
    tpu.enqueue_dma source(%arg10 : memref<128x64xf32, #tpu.memory_space<vmem>>) target(%dma_start3A_43 : memref<128x64xf32, #tpu.memory_space<hbm>>) target_semaphore(%arg18 : memref<!tpu.dma_semaphore, #tpu.memory_space<semaphore_mem>>)
    %dma_start3A_44 = arith.constant 4 : i32
    %dma_start3A_45 = arith.constant 0 : i32
    %dma_start3A_46 = tpu.memref_slice %arg5[%dma_start3A_44, %dma_start3A_45] : memref<200x128xi32, #tpu.memory_space<vmem>> -> memref<1x128xi32, #tpu.memory_space<vmem>>
    %dma_start3A_47 = tpu.memref_squeeze %dma_start3A_46 : memref<1x128xi32, #tpu.memory_space<vmem>> -> memref<128xi32, #tpu.memory_space<vmem>>
    %dma_start3A_48 = arith.constant 0 : i32
    %dma_start3A_49 = arith.constant 0 : i32
    %dma_start3A_50 = tpu.memref_slice %arg2[%dma_start3A_48, %dma_start3A_49] : memref<1000000x64xf32, #tpu.memory_space<hbm>> -> memref<1000000x64xf32, #tpu.memory_space<hbm>>
    tpu.enqueue_indirect_dma source(%dma_start3A_50 : memref<1000000x64xf32, #tpu.memory_space<hbm>>) target(%arg6 : memref<128x64xf32, #tpu.memory_space<vmem>>) offsets(%dma_start3A_47 : memref<128xi32, #tpu.memory_space<vmem>>) semaphore(%arg14 : memref<!tpu.dma_semaphore, #tpu.memory_space<semaphore_mem>>)
    %dma_wait3A_51 = arith.constant 1 : i32
    %dma_wait3A_52 = arith.constant 0 : i32
    %dma_wait3A_53 = tpu.memref_slice %arg5[%dma_wait3A_51, %dma_wait3A_52] : memref<200x128xi32, #tpu.memory_space<vmem>> -> memref<1x128xi32, #tpu.memory_space<vmem>>
    %dma_wait3A_54 = tpu.memref_squeeze %dma_wait3A_53 : memref<1x128xi32, #tpu.memory_space<vmem>> -> memref<128xi32, #tpu.memory_space<vmem>>
    %dma_wait3A_55 = arith.constant 0 : i32
    %dma_wait3A_56 = arith.constant 0 : i32
    %dma_wait3A_57 = tpu.memref_slice %arg2[%dma_wait3A_55, %dma_wait3A_56] : memref<1000000x64xf32, #tpu.memory_space<hbm>> -> memref<1000000x64xf32, #tpu.memory_space<hbm>>
    tpu.wait_indirect_dma semaphore(%arg15 : memref<!tpu.dma_semaphore, #tpu.memory_space<semaphore_mem>>) src(%dma_wait3A_57 : memref<1000000x64xf32, #tpu.memory_space<hbm>>) dst(%arg7 : memref<128x64xf32, #tpu.memory_space<vmem>>)
    %parallel_loop3A_58 = arith.constant 0 : i32
    %parallel_loop3A_59 = arith.constant 128 : i32
    %parallel_loop3A_60 = arith.constant 1 : i32
    scf.for %parallel_loop3A_237 = %parallel_loop3A_58 to %parallel_loop3A_59 step %parallel_loop3A_60  : i32 {
      %parallel_loop3A_238 = arith.index_cast %parallel_loop3A_237 : i32 to index
      %parallel_loop3A_239 = arith.constant 0 : index
      %parallel_loop3A_240 = tpu.vector_load %arg7[%parallel_loop3A_238, %parallel_loop3A_239] {strides = array<i32>} : memref<128x64xf32, #tpu.memory_space<vmem>>, vector<1x16xf32>,
      %parallel_loop3A_241 = vector.shape_cast %parallel_loop3A_240 : vector<1x16xf32> to vector<16xf32>
      %parallel_loop3A_242 = arith.constant 8.000000e+00 : f32
      %parallel_loop3A_243 = vector.broadcast %parallel_loop3A_242 : f32 to vector<16xf32>
      %parallel_loop3A_244 = arith.mulf %parallel_loop3A_241, %parallel_loop3A_243 : vector<16xf32>
      %parallel_loop3A_245 = arith.index_cast %parallel_loop3A_237 : i32 to index
      %parallel_loop3A_246 = arith.constant 0 : index
      %parallel_loop3A_247 = tpu.vector_load %arg11[%parallel_loop3A_245, %parallel_loop3A_246] {strides = array<i32>} : memref<128x64xf32, #tpu.memory_space<vmem>>, vector<1x16xf32>,
      %parallel_loop3A_248 = vector.shape_cast %parallel_loop3A_247 : vector<1x16xf32> to vector<16xf32>
      %parallel_loop3A_249 = vector.shape_cast %parallel_loop3A_244 : vector<16xf32> to vector<1x16xf32>
      tpu.vector_store %arg11[%parallel_loop3A_245, %parallel_loop3A_246], %parallel_loop3A_249 {strides = array<i32>} : memref<128x64xf32, #tpu.memory_space<vmem>>, vector<1x16xf32>,
      %parallel_loop3A_250 = arith.index_cast %parallel_loop3A_237 : i32 to index
      %parallel_loop3A_251 = arith.constant 16 : index
      %parallel_loop3A_252 = tpu.vector_load %arg7[%parallel_loop3A_250, %parallel_loop3A_251] {strides = array<i32>} : memref<128x64xf32, #tpu.memory_space<vmem>>, vector<1x16xf32>,
      %parallel_loop3A_253 = vector.shape_cast %parallel_loop3A_252 : vector<1x16xf32> to vector<16xf32>
      %parallel_loop3A_254 = arith.constant 8.000000e+00 : f32
      %parallel_loop3A_255 = vector.broadcast %parallel_loop3A_254 : f32 to vector<16xf32>
      %parallel_loop3A_256 = arith.mulf %parallel_loop3A_253, %parallel_loop3A_255 : vector<16xf32>
      %parallel_loop3A_257 = arith.index_cast %parallel_loop3A_237 : i32 to index
      %parallel_loop3A_258 = arith.constant 16 : index
      %parallel_loop3A_259 = tpu.vector_load %arg11[%parallel_loop3A_257, %parallel_loop3A_258] {strides = array<i32>} : memref<128x64xf32, #tpu.memory_space<vmem>>, vector<1x16xf32>,
      %parallel_loop3A_260 = vector.shape_cast %parallel_loop3A_259 : vector<1x16xf32> to vector<16xf32>
      %parallel_loop3A_261 = vector.shape_cast %parallel_loop3A_256 : vector<16xf32> to vector<1x16xf32>
      tpu.vector_store %arg11[%parallel_loop3A_257, %parallel_loop3A_258], %parallel_loop3A_261 {strides = array<i32>} : memref<128x64xf32, #tpu.memory_space<vmem>>, vector<1x16xf32>,
      %parallel_loop3A_262 = arith.index_cast %parallel_loop3A_237 : i32 to index
      %parallel_loop3A_263 = arith.constant 32 : index
      %parallel_loop3A_264 = tpu.vector_load %arg7[%parallel_loop3A_262, %parallel_loop3A_263] {strides = array<i32>} : memref<128x64xf32, #tpu.memory_space<vmem>>, vector<1x16xf32>,
      %parallel_loop3A_265 = vector.shape_cast %parallel_loop3A_264 : vector<1x16xf32> to vector<16xf32>
      %parallel_loop3A_266 = arith.constant 8.000000e+00 : f32
      %parallel_loop3A_267 = vector.broadcast %parallel_loop3A_266 : f32 to vector<16xf32>
      %parallel_loop3A_268 = arith.mulf %parallel_loop3A_265, %parallel_loop3A_267 : vector<16xf32>
      %parallel_loop3A_269 = arith.index_cast %parallel_loop3A_237 : i32 to index
      %parallel_loop3A_270 = arith.constant 32 : index
      %parallel_loop3A_271 = tpu.vector_load %arg11[%parallel_loop3A_269, %parallel_loop3A_270] {strides = array<i32>} : memref<128x64xf32, #tpu.memory_space<vmem>>, vector<1x16xf32>,
      %parallel_loop3A_272 = vector.shape_cast %parallel_loop3A_271 : vector<1x16xf32> to vector<16xf32>
      %parallel_loop3A_273 = vector.shape_cast %parallel_loop3A_268 : vector<16xf32> to vector<1x16xf32>
      tpu.vector_store %arg11[%parallel_loop3A_269, %parallel_loop3A_270], %parallel_loop3A_273 {strides = array<i32>} : memref<128x64xf32, #tpu.memory_space<vmem>>, vector<1x16xf32>,
      %parallel_loop3A_274 = arith.index_cast %parallel_loop3A_237 : i32 to index
      %parallel_loop3A_275 = arith.constant 48 : index
      %parallel_loop3A_276 = tpu.vector_load %arg7[%parallel_loop3A_274, %parallel_loop3A_275] {strides = array<i32>} : memref<128x64xf32, #tpu.memory_space<vmem>>, vector<1x16xf32>,
      %parallel_loop3A_277 = vector.shape_cast %parallel_loop3A_276 : vector<1x16xf32> to vector<16xf32>
      %parallel_loop3A_278 = arith.constant 8.000000e+00 : f32
      %parallel_loop3A_279 = vector.broadcast %parallel_loop3A_278 : f32 to vector<16xf32>
      %parallel_loop3A_280 = arith.mulf %parallel_loop3A_277, %parallel_loop3A_279 : vector<16xf32>
      %parallel_loop3A_281 = arith.index_cast %parallel_loop3A_237 : i32 to index
      %parallel_loop3A_282 = arith.constant 48 : index
      %parallel_loop3A_283 = tpu.vector_load %arg11[%parallel_loop3A_281, %parallel_loop3A_282] {strides = array<i32>} : memref<128x64xf32, #tpu.memory_space<vmem>>, vector<1x16xf32>,
      %parallel_loop3A_284 = vector.shape_cast %parallel_loop3A_283 : vector<1x16xf32> to vector<16xf32>
      %parallel_loop3A_285 = vector.shape_cast %parallel_loop3A_280 : vector<16xf32> to vector<1x16xf32>
      tpu.vector_store %arg11[%parallel_loop3A_281, %parallel_loop3A_282], %parallel_loop3A_285 {strides = array<i32>} : memref<128x64xf32, #tpu.memory_space<vmem>>, vector<1x16xf32>,
    } {sc.loop_unroll_factor = 8 : i64, sc.parallel_access}
    %add3A_61 = arith.constant 128 : i32
    %add3A_62 = arith.addi %mul3A_2, %add3A_61 : i32
    %dma_start3A_63 = arith.constant 0 : i32
    %dma_start3A_64 = tpu.memref_slice %arg4[%add3A_62, %dma_start3A_63] : memref<819200x64xf32, #tpu.memory_space<hbm>> -> memref<128x64xf32, #tpu.memory_space<hbm>>
    %dma_start3A_65 = arith.constant 0 : i32
    %dma_start3A_66 = tpu.memref_slice %arg4[%add3A_62, %dma_start3A_65] : memref<819200x64xf32, #tpu.memory_space<hbm>> -> memref<128x64xf32, #tpu.memory_space<hbm>>
    tpu.enqueue_dma source(%arg11 : memref<128x64xf32, #tpu.memory_space<vmem>>) target(%dma_start3A_66 : memref<128x64xf32, #tpu.memory_space<hbm>>) target_semaphore(%arg19 : memref<!tpu.dma_semaphore, #tpu.memory_space<semaphore_mem>>)
    %dma_start3A_67 = arith.constant 5 : i32
    %dma_start3A_68 = arith.constant 0 : i32
    %dma_start3A_69 = tpu.memref_slice %arg5[%dma_start3A_67, %dma_start3A_68] : memref<200x128xi32, #tpu.memory_space<vmem>> -> memref<1x128xi32, #tpu.memory_space<vmem>>
    %dma_start3A_70 = tpu.memref_squeeze %dma_start3A_69 : memref<1x128xi32, #tpu.memory_space<vmem>> -> memref<128xi32, #tpu.memory_space<vmem>>
    %dma_start3A_71 = arith.constant 0 : i32
    %dma_start3A_72 = arith.constant 0 : i32
    %dma_start3A_73 = tpu.memref_slice %arg2[%dma_start3A_71, %dma_start3A_72] : memref<1000000x64xf32, #tpu.memory_space<hbm>> -> memref<1000000x64xf32, #tpu.memory_space<hbm>>
    tpu.enqueue_indirect_dma source(%dma_start3A_73 : memref<1000000x64xf32, #tpu.memory_space<hbm>>) target(%arg7 : memref<128x64xf32, #tpu.memory_space<vmem>>) offsets(%dma_start3A_70 : memref<128xi32, #tpu.memory_space<vmem>>) semaphore(%arg15 : memref<!tpu.dma_semaphore, #tpu.memory_space<semaphore_mem>>)
    %dma_wait3A_74 = arith.constant 2 : i32
    %dma_wait3A_75 = arith.constant 0 : i32
    %dma_wait3A_76 = tpu.memref_slice %arg5[%dma_wait3A_74, %dma_wait3A_75] : memref<200x128xi32, #tpu.memory_space<vmem>> -> memref<1x128xi32, #tpu.memory_space<vmem>>
    %dma_wait3A_77 = tpu.memref_squeeze %dma_wait3A_76 : memref<1x128xi32, #tpu.memory_space<vmem>> -> memref<128xi32, #tpu.memory_space<vmem>>
    %dma_wait3A_78 = arith.constant 0 : i32
    %dma_wait3A_79 = arith.constant 0 : i32
    %dma_wait3A_80 = tpu.memref_slice %arg2[%dma_wait3A_78, %dma_wait3A_79] : memref<1000000x64xf32, #tpu.memory_space<hbm>> -> memref<1000000x64xf32, #tpu.memory_space<hbm>>
    tpu.wait_indirect_dma semaphore(%arg16 : memref<!tpu.dma_semaphore, #tpu.memory_space<semaphore_mem>>) src(%dma_wait3A_80 : memref<1000000x64xf32, #tpu.memory_space<hbm>>) dst(%arg8 : memref<128x64xf32, #tpu.memory_space<vmem>>)
    %parallel_loop3A_81 = arith.constant 0 : i32
    %parallel_loop3A_82 = arith.constant 128 : i32
    %parallel_loop3A_83 = arith.constant 1 : i32
    scf.for %parallel_loop3A_237 = %parallel_loop3A_81 to %parallel_loop3A_82 step %parallel_loop3A_83  : i32 {
      %parallel_loop3A_238 = arith.index_cast %parallel_loop3A_237 : i32 to index
      %parallel_loop3A_239 = arith.constant 0 : index
      %parallel_loop3A_240 = tpu.vector_load %arg8[%parallel_loop3A_238, %parallel_loop3A_239] {strides = array<i32>} : memref<128x64xf32, #tpu.memory_space<vmem>>, vector<1x16xf32>,
      %parallel_loop3A_241 = vector.shape_cast %parallel_loop3A_240 : vector<1x16xf32> to vector<16xf32>
      %parallel_loop3A_242 = arith.constant 8.000000e+00 : f32
      %parallel_loop3A_243 = vector.broadcast %parallel_loop3A_242 : f32 to vector<16xf32>
      %parallel_loop3A_244 = arith.mulf %parallel_loop3A_241, %parallel_loop3A_243 : vector<16xf32>
      %parallel_loop3A_245 = arith.index_cast %parallel_loop3A_237 : i32 to index
      %parallel_loop3A_246 = arith.constant 0 : index
      %parallel_loop3A_247 = tpu.vector_load %arg12[%parallel_loop3A_245, %parallel_loop3A_246] {strides = array<i32>} : memref<128x64xf32, #tpu.memory_space<vmem>>, vector<1x16xf32>,
      %parallel_loop3A_248 = vector.shape_cast %parallel_loop3A_247 : vector<1x16xf32> to vector<16xf32>
      %parallel_loop3A_249 = vector.shape_cast %parallel_loop3A_244 : vector<16xf32> to vector<1x16xf32>
      tpu.vector_store %arg12[%parallel_loop3A_245, %parallel_loop3A_246], %parallel_loop3A_249 {strides = array<i32>} : memref<128x64xf32, #tpu.memory_space<vmem>>, vector<1x16xf32>,
      %parallel_loop3A_250 = arith.index_cast %parallel_loop3A_237 : i32 to index
      %parallel_loop3A_251 = arith.constant 16 : index
      %parallel_loop3A_252 = tpu.vector_load %arg8[%parallel_loop3A_250, %parallel_loop3A_251] {strides = array<i32>} : memref<128x64xf32, #tpu.memory_space<vmem>>, vector<1x16xf32>,
      %parallel_loop3A_253 = vector.shape_cast %parallel_loop3A_252 : vector<1x16xf32> to vector<16xf32>
      %parallel_loop3A_254 = arith.constant 8.000000e+00 : f32
      %parallel_loop3A_255 = vector.broadcast %parallel_loop3A_254 : f32 to vector<16xf32>
      %parallel_loop3A_256 = arith.mulf %parallel_loop3A_253, %parallel_loop3A_255 : vector<16xf32>
      %parallel_loop3A_257 = arith.index_cast %parallel_loop3A_237 : i32 to index
      %parallel_loop3A_258 = arith.constant 16 : index
      %parallel_loop3A_259 = tpu.vector_load %arg12[%parallel_loop3A_257, %parallel_loop3A_258] {strides = array<i32>} : memref<128x64xf32, #tpu.memory_space<vmem>>, vector<1x16xf32>,
      %parallel_loop3A_260 = vector.shape_cast %parallel_loop3A_259 : vector<1x16xf32> to vector<16xf32>
      %parallel_loop3A_261 = vector.shape_cast %parallel_loop3A_256 : vector<16xf32> to vector<1x16xf32>
      tpu.vector_store %arg12[%parallel_loop3A_257, %parallel_loop3A_258], %parallel_loop3A_261 {strides = array<i32>} : memref<128x64xf32, #tpu.memory_space<vmem>>, vector<1x16xf32>,
      %parallel_loop3A_262 = arith.index_cast %parallel_loop3A_237 : i32 to index
      %parallel_loop3A_263 = arith.constant 32 : index
      %parallel_loop3A_264 = tpu.vector_load %arg8[%parallel_loop3A_262, %parallel_loop3A_263] {strides = array<i32>} : memref<128x64xf32, #tpu.memory_space<vmem>>, vector<1x16xf32>,
      %parallel_loop3A_265 = vector.shape_cast %parallel_loop3A_264 : vector<1x16xf32> to vector<16xf32>
      %parallel_loop3A_266 = arith.constant 8.000000e+00 : f32
      %parallel_loop3A_267 = vector.broadcast %parallel_loop3A_266 : f32 to vector<16xf32>
      %parallel_loop3A_268 = arith.mulf %parallel_loop3A_265, %parallel_loop3A_267 : vector<16xf32>
      %parallel_loop3A_269 = arith.index_cast %parallel_loop3A_237 : i32 to index
      %parallel_loop3A_270 = arith.constant 32 : index
      %parallel_loop3A_271 = tpu.vector_load %arg12[%parallel_loop3A_269, %parallel_loop3A_270] {strides = array<i32>} : memref<128x64xf32, #tpu.memory_space<vmem>>, vector<1x16xf32>,
      %parallel_loop3A_272 = vector.shape_cast %parallel_loop3A_271 : vector<1x16xf32> to vector<16xf32>
      %parallel_loop3A_273 = vector.shape_cast %parallel_loop3A_268 : vector<16xf32> to vector<1x16xf32>
      tpu.vector_store %arg12[%parallel_loop3A_269, %parallel_loop3A_270], %parallel_loop3A_273 {strides = array<i32>} : memref<128x64xf32, #tpu.memory_space<vmem>>, vector<1x16xf32>,
      %parallel_loop3A_274 = arith.index_cast %parallel_loop3A_237 : i32 to index
      %parallel_loop3A_275 = arith.constant 48 : index
      %parallel_loop3A_276 = tpu.vector_load %arg8[%parallel_loop3A_274, %parallel_loop3A_275] {strides = array<i32>} : memref<128x64xf32, #tpu.memory_space<vmem>>, vector<1x16xf32>,
      %parallel_loop3A_277 = vector.shape_cast %parallel_loop3A_276 : vector<1x16xf32> to vector<16xf32>
      %parallel_loop3A_278 = arith.constant 8.000000e+00 : f32
      %parallel_loop3A_279 = vector.broadcast %parallel_loop3A_278 : f32 to vector<16xf32>
      %parallel_loop3A_280 = arith.mulf %parallel_loop3A_277, %parallel_loop3A_279 : vector<16xf32>
      %parallel_loop3A_281 = arith.index_cast %parallel_loop3A_237 : i32 to index
      %parallel_loop3A_282 = arith.constant 48 : index
      %parallel_loop3A_283 = tpu.vector_load %arg12[%parallel_loop3A_281, %parallel_loop3A_282] {strides = array<i32>} : memref<128x64xf32, #tpu.memory_space<vmem>>, vector<1x16xf32>,
      %parallel_loop3A_284 = vector.shape_cast %parallel_loop3A_283 : vector<1x16xf32> to vector<16xf32>
      %parallel_loop3A_285 = vector.shape_cast %parallel_loop3A_280 : vector<16xf32> to vector<1x16xf32>
      tpu.vector_store %arg12[%parallel_loop3A_281, %parallel_loop3A_282], %parallel_loop3A_285 {strides = array<i32>} : memref<128x64xf32, #tpu.memory_space<vmem>>, vector<1x16xf32>,
    } {sc.loop_unroll_factor = 8 : i64, sc.parallel_access}
    %add3A_84 = arith.constant 256 : i32
    %add3A_85 = arith.addi %mul3A_2, %add3A_84 : i32
    %dma_start3A_86 = arith.constant 0 : i32
    %dma_start3A_87 = tpu.memref_slice %arg4[%add3A_85, %dma_start3A_86] : memref<819200x64xf32, #tpu.memory_space<hbm>> -> memref<128x64xf32, #tpu.memory_space<hbm>>
    %dma_start3A_88 = arith.constant 0 : i32
    %dma_start3A_89 = tpu.memref_slice %arg4[%add3A_85, %dma_start3A_88] : memref<819200x64xf32, #tpu.memory_space<hbm>> -> memref<128x64xf32, #tpu.memory_space<hbm>>
    tpu.enqueue_dma source(%arg12 : memref<128x64xf32, #tpu.memory_space<vmem>>) target(%dma_start3A_89 : memref<128x64xf32, #tpu.memory_space<hbm>>) target_semaphore(%arg20 : memref<!tpu.dma_semaphore, #tpu.memory_space<semaphore_mem>>)
    %dma_start3A_90 = arith.constant 6 : i32
    %dma_start3A_91 = arith.constant 0 : i32
    %dma_start3A_92 = tpu.memref_slice %arg5[%dma_start3A_90, %dma_start3A_91] : memref<200x128xi32, #tpu.memory_space<vmem>> -> memref<1x128xi32, #tpu.memory_space<vmem>>
    %dma_start3A_93 = tpu.memref_squeeze %dma_start3A_92 : memref<1x128xi32, #tpu.memory_space<vmem>> -> memref<128xi32, #tpu.memory_space<vmem>>
    %dma_start3A_94 = arith.constant 0 : i32
    %dma_start3A_95 = arith.constant 0 : i32
    %dma_start3A_96 = tpu.memref_slice %arg2[%dma_start3A_94, %dma_start3A_95] : memref<1000000x64xf32, #tpu.memory_space<hbm>> -> memref<1000000x64xf32, #tpu.memory_space<hbm>>
    tpu.enqueue_indirect_dma source(%dma_start3A_96 : memref<1000000x64xf32, #tpu.memory_space<hbm>>) target(%arg8 : memref<128x64xf32, #tpu.memory_space<vmem>>) offsets(%dma_start3A_93 : memref<128xi32, #tpu.memory_space<vmem>>) semaphore(%arg16 : memref<!tpu.dma_semaphore, #tpu.memory_space<semaphore_mem>>)
    %dma_wait3A_97 = arith.constant 3 : i32
    %dma_wait3A_98 = arith.constant 0 : i32
    %dma_wait3A_99 = tpu.memref_slice %arg5[%dma_wait3A_97, %dma_wait3A_98] : memref<200x128xi32, #tpu.memory_space<vmem>> -> memref<1x128xi32, #tpu.memory_space<vmem>>
    %dma_wait3A_100 = tpu.memref_squeeze %dma_wait3A_99 : memref<1x128xi32, #tpu.memory_space<vmem>> -> memref<128xi32, #tpu.memory_space<vmem>>
    %dma_wait3A_101 = arith.constant 0 : i32
    %dma_wait3A_102 = arith.constant 0 : i32
    %dma_wait3A_103 = tpu.memref_slice %arg2[%dma_wait3A_101, %dma_wait3A_102] : memref<1000000x64xf32, #tpu.memory_space<hbm>> -> memref<1000000x64xf32, #tpu.memory_space<hbm>>
    tpu.wait_indirect_dma semaphore(%arg17 : memref<!tpu.dma_semaphore, #tpu.memory_space<semaphore_mem>>) src(%dma_wait3A_103 : memref<1000000x64xf32, #tpu.memory_space<hbm>>) dst(%arg9 : memref<128x64xf32, #tpu.memory_space<vmem>>)
    %parallel_loop3A_104 = arith.constant 0 : i32
    %parallel_loop3A_105 = arith.constant 128 : i32
    %parallel_loop3A_106 = arith.constant 1 : i32
    scf.for %parallel_loop3A_237 = %parallel_loop3A_104 to %parallel_loop3A_105 step %parallel_loop3A_106  : i32 {
      %parallel_loop3A_238 = arith.index_cast %parallel_loop3A_237 : i32 to index
      %parallel_loop3A_239 = arith.constant 0 : index
      %parallel_loop3A_240 = tpu.vector_load %arg9[%parallel_loop3A_238, %parallel_loop3A_239] {strides = array<i32>} : memref<128x64xf32, #tpu.memory_space<vmem>>, vector<1x16xf32>,
      %parallel_loop3A_241 = vector.shape_cast %parallel_loop3A_240 : vector<1x16xf32> to vector<16xf32>
      %parallel_loop3A_242 = arith.constant 8.000000e+00 : f32
      %parallel_loop3A_243 = vector.broadcast %parallel_loop3A_242 : f32 to vector<16xf32>
      %parallel_loop3A_244 = arith.mulf %parallel_loop3A_241, %parallel_loop3A_243 : vector<16xf32>
      %parallel_loop3A_245 = arith.index_cast %parallel_loop3A_237 : i32 to index
      %parallel_loop3A_246 = arith.constant 0 : index
      %parallel_loop3A_247 = tpu.vector_load %arg13[%parallel_loop3A_245, %parallel_loop3A_246] {strides = array<i32>} : memref<128x64xf32, #tpu.memory_space<vmem>>, vector<1x16xf32>,
      %parallel_loop3A_248 = vector.shape_cast %parallel_loop3A_247 : vector<1x16xf32> to vector<16xf32>
      %parallel_loop3A_249 = vector.shape_cast %parallel_loop3A_244 : vector<16xf32> to vector<1x16xf32>
      tpu.vector_store %arg13[%parallel_loop3A_245, %parallel_loop3A_246], %parallel_loop3A_249 {strides = array<i32>} : memref<128x64xf32, #tpu.memory_space<vmem>>, vector<1x16xf32>,
      %parallel_loop3A_250 = arith.index_cast %parallel_loop3A_237 : i32 to index
      %parallel_loop3A_251 = arith.constant 16 : index
      %parallel_loop3A_252 = tpu.vector_load %arg9[%parallel_loop3A_250, %parallel_loop3A_251] {strides = array<i32>} : memref<128x64xf32, #tpu.memory_space<vmem>>, vector<1x16xf32>,
      %parallel_loop3A_253 = vector.shape_cast %parallel_loop3A_252 : vector<1x16xf32> to vector<16xf32>
      %parallel_loop3A_254 = arith.constant 8.000000e+00 : f32
      %parallel_loop3A_255 = vector.broadcast %parallel_loop3A_254 : f32 to vector<16xf32>
      %parallel_loop3A_256 = arith.mulf %parallel_loop3A_253, %parallel_loop3A_255 : vector<16xf32>
      %parallel_loop3A_257 = arith.index_cast %parallel_loop3A_237 : i32 to index
      %parallel_loop3A_258 = arith.constant 16 : index
      %parallel_loop3A_259 = tpu.vector_load %arg13[%parallel_loop3A_257, %parallel_loop3A_258] {strides = array<i32>} : memref<128x64xf32, #tpu.memory_space<vmem>>, vector<1x16xf32>,
      %parallel_loop3A_260 = vector.shape_cast %parallel_loop3A_259 : vector<1x16xf32> to vector<16xf32>
      %parallel_loop3A_261 = vector.shape_cast %parallel_loop3A_256 : vector<16xf32> to vector<1x16xf32>
      tpu.vector_store %arg13[%parallel_loop3A_257, %parallel_loop3A_258], %parallel_loop3A_261 {strides = array<i32>} : memref<128x64xf32, #tpu.memory_space<vmem>>, vector<1x16xf32>,
      %parallel_loop3A_262 = arith.index_cast %parallel_loop3A_237 : i32 to index
      %parallel_loop3A_263 = arith.constant 32 : index
      %parallel_loop3A_264 = tpu.vector_load %arg9[%parallel_loop3A_262, %parallel_loop3A_263] {strides = array<i32>} : memref<128x64xf32, #tpu.memory_space<vmem>>, vector<1x16xf32>,
      %parallel_loop3A_265 = vector.shape_cast %parallel_loop3A_264 : vector<1x16xf32> to vector<16xf32>
      %parallel_loop3A_266 = arith.constant 8.000000e+00 : f32
      %parallel_loop3A_267 = vector.broadcast %parallel_loop3A_266 : f32 to vector<16xf32>
      %parallel_loop3A_268 = arith.mulf %parallel_loop3A_265, %parallel_loop3A_267 : vector<16xf32>
      %parallel_loop3A_269 = arith.index_cast %parallel_loop3A_237 : i32 to index
      %parallel_loop3A_270 = arith.constant 32 : index
      %parallel_loop3A_271 = tpu.vector_load %arg13[%parallel_loop3A_269, %parallel_loop3A_270] {strides = array<i32>} : memref<128x64xf32, #tpu.memory_space<vmem>>, vector<1x16xf32>,
      %parallel_loop3A_272 = vector.shape_cast %parallel_loop3A_271 : vector<1x16xf32> to vector<16xf32>
      %parallel_loop3A_273 = vector.shape_cast %parallel_loop3A_268 : vector<16xf32> to vector<1x16xf32>
      tpu.vector_store %arg13[%parallel_loop3A_269, %parallel_loop3A_270], %parallel_loop3A_273 {strides = array<i32>} : memref<128x64xf32, #tpu.memory_space<vmem>>, vector<1x16xf32>,
      %parallel_loop3A_274 = arith.index_cast %parallel_loop3A_237 : i32 to index
      %parallel_loop3A_275 = arith.constant 48 : index
      %parallel_loop3A_276 = tpu.vector_load %arg9[%parallel_loop3A_274, %parallel_loop3A_275] {strides = array<i32>} : memref<128x64xf32, #tpu.memory_space<vmem>>, vector<1x16xf32>,
      %parallel_loop3A_277 = vector.shape_cast %parallel_loop3A_276 : vector<1x16xf32> to vector<16xf32>
      %parallel_loop3A_278 = arith.constant 8.000000e+00 : f32
      %parallel_loop3A_279 = vector.broadcast %parallel_loop3A_278 : f32 to vector<16xf32>
      %parallel_loop3A_280 = arith.mulf %parallel_loop3A_277, %parallel_loop3A_279 : vector<16xf32>
      %parallel_loop3A_281 = arith.index_cast %parallel_loop3A_237 : i32 to index
      %parallel_loop3A_282 = arith.constant 48 : index
      %parallel_loop3A_283 = tpu.vector_load %arg13[%parallel_loop3A_281, %parallel_loop3A_282] {strides = array<i32>} : memref<128x64xf32, #tpu.memory_space<vmem>>, vector<1x16xf32>,
      %parallel_loop3A_284 = vector.shape_cast %parallel_loop3A_283 : vector<1x16xf32> to vector<16xf32>
      %parallel_loop3A_285 = vector.shape_cast %parallel_loop3A_280 : vector<16xf32> to vector<1x16xf32>
      tpu.vector_store %arg13[%parallel_loop3A_281, %parallel_loop3A_282], %parallel_loop3A_285 {strides = array<i32>} : memref<128x64xf32, #tpu.memory_space<vmem>>, vector<1x16xf32>,
    } {sc.loop_unroll_factor = 8 : i64, sc.parallel_access}
    %add3A_107 = arith.constant 384 : i32
    %add3A_108 = arith.addi %mul3A_2, %add3A_107 : i32
    %dma_start3A_109 = arith.constant 0 : i32
    %dma_start3A_110 = tpu.memref_slice %arg4[%add3A_108, %dma_start3A_109] : memref<819200x64xf32, #tpu.memory_space<hbm>> -> memref<128x64xf32, #tpu.memory_space<hbm>>
    %dma_start3A_111 = arith.constant 0 : i32
    %dma_start3A_112 = tpu.memref_slice %arg4[%add3A_108, %dma_start3A_111] : memref<819200x64xf32, #tpu.memory_space<hbm>> -> memref<128x64xf32, #tpu.memory_space<hbm>>
    tpu.enqueue_dma source(%arg13 : memref<128x64xf32, #tpu.memory_space<vmem>>) target(%dma_start3A_112 : memref<128x64xf32, #tpu.memory_space<hbm>>) target_semaphore(%arg21 : memref<!tpu.dma_semaphore, #tpu.memory_space<semaphore_mem>>)
    %dma_start3A_113 = arith.constant 7 : i32
    %dma_start3A_114 = arith.constant 0 : i32
    %dma_start3A_115 = tpu.memref_slice %arg5[%dma_start3A_113, %dma_start3A_114] : memref<200x128xi32, #tpu.memory_space<vmem>> -> memref<1x128xi32, #tpu.memory_space<vmem>>
    %dma_start3A_116 = tpu.memref_squeeze %dma_start3A_115 : memref<1x128xi32, #tpu.memory_space<vmem>> -> memref<128xi32, #tpu.memory_space<vmem>>
    %dma_start3A_117 = arith.constant 0 : i32
    %dma_start3A_118 = arith.constant 0 : i32
    %dma_start3A_119 = tpu.memref_slice %arg2[%dma_start3A_117, %dma_start3A_118] : memref<1000000x64xf32, #tpu.memory_space<hbm>> -> memref<1000000x64xf32, #tpu.memory_space<hbm>>
    tpu.enqueue_indirect_dma source(%dma_start3A_119 : memref<1000000x64xf32, #tpu.memory_space<hbm>>) target(%arg9 : memref<128x64xf32, #tpu.memory_space<vmem>>) offsets(%dma_start3A_116 : memref<128xi32, #tpu.memory_space<vmem>>) semaphore(%arg17 : memref<!tpu.dma_semaphore, #tpu.memory_space<semaphore_mem>>)
    %scan3A = arith.constant 0 : i32
    %scan3A_120 = arith.constant 1 : i32
    %scan3A_121 = arith.constant 48 : i32
    %scan3A_122 = arith.addi %scan3A_120, %scan3A_121 : i32
    %scan3A_123 = arith.constant 1 : i32
    scf.for %scan3A_237 = %scan3A_120 to %scan3A_122 step %scan3A_123  : i32 {
      %mul3A_238 = arith.constant 4 : i32
      %mul3A_239 = arith.muli %scan3A_237, %mul3A_238 : i32
      %add3A_240 = arith.constant 0 : i32
      %add3A_241 = arith.addi %mul3A_239, %add3A_240 : i32
      %dma_wait3A_242 = arith.constant 0 : i32
      %dma_wait3A_243 = tpu.memref_slice %arg5[%add3A_241, %dma_wait3A_242] : memref<200x128xi32, #tpu.memory_space<vmem>> -> memref<1x128xi32, #tpu.memory_space<vmem>>
      %dma_wait3A_244 = tpu.memref_squeeze %dma_wait3A_243 : memref<1x128xi32, #tpu.memory_space<vmem>> -> memref<128xi32, #tpu.memory_space<vmem>>
      %dma_wait3A_245 = arith.constant 0 : i32
      %dma_wait3A_246 = arith.constant 0 : i32
      %dma_wait3A_247 = tpu.memref_slice %arg2[%dma_wait3A_245, %dma_wait3A_246] : memref<1000000x64xf32, #tpu.memory_space<hbm>> -> memref<1000000x64xf32, #tpu.memory_space<hbm>>
      tpu.wait_indirect_dma semaphore(%arg14 : memref<!tpu.dma_semaphore, #tpu.memory_space<semaphore_mem>>) src(%dma_wait3A_247 : memref<1000000x64xf32, #tpu.memory_space<hbm>>) dst(%arg6 : memref<128x64xf32, #tpu.memory_space<vmem>>)
      %sub3A = arith.constant 4 : i32
      %sub3A_248 = arith.subi %add3A_241, %sub3A : i32
      %mul3A_249 = arith.constant 128 : i32
      %mul3A_250 = arith.muli %sub3A_248, %mul3A_249 : i32
      %add3A_251 = arith.addi %mul3A_2, %mul3A_250 : i32
      %dma_wait3A_252 = arith.constant 0 : i32
      %dma_wait3A_253 = tpu.memref_slice %arg4[%add3A_251, %dma_wait3A_252] : memref<819200x64xf32, #tpu.memory_space<hbm>> -> memref<128x64xf32, #tpu.memory_space<hbm>>
      %dma_wait3A_254 = arith.constant 0 : i32
      %dma_wait3A_255 = tpu.memref_slice %arg4[%add3A_251, %dma_wait3A_254] : memref<819200x64xf32, #tpu.memory_space<hbm>> -> memref<128x64xf32, #tpu.memory_space<hbm>>
      tpu.wait_dma2 semaphore(%arg18 : memref<!tpu.dma_semaphore, #tpu.memory_space<semaphore_mem>>) src(%arg10 : memref<128x64xf32, #tpu.memory_space<vmem>>) dst(%dma_wait3A_255 : memref<128x64xf32, #tpu.memory_space<hbm>>)
      %parallel_loop3A_256 = arith.constant 0 : i32
      %parallel_loop3A_257 = arith.constant 128 : i32
      %parallel_loop3A_258 = arith.constant 1 : i32
      scf.for %parallel_loop3A_379 = %parallel_loop3A_256 to %parallel_loop3A_257 step %parallel_loop3A_258  : i32 {
        %parallel_loop3A_380 = arith.index_cast %parallel_loop3A_379 : i32 to index
        %parallel_loop3A_381 = arith.constant 0 : index
        %parallel_loop3A_382 = tpu.vector_load %arg6[%parallel_loop3A_380, %parallel_loop3A_381] {strides = array<i32>} : memref<128x64xf32, #tpu.memory_space<vmem>>, vector<1x16xf32>,
        %parallel_loop3A_383 = vector.shape_cast %parallel_loop3A_382 : vector<1x16xf32> to vector<16xf32>
        %parallel_loop3A_384 = arith.constant 8.000000e+00 : f32
        %parallel_loop3A_385 = vector.broadcast %parallel_loop3A_384 : f32 to vector<16xf32>
        %parallel_loop3A_386 = arith.mulf %parallel_loop3A_383, %parallel_loop3A_385 : vector<16xf32>
        %parallel_loop3A_387 = arith.index_cast %parallel_loop3A_379 : i32 to index
        %parallel_loop3A_388 = arith.constant 0 : index
        %parallel_loop3A_389 = tpu.vector_load %arg10[%parallel_loop3A_387, %parallel_loop3A_388] {strides = array<i32>} : memref<128x64xf32, #tpu.memory_space<vmem>>, vector<1x16xf32>,
        %parallel_loop3A_390 = vector.shape_cast %parallel_loop3A_389 : vector<1x16xf32> to vector<16xf32>
        %parallel_loop3A_391 = vector.shape_cast %parallel_loop3A_386 : vector<16xf32> to vector<1x16xf32>
        tpu.vector_store %arg10[%parallel_loop3A_387, %parallel_loop3A_388], %parallel_loop3A_391 {strides = array<i32>} : memref<128x64xf32, #tpu.memory_space<vmem>>, vector<1x16xf32>,
        %parallel_loop3A_392 = arith.index_cast %parallel_loop3A_379 : i32 to index
        %parallel_loop3A_393 = arith.constant 16 : index
        %parallel_loop3A_394 = tpu.vector_load %arg6[%parallel_loop3A_392, %parallel_loop3A_393] {strides = array<i32>} : memref<128x64xf32, #tpu.memory_space<vmem>>, vector<1x16xf32>,
        %parallel_loop3A_395 = vector.shape_cast %parallel_loop3A_394 : vector<1x16xf32> to vector<16xf32>
        %parallel_loop3A_396 = arith.constant 8.000000e+00 : f32
        %parallel_loop3A_397 = vector.broadcast %parallel_loop3A_396 : f32 to vector<16xf32>
        %parallel_loop3A_398 = arith.mulf %parallel_loop3A_395, %parallel_loop3A_397 : vector<16xf32>
        %parallel_loop3A_399 = arith.index_cast %parallel_loop3A_379 : i32 to index
        %parallel_loop3A_400 = arith.constant 16 : index
        %parallel_loop3A_401 = tpu.vector_load %arg10[%parallel_loop3A_399, %parallel_loop3A_400] {strides = array<i32>} : memref<128x64xf32, #tpu.memory_space<vmem>>, vector<1x16xf32>,
        %parallel_loop3A_402 = vector.shape_cast %parallel_loop3A_401 : vector<1x16xf32> to vector<16xf32>
        %parallel_loop3A_403 = vector.shape_cast %parallel_loop3A_398 : vector<16xf32> to vector<1x16xf32>
        tpu.vector_store %arg10[%parallel_loop3A_399, %parallel_loop3A_400], %parallel_loop3A_403 {strides = array<i32>} : memref<128x64xf32, #tpu.memory_space<vmem>>, vector<1x16xf32>,
        %parallel_loop3A_404 = arith.index_cast %parallel_loop3A_379 : i32 to index
        %parallel_loop3A_405 = arith.constant 32 : index
        %parallel_loop3A_406 = tpu.vector_load %arg6[%parallel_loop3A_404, %parallel_loop3A_405] {strides = array<i32>} : memref<128x64xf32, #tpu.memory_space<vmem>>, vector<1x16xf32>,
        %parallel_loop3A_407 = vector.shape_cast %parallel_loop3A_406 : vector<1x16xf32> to vector<16xf32>
        %parallel_loop3A_408 = arith.constant 8.000000e+00 : f32
        %parallel_loop3A_409 = vector.broadcast %parallel_loop3A_408 : f32 to vector<16xf32>
        %parallel_loop3A_410 = arith.mulf %parallel_loop3A_407, %parallel_loop3A_409 : vector<16xf32>
        %parallel_loop3A_411 = arith.index_cast %parallel_loop3A_379 : i32 to index
        %parallel_loop3A_412 = arith.constant 32 : index
        %parallel_loop3A_413 = tpu.vector_load %arg10[%parallel_loop3A_411, %parallel_loop3A_412] {strides = array<i32>} : memref<128x64xf32, #tpu.memory_space<vmem>>, vector<1x16xf32>,
        %parallel_loop3A_414 = vector.shape_cast %parallel_loop3A_413 : vector<1x16xf32> to vector<16xf32>
        %parallel_loop3A_415 = vector.shape_cast %parallel_loop3A_410 : vector<16xf32> to vector<1x16xf32>
        tpu.vector_store %arg10[%parallel_loop3A_411, %parallel_loop3A_412], %parallel_loop3A_415 {strides = array<i32>} : memref<128x64xf32, #tpu.memory_space<vmem>>, vector<1x16xf32>,
        %parallel_loop3A_416 = arith.index_cast %parallel_loop3A_379 : i32 to index
        %parallel_loop3A_417 = arith.constant 48 : index
        %parallel_loop3A_418 = tpu.vector_load %arg6[%parallel_loop3A_416, %parallel_loop3A_417] {strides = array<i32>} : memref<128x64xf32, #tpu.memory_space<vmem>>, vector<1x16xf32>,
        %parallel_loop3A_419 = vector.shape_cast %parallel_loop3A_418 : vector<1x16xf32> to vector<16xf32>
        %parallel_loop3A_420 = arith.constant 8.000000e+00 : f32
        %parallel_loop3A_421 = vector.broadcast %parallel_loop3A_420 : f32 to vector<16xf32>
        %parallel_loop3A_422 = arith.mulf %parallel_loop3A_419, %parallel_loop3A_421 : vector<16xf32>
        %parallel_loop3A_423 = arith.index_cast %parallel_loop3A_379 : i32 to index
        %parallel_loop3A_424 = arith.constant 48 : index
        %parallel_loop3A_425 = tpu.vector_load %arg10[%parallel_loop3A_423, %parallel_loop3A_424] {strides = array<i32>} : memref<128x64xf32, #tpu.memory_space<vmem>>, vector<1x16xf32>,
        %parallel_loop3A_426 = vector.shape_cast %parallel_loop3A_425 : vector<1x16xf32> to vector<16xf32>
        %parallel_loop3A_427 = vector.shape_cast %parallel_loop3A_422 : vector<16xf32> to vector<1x16xf32>
        tpu.vector_store %arg10[%parallel_loop3A_423, %parallel_loop3A_424], %parallel_loop3A_427 {strides = array<i32>} : memref<128x64xf32, #tpu.memory_space<vmem>>, vector<1x16xf32>,
      } {sc.loop_unroll_factor = 8 : i64, sc.parallel_access}
      %mul3A_259 = arith.constant 128 : i32
      %mul3A_260 = arith.muli %add3A_241, %mul3A_259 : i32
      %add3A_261 = arith.addi %mul3A_2, %mul3A_260 : i32
      %dma_start3A_262 = arith.constant 0 : i32
      %dma_start3A_263 = tpu.memref_slice %arg4[%add3A_261, %dma_start3A_262] : memref<819200x64xf32, #tpu.memory_space<hbm>> -> memref<128x64xf32, #tpu.memory_space<hbm>>
      %dma_start3A_264 = arith.constant 0 : i32
      %dma_start3A_265 = tpu.memref_slice %arg4[%add3A_261, %dma_start3A_264] : memref<819200x64xf32, #tpu.memory_space<hbm>> -> memref<128x64xf32, #tpu.memory_space<hbm>>
      tpu.enqueue_dma source(%arg10 : memref<128x64xf32, #tpu.memory_space<vmem>>) target(%dma_start3A_265 : memref<128x64xf32, #tpu.memory_space<hbm>>) target_semaphore(%arg18 : memref<!tpu.dma_semaphore, #tpu.memory_space<semaphore_mem>>)
      %add3A_266 = arith.constant 4 : i32
      %add3A_267 = arith.addi %add3A_241, %add3A_266 : i32
      %dma_start3A_268 = arith.constant 0 : i32
      %dma_start3A_269 = tpu.memref_slice %arg5[%add3A_267, %dma_start3A_268] : memref<200x128xi32, #tpu.memory_space<vmem>> -> memref<1x128xi32, #tpu.memory_space<vmem>>
      %dma_start3A_270 = tpu.memref_squeeze %dma_start3A_269 : memref<1x128xi32, #tpu.memory_space<vmem>> -> memref<128xi32, #tpu.memory_space<vmem>>
      %dma_start3A_271 = arith.constant 0 : i32
      %dma_start3A_272 = arith.constant 0 : i32
      %dma_start3A_273 = tpu.memref_slice %arg2[%dma_start3A_271, %dma_start3A_272] : memref<1000000x64xf32, #tpu.memory_space<hbm>> -> memref<1000000x64xf32, #tpu.memory_space<hbm>>
      tpu.enqueue_indirect_dma source(%dma_start3A_273 : memref<1000000x64xf32, #tpu.memory_space<hbm>>) target(%arg6 : memref<128x64xf32, #tpu.memory_space<vmem>>) offsets(%dma_start3A_270 : memref<128xi32, #tpu.memory_space<vmem>>) semaphore(%arg14 : memref<!tpu.dma_semaphore, #tpu.memory_space<semaphore_mem>>)
      %add3A_274 = arith.constant 1 : i32
      %add3A_275 = arith.addi %mul3A_239, %add3A_274 : i32
      %dma_wait3A_276 = arith.constant 0 : i32
      %dma_wait3A_277 = tpu.memref_slice %arg5[%add3A_275, %dma_wait3A_276] : memref<200x128xi32, #tpu.memory_space<vmem>> -> memref<1x128xi32, #tpu.memory_space<vmem>>
      %dma_wait3A_278 = tpu.memref_squeeze %dma_wait3A_277 : memref<1x128xi32, #tpu.memory_space<vmem>> -> memref<128xi32, #tpu.memory_space<vmem>>
      %dma_wait3A_279 = arith.constant 0 : i32
      %dma_wait3A_280 = arith.constant 0 : i32
      %dma_wait3A_281 = tpu.memref_slice %arg2[%dma_wait3A_279, %dma_wait3A_280] : memref<1000000x64xf32, #tpu.memory_space<hbm>> -> memref<1000000x64xf32, #tpu.memory_space<hbm>>
      tpu.wait_indirect_dma semaphore(%arg15 : memref<!tpu.dma_semaphore, #tpu.memory_space<semaphore_mem>>) src(%dma_wait3A_281 : memref<1000000x64xf32, #tpu.memory_space<hbm>>) dst(%arg7 : memref<128x64xf32, #tpu.memory_space<vmem>>)
      %sub3A_282 = arith.constant 4 : i32
      %sub3A_283 = arith.subi %add3A_275, %sub3A_282 : i32
      %mul3A_284 = arith.constant 128 : i32
      %mul3A_285 = arith.muli %sub3A_283, %mul3A_284 : i32
      %add3A_286 = arith.addi %mul3A_2, %mul3A_285 : i32
      %dma_wait3A_287 = arith.constant 0 : i32
      %dma_wait3A_288 = tpu.memref_slice %arg4[%add3A_286, %dma_wait3A_287] : memref<819200x64xf32, #tpu.memory_space<hbm>> -> memref<128x64xf32, #tpu.memory_space<hbm>>
      %dma_wait3A_289 = arith.constant 0 : i32
      %dma_wait3A_290 = tpu.memref_slice %arg4[%add3A_286, %dma_wait3A_289] : memref<819200x64xf32, #tpu.memory_space<hbm>> -> memref<128x64xf32, #tpu.memory_space<hbm>>
      tpu.wait_dma2 semaphore(%arg19 : memref<!tpu.dma_semaphore, #tpu.memory_space<semaphore_mem>>) src(%arg11 : memref<128x64xf32, #tpu.memory_space<vmem>>) dst(%dma_wait3A_290 : memref<128x64xf32, #tpu.memory_space<hbm>>)
      %parallel_loop3A_291 = arith.constant 0 : i32
      %parallel_loop3A_292 = arith.constant 128 : i32
      %parallel_loop3A_293 = arith.constant 1 : i32
      scf.for %parallel_loop3A_379 = %parallel_loop3A_291 to %parallel_loop3A_292 step %parallel_loop3A_293  : i32 {
        %parallel_loop3A_380 = arith.index_cast %parallel_loop3A_379 : i32 to index
        %parallel_loop3A_381 = arith.constant 0 : index
        %parallel_loop3A_382 = tpu.vector_load %arg7[%parallel_loop3A_380, %parallel_loop3A_381] {strides = array<i32>} : memref<128x64xf32, #tpu.memory_space<vmem>>, vector<1x16xf32>,
        %parallel_loop3A_383 = vector.shape_cast %parallel_loop3A_382 : vector<1x16xf32> to vector<16xf32>
        %parallel_loop3A_384 = arith.constant 8.000000e+00 : f32
        %parallel_loop3A_385 = vector.broadcast %parallel_loop3A_384 : f32 to vector<16xf32>
        %parallel_loop3A_386 = arith.mulf %parallel_loop3A_383, %parallel_loop3A_385 : vector<16xf32>
        %parallel_loop3A_387 = arith.index_cast %parallel_loop3A_379 : i32 to index
        %parallel_loop3A_388 = arith.constant 0 : index
        %parallel_loop3A_389 = tpu.vector_load %arg11[%parallel_loop3A_387, %parallel_loop3A_388] {strides = array<i32>} : memref<128x64xf32, #tpu.memory_space<vmem>>, vector<1x16xf32>,
        %parallel_loop3A_390 = vector.shape_cast %parallel_loop3A_389 : vector<1x16xf32> to vector<16xf32>
        %parallel_loop3A_391 = vector.shape_cast %parallel_loop3A_386 : vector<16xf32> to vector<1x16xf32>
        tpu.vector_store %arg11[%parallel_loop3A_387, %parallel_loop3A_388], %parallel_loop3A_391 {strides = array<i32>} : memref<128x64xf32, #tpu.memory_space<vmem>>, vector<1x16xf32>,
        %parallel_loop3A_392 = arith.index_cast %parallel_loop3A_379 : i32 to index
        %parallel_loop3A_393 = arith.constant 16 : index
        %parallel_loop3A_394 = tpu.vector_load %arg7[%parallel_loop3A_392, %parallel_loop3A_393] {strides = array<i32>} : memref<128x64xf32, #tpu.memory_space<vmem>>, vector<1x16xf32>,
        %parallel_loop3A_395 = vector.shape_cast %parallel_loop3A_394 : vector<1x16xf32> to vector<16xf32>
        %parallel_loop3A_396 = arith.constant 8.000000e+00 : f32
        %parallel_loop3A_397 = vector.broadcast %parallel_loop3A_396 : f32 to vector<16xf32>
        %parallel_loop3A_398 = arith.mulf %parallel_loop3A_395, %parallel_loop3A_397 : vector<16xf32>
        %parallel_loop3A_399 = arith.index_cast %parallel_loop3A_379 : i32 to index
        %parallel_loop3A_400 = arith.constant 16 : index
        %parallel_loop3A_401 = tpu.vector_load %arg11[%parallel_loop3A_399, %parallel_loop3A_400] {strides = array<i32>} : memref<128x64xf32, #tpu.memory_space<vmem>>, vector<1x16xf32>,
        %parallel_loop3A_402 = vector.shape_cast %parallel_loop3A_401 : vector<1x16xf32> to vector<16xf32>
        %parallel_loop3A_403 = vector.shape_cast %parallel_loop3A_398 : vector<16xf32> to vector<1x16xf32>
        tpu.vector_store %arg11[%parallel_loop3A_399, %parallel_loop3A_400], %parallel_loop3A_403 {strides = array<i32>} : memref<128x64xf32, #tpu.memory_space<vmem>>, vector<1x16xf32>,
        %parallel_loop3A_404 = arith.index_cast %parallel_loop3A_379 : i32 to index
        %parallel_loop3A_405 = arith.constant 32 : index
        %parallel_loop3A_406 = tpu.vector_load %arg7[%parallel_loop3A_404, %parallel_loop3A_405] {strides = array<i32>} : memref<128x64xf32, #tpu.memory_space<vmem>>, vector<1x16xf32>,
        %parallel_loop3A_407 = vector.shape_cast %parallel_loop3A_406 : vector<1x16xf32> to vector<16xf32>
        %parallel_loop3A_408 = arith.constant 8.000000e+00 : f32
        %parallel_loop3A_409 = vector.broadcast %parallel_loop3A_408 : f32 to vector<16xf32>
        %parallel_loop3A_410 = arith.mulf %parallel_loop3A_407, %parallel_loop3A_409 : vector<16xf32>
        %parallel_loop3A_411 = arith.index_cast %parallel_loop3A_379 : i32 to index
        %parallel_loop3A_412 = arith.constant 32 : index
        %parallel_loop3A_413 = tpu.vector_load %arg11[%parallel_loop3A_411, %parallel_loop3A_412] {strides = array<i32>} : memref<128x64xf32, #tpu.memory_space<vmem>>, vector<1x16xf32>,
        %parallel_loop3A_414 = vector.shape_cast %parallel_loop3A_413 : vector<1x16xf32> to vector<16xf32>
        %parallel_loop3A_415 = vector.shape_cast %parallel_loop3A_410 : vector<16xf32> to vector<1x16xf32>
        tpu.vector_store %arg11[%parallel_loop3A_411, %parallel_loop3A_412], %parallel_loop3A_415 {strides = array<i32>} : memref<128x64xf32, #tpu.memory_space<vmem>>, vector<1x16xf32>,
        %parallel_loop3A_416 = arith.index_cast %parallel_loop3A_379 : i32 to index
        %parallel_loop3A_417 = arith.constant 48 : index
        %parallel_loop3A_418 = tpu.vector_load %arg7[%parallel_loop3A_416, %parallel_loop3A_417] {strides = array<i32>} : memref<128x64xf32, #tpu.memory_space<vmem>>, vector<1x16xf32>,
        %parallel_loop3A_419 = vector.shape_cast %parallel_loop3A_418 : vector<1x16xf32> to vector<16xf32>
        %parallel_loop3A_420 = arith.constant 8.000000e+00 : f32
        %parallel_loop3A_421 = vector.broadcast %parallel_loop3A_420 : f32 to vector<16xf32>
        %parallel_loop3A_422 = arith.mulf %parallel_loop3A_419, %parallel_loop3A_421 : vector<16xf32>
        %parallel_loop3A_423 = arith.index_cast %parallel_loop3A_379 : i32 to index
        %parallel_loop3A_424 = arith.constant 48 : index
        %parallel_loop3A_425 = tpu.vector_load %arg11[%parallel_loop3A_423, %parallel_loop3A_424] {strides = array<i32>} : memref<128x64xf32, #tpu.memory_space<vmem>>, vector<1x16xf32>,
        %parallel_loop3A_426 = vector.shape_cast %parallel_loop3A_425 : vector<1x16xf32> to vector<16xf32>
        %parallel_loop3A_427 = vector.shape_cast %parallel_loop3A_422 : vector<16xf32> to vector<1x16xf32>
        tpu.vector_store %arg11[%parallel_loop3A_423, %parallel_loop3A_424], %parallel_loop3A_427 {strides = array<i32>} : memref<128x64xf32, #tpu.memory_space<vmem>>, vector<1x16xf32>,
      } {sc.loop_unroll_factor = 8 : i64, sc.parallel_access}
      %mul3A_294 = arith.constant 128 : i32
      %mul3A_295 = arith.muli %add3A_275, %mul3A_294 : i32
      %add3A_296 = arith.addi %mul3A_2, %mul3A_295 : i32
      %dma_start3A_297 = arith.constant 0 : i32
      %dma_start3A_298 = tpu.memref_slice %arg4[%add3A_296, %dma_start3A_297] : memref<819200x64xf32, #tpu.memory_space<hbm>> -> memref<128x64xf32, #tpu.memory_space<hbm>>
      %dma_start3A_299 = arith.constant 0 : i32
      %dma_start3A_300 = tpu.memref_slice %arg4[%add3A_296, %dma_start3A_299] : memref<819200x64xf32, #tpu.memory_space<hbm>> -> memref<128x64xf32, #tpu.memory_space<hbm>>
      tpu.enqueue_dma source(%arg11 : memref<128x64xf32, #tpu.memory_space<vmem>>) target(%dma_start3A_300 : memref<128x64xf32, #tpu.memory_space<hbm>>) target_semaphore(%arg19 : memref<!tpu.dma_semaphore, #tpu.memory_space<semaphore_mem>>)
      %add3A_301 = arith.constant 4 : i32
      %add3A_302 = arith.addi %add3A_275, %add3A_301 : i32
      %dma_start3A_303 = arith.constant 0 : i32
      %dma_start3A_304 = tpu.memref_slice %arg5[%add3A_302, %dma_start3A_303] : memref<200x128xi32, #tpu.memory_space<vmem>> -> memref<1x128xi32, #tpu.memory_space<vmem>>
      %dma_start3A_305 = tpu.memref_squeeze %dma_start3A_304 : memref<1x128xi32, #tpu.memory_space<vmem>> -> memref<128xi32, #tpu.memory_space<vmem>>
      %dma_start3A_306 = arith.constant 0 : i32
      %dma_start3A_307 = arith.constant 0 : i32
      %dma_start3A_308 = tpu.memref_slice %arg2[%dma_start3A_306, %dma_start3A_307] : memref<1000000x64xf32, #tpu.memory_space<hbm>> -> memref<1000000x64xf32, #tpu.memory_space<hbm>>
      tpu.enqueue_indirect_dma source(%dma_start3A_308 : memref<1000000x64xf32, #tpu.memory_space<hbm>>) target(%arg7 : memref<128x64xf32, #tpu.memory_space<vmem>>) offsets(%dma_start3A_305 : memref<128xi32, #tpu.memory_space<vmem>>) semaphore(%arg15 : memref<!tpu.dma_semaphore, #tpu.memory_space<semaphore_mem>>)
      %add3A_309 = arith.constant 2 : i32
      %add3A_310 = arith.addi %mul3A_239, %add3A_309 : i32
      %dma_wait3A_311 = arith.constant 0 : i32
      %dma_wait3A_312 = tpu.memref_slice %arg5[%add3A_310, %dma_wait3A_311] : memref<200x128xi32, #tpu.memory_space<vmem>> -> memref<1x128xi32, #tpu.memory_space<vmem>>
      %dma_wait3A_313 = tpu.memref_squeeze %dma_wait3A_312 : memref<1x128xi32, #tpu.memory_space<vmem>> -> memref<128xi32, #tpu.memory_space<vmem>>
      %dma_wait3A_314 = arith.constant 0 : i32
      %dma_wait3A_315 = arith.constant 0 : i32
      %dma_wait3A_316 = tpu.memref_slice %arg2[%dma_wait3A_314, %dma_wait3A_315] : memref<1000000x64xf32, #tpu.memory_space<hbm>> -> memref<1000000x64xf32, #tpu.memory_space<hbm>>
      tpu.wait_indirect_dma semaphore(%arg16 : memref<!tpu.dma_semaphore, #tpu.memory_space<semaphore_mem>>) src(%dma_wait3A_316 : memref<1000000x64xf32, #tpu.memory_space<hbm>>) dst(%arg8 : memref<128x64xf32, #tpu.memory_space<vmem>>)
      %sub3A_317 = arith.constant 4 : i32
      %sub3A_318 = arith.subi %add3A_310, %sub3A_317 : i32
      %mul3A_319 = arith.constant 128 : i32
      %mul3A_320 = arith.muli %sub3A_318, %mul3A_319 : i32
      %add3A_321 = arith.addi %mul3A_2, %mul3A_320 : i32
      %dma_wait3A_322 = arith.constant 0 : i32
      %dma_wait3A_323 = tpu.memref_slice %arg4[%add3A_321, %dma_wait3A_322] : memref<819200x64xf32, #tpu.memory_space<hbm>> -> memref<128x64xf32, #tpu.memory_space<hbm>>
      %dma_wait3A_324 = arith.constant 0 : i32
      %dma_wait3A_325 = tpu.memref_slice %arg4[%add3A_321, %dma_wait3A_324] : memref<819200x64xf32, #tpu.memory_space<hbm>> -> memref<128x64xf32, #tpu.memory_space<hbm>>
      tpu.wait_dma2 semaphore(%arg20 : memref<!tpu.dma_semaphore, #tpu.memory_space<semaphore_mem>>) src(%arg12 : memref<128x64xf32, #tpu.memory_space<vmem>>) dst(%dma_wait3A_325 : memref<128x64xf32, #tpu.memory_space<hbm>>)
      %parallel_loop3A_326 = arith.constant 0 : i32
      %parallel_loop3A_327 = arith.constant 128 : i32
      %parallel_loop3A_328 = arith.constant 1 : i32
      scf.for %parallel_loop3A_379 = %parallel_loop3A_326 to %parallel_loop3A_327 step %parallel_loop3A_328  : i32 {
        %parallel_loop3A_380 = arith.index_cast %parallel_loop3A_379 : i32 to index
        %parallel_loop3A_381 = arith.constant 0 : index
        %parallel_loop3A_382 = tpu.vector_load %arg8[%parallel_loop3A_380, %parallel_loop3A_381] {strides = array<i32>} : memref<128x64xf32, #tpu.memory_space<vmem>>, vector<1x16xf32>,
        %parallel_loop3A_383 = vector.shape_cast %parallel_loop3A_382 : vector<1x16xf32> to vector<16xf32>
        %parallel_loop3A_384 = arith.constant 8.000000e+00 : f32
        %parallel_loop3A_385 = vector.broadcast %parallel_loop3A_384 : f32 to vector<16xf32>
        %parallel_loop3A_386 = arith.mulf %parallel_loop3A_383, %parallel_loop3A_385 : vector<16xf32>
        %parallel_loop3A_387 = arith.index_cast %parallel_loop3A_379 : i32 to index
        %parallel_loop3A_388 = arith.constant 0 : index
        %parallel_loop3A_389 = tpu.vector_load %arg12[%parallel_loop3A_387, %parallel_loop3A_388] {strides = array<i32>} : memref<128x64xf32, #tpu.memory_space<vmem>>, vector<1x16xf32>,
        %parallel_loop3A_390 = vector.shape_cast %parallel_loop3A_389 : vector<1x16xf32> to vector<16xf32>
        %parallel_loop3A_391 = vector.shape_cast %parallel_loop3A_386 : vector<16xf32> to vector<1x16xf32>
        tpu.vector_store %arg12[%parallel_loop3A_387, %parallel_loop3A_388], %parallel_loop3A_391 {strides = array<i32>} : memref<128x64xf32, #tpu.memory_space<vmem>>, vector<1x16xf32>,
        %parallel_loop3A_392 = arith.index_cast %parallel_loop3A_379 : i32 to index
        %parallel_loop3A_393 = arith.constant 16 : index
        %parallel_loop3A_394 = tpu.vector_load %arg8[%parallel_loop3A_392, %parallel_loop3A_393] {strides = array<i32>} : memref<128x64xf32, #tpu.memory_space<vmem>>, vector<1x16xf32>,
        %parallel_loop3A_395 = vector.shape_cast %parallel_loop3A_394 : vector<1x16xf32> to vector<16xf32>
        %parallel_loop3A_396 = arith.constant 8.000000e+00 : f32
        %parallel_loop3A_397 = vector.broadcast %parallel_loop3A_396 : f32 to vector<16xf32>
        %parallel_loop3A_398 = arith.mulf %parallel_loop3A_395, %parallel_loop3A_397 : vector<16xf32>
        %parallel_loop3A_399 = arith.index_cast %parallel_loop3A_379 : i32 to index
        %parallel_loop3A_400 = arith.constant 16 : index
        %parallel_loop3A_401 = tpu.vector_load %arg12[%parallel_loop3A_399, %parallel_loop3A_400] {strides = array<i32>} : memref<128x64xf32, #tpu.memory_space<vmem>>, vector<1x16xf32>,
        %parallel_loop3A_402 = vector.shape_cast %parallel_loop3A_401 : vector<1x16xf32> to vector<16xf32>
        %parallel_loop3A_403 = vector.shape_cast %parallel_loop3A_398 : vector<16xf32> to vector<1x16xf32>
        tpu.vector_store %arg12[%parallel_loop3A_399, %parallel_loop3A_400], %parallel_loop3A_403 {strides = array<i32>} : memref<128x64xf32, #tpu.memory_space<vmem>>, vector<1x16xf32>,
        %parallel_loop3A_404 = arith.index_cast %parallel_loop3A_379 : i32 to index
        %parallel_loop3A_405 = arith.constant 32 : index
        %parallel_loop3A_406 = tpu.vector_load %arg8[%parallel_loop3A_404, %parallel_loop3A_405] {strides = array<i32>} : memref<128x64xf32, #tpu.memory_space<vmem>>, vector<1x16xf32>,
        %parallel_loop3A_407 = vector.shape_cast %parallel_loop3A_406 : vector<1x16xf32> to vector<16xf32>
        %parallel_loop3A_408 = arith.constant 8.000000e+00 : f32
        %parallel_loop3A_409 = vector.broadcast %parallel_loop3A_408 : f32 to vector<16xf32>
        %parallel_loop3A_410 = arith.mulf %parallel_loop3A_407, %parallel_loop3A_409 : vector<16xf32>
        %parallel_loop3A_411 = arith.index_cast %parallel_loop3A_379 : i32 to index
        %parallel_loop3A_412 = arith.constant 32 : index
        %parallel_loop3A_413 = tpu.vector_load %arg12[%parallel_loop3A_411, %parallel_loop3A_412] {strides = array<i32>} : memref<128x64xf32, #tpu.memory_space<vmem>>, vector<1x16xf32>,
        %parallel_loop3A_414 = vector.shape_cast %parallel_loop3A_413 : vector<1x16xf32> to vector<16xf32>
        %parallel_loop3A_415 = vector.shape_cast %parallel_loop3A_410 : vector<16xf32> to vector<1x16xf32>
        tpu.vector_store %arg12[%parallel_loop3A_411, %parallel_loop3A_412], %parallel_loop3A_415 {strides = array<i32>} : memref<128x64xf32, #tpu.memory_space<vmem>>, vector<1x16xf32>,
        %parallel_loop3A_416 = arith.index_cast %parallel_loop3A_379 : i32 to index
        %parallel_loop3A_417 = arith.constant 48 : index
        %parallel_loop3A_418 = tpu.vector_load %arg8[%parallel_loop3A_416, %parallel_loop3A_417] {strides = array<i32>} : memref<128x64xf32, #tpu.memory_space<vmem>>, vector<1x16xf32>,
        %parallel_loop3A_419 = vector.shape_cast %parallel_loop3A_418 : vector<1x16xf32> to vector<16xf32>
        %parallel_loop3A_420 = arith.constant 8.000000e+00 : f32
        %parallel_loop3A_421 = vector.broadcast %parallel_loop3A_420 : f32 to vector<16xf32>
        %parallel_loop3A_422 = arith.mulf %parallel_loop3A_419, %parallel_loop3A_421 : vector<16xf32>
        %parallel_loop3A_423 = arith.index_cast %parallel_loop3A_379 : i32 to index
        %parallel_loop3A_424 = arith.constant 48 : index
        %parallel_loop3A_425 = tpu.vector_load %arg12[%parallel_loop3A_423, %parallel_loop3A_424] {strides = array<i32>} : memref<128x64xf32, #tpu.memory_space<vmem>>, vector<1x16xf32>,
        %parallel_loop3A_426 = vector.shape_cast %parallel_loop3A_425 : vector<1x16xf32> to vector<16xf32>
        %parallel_loop3A_427 = vector.shape_cast %parallel_loop3A_422 : vector<16xf32> to vector<1x16xf32>
        tpu.vector_store %arg12[%parallel_loop3A_423, %parallel_loop3A_424], %parallel_loop3A_427 {strides = array<i32>} : memref<128x64xf32, #tpu.memory_space<vmem>>, vector<1x16xf32>,
      } {sc.loop_unroll_factor = 8 : i64, sc.parallel_access}
      %mul3A_329 = arith.constant 128 : i32
      %mul3A_330 = arith.muli %add3A_310, %mul3A_329 : i32
      %add3A_331 = arith.addi %mul3A_2, %mul3A_330 : i32
      %dma_start3A_332 = arith.constant 0 : i32
      %dma_start3A_333 = tpu.memref_slice %arg4[%add3A_331, %dma_start3A_332] : memref<819200x64xf32, #tpu.memory_space<hbm>> -> memref<128x64xf32, #tpu.memory_space<hbm>>
      %dma_start3A_334 = arith.constant 0 : i32
      %dma_start3A_335 = tpu.memref_slice %arg4[%add3A_331, %dma_start3A_334] : memref<819200x64xf32, #tpu.memory_space<hbm>> -> memref<128x64xf32, #tpu.memory_space<hbm>>
      tpu.enqueue_dma source(%arg12 : memref<128x64xf32, #tpu.memory_space<vmem>>) target(%dma_start3A_335 : memref<128x64xf32, #tpu.memory_space<hbm>>) target_semaphore(%arg20 : memref<!tpu.dma_semaphore, #tpu.memory_space<semaphore_mem>>)
      %add3A_336 = arith.constant 4 : i32
      %add3A_337 = arith.addi %add3A_310, %add3A_336 : i32
      %dma_start3A_338 = arith.constant 0 : i32
      %dma_start3A_339 = tpu.memref_slice %arg5[%add3A_337, %dma_start3A_338] : memref<200x128xi32, #tpu.memory_space<vmem>> -> memref<1x128xi32, #tpu.memory_space<vmem>>
      %dma_start3A_340 = tpu.memref_squeeze %dma_start3A_339 : memref<1x128xi32, #tpu.memory_space<vmem>> -> memref<128xi32, #tpu.memory_space<vmem>>
      %dma_start3A_341 = arith.constant 0 : i32
      %dma_start3A_342 = arith.constant 0 : i32
      %dma_start3A_343 = tpu.memref_slice %arg2[%dma_start3A_341, %dma_start3A_342] : memref<1000000x64xf32, #tpu.memory_space<hbm>> -> memref<1000000x64xf32, #tpu.memory_space<hbm>>
      tpu.enqueue_indirect_dma source(%dma_start3A_343 : memref<1000000x64xf32, #tpu.memory_space<hbm>>) target(%arg8 : memref<128x64xf32, #tpu.memory_space<vmem>>) offsets(%dma_start3A_340 : memref<128xi32, #tpu.memory_space<vmem>>) semaphore(%arg16 : memref<!tpu.dma_semaphore, #tpu.memory_space<semaphore_mem>>)
      %add3A_344 = arith.constant 3 : i32
      %add3A_345 = arith.addi %mul3A_239, %add3A_344 : i32
      %dma_wait3A_346 = arith.constant 0 : i32
      %dma_wait3A_347 = tpu.memref_slice %arg5[%add3A_345, %dma_wait3A_346] : memref<200x128xi32, #tpu.memory_space<vmem>> -> memref<1x128xi32, #tpu.memory_space<vmem>>
      %dma_wait3A_348 = tpu.memref_squeeze %dma_wait3A_347 : memref<1x128xi32, #tpu.memory_space<vmem>> -> memref<128xi32, #tpu.memory_space<vmem>>
      %dma_wait3A_349 = arith.constant 0 : i32
      %dma_wait3A_350 = arith.constant 0 : i32
      %dma_wait3A_351 = tpu.memref_slice %arg2[%dma_wait3A_349, %dma_wait3A_350] : memref<1000000x64xf32, #tpu.memory_space<hbm>> -> memref<1000000x64xf32, #tpu.memory_space<hbm>>
      tpu.wait_indirect_dma semaphore(%arg17 : memref<!tpu.dma_semaphore, #tpu.memory_space<semaphore_mem>>) src(%dma_wait3A_351 : memref<1000000x64xf32, #tpu.memory_space<hbm>>) dst(%arg9 : memref<128x64xf32, #tpu.memory_space<vmem>>)
      %sub3A_352 = arith.constant 4 : i32
      %sub3A_353 = arith.subi %add3A_345, %sub3A_352 : i32
      %mul3A_354 = arith.constant 128 : i32
      %mul3A_355 = arith.muli %sub3A_353, %mul3A_354 : i32
      %add3A_356 = arith.addi %mul3A_2, %mul3A_355 : i32
      %dma_wait3A_357 = arith.constant 0 : i32
      %dma_wait3A_358 = tpu.memref_slice %arg4[%add3A_356, %dma_wait3A_357] : memref<819200x64xf32, #tpu.memory_space<hbm>> -> memref<128x64xf32, #tpu.memory_space<hbm>>
      %dma_wait3A_359 = arith.constant 0 : i32
      %dma_wait3A_360 = tpu.memref_slice %arg4[%add3A_356, %dma_wait3A_359] : memref<819200x64xf32, #tpu.memory_space<hbm>> -> memref<128x64xf32, #tpu.memory_space<hbm>>
      tpu.wait_dma2 semaphore(%arg21 : memref<!tpu.dma_semaphore, #tpu.memory_space<semaphore_mem>>) src(%arg13 : memref<128x64xf32, #tpu.memory_space<vmem>>) dst(%dma_wait3A_360 : memref<128x64xf32, #tpu.memory_space<hbm>>)
      %parallel_loop3A_361 = arith.constant 0 : i32
      %parallel_loop3A_362 = arith.constant 128 : i32
      %parallel_loop3A_363 = arith.constant 1 : i32
      scf.for %parallel_loop3A_379 = %parallel_loop3A_361 to %parallel_loop3A_362 step %parallel_loop3A_363  : i32 {
        %parallel_loop3A_380 = arith.index_cast %parallel_loop3A_379 : i32 to index
        %parallel_loop3A_381 = arith.constant 0 : index
        %parallel_loop3A_382 = tpu.vector_load %arg9[%parallel_loop3A_380, %parallel_loop3A_381] {strides = array<i32>} : memref<128x64xf32, #tpu.memory_space<vmem>>, vector<1x16xf32>,
        %parallel_loop3A_383 = vector.shape_cast %parallel_loop3A_382 : vector<1x16xf32> to vector<16xf32>
        %parallel_loop3A_384 = arith.constant 8.000000e+00 : f32
        %parallel_loop3A_385 = vector.broadcast %parallel_loop3A_384 : f32 to vector<16xf32>
        %parallel_loop3A_386 = arith.mulf %parallel_loop3A_383, %parallel_loop3A_385 : vector<16xf32>
        %parallel_loop3A_387 = arith.index_cast %parallel_loop3A_379 : i32 to index
        %parallel_loop3A_388 = arith.constant 0 : index
        %parallel_loop3A_389 = tpu.vector_load %arg13[%parallel_loop3A_387, %parallel_loop3A_388] {strides = array<i32>} : memref<128x64xf32, #tpu.memory_space<vmem>>, vector<1x16xf32>,
        %parallel_loop3A_390 = vector.shape_cast %parallel_loop3A_389 : vector<1x16xf32> to vector<16xf32>
        %parallel_loop3A_391 = vector.shape_cast %parallel_loop3A_386 : vector<16xf32> to vector<1x16xf32>
        tpu.vector_store %arg13[%parallel_loop3A_387, %parallel_loop3A_388], %parallel_loop3A_391 {strides = array<i32>} : memref<128x64xf32, #tpu.memory_space<vmem>>, vector<1x16xf32>,
        %parallel_loop3A_392 = arith.index_cast %parallel_loop3A_379 : i32 to index
        %parallel_loop3A_393 = arith.constant 16 : index
        %parallel_loop3A_394 = tpu.vector_load %arg9[%parallel_loop3A_392, %parallel_loop3A_393] {strides = array<i32>} : memref<128x64xf32, #tpu.memory_space<vmem>>, vector<1x16xf32>,
        %parallel_loop3A_395 = vector.shape_cast %parallel_loop3A_394 : vector<1x16xf32> to vector<16xf32>
        %parallel_loop3A_396 = arith.constant 8.000000e+00 : f32
        %parallel_loop3A_397 = vector.broadcast %parallel_loop3A_396 : f32 to vector<16xf32>
        %parallel_loop3A_398 = arith.mulf %parallel_loop3A_395, %parallel_loop3A_397 : vector<16xf32>
        %parallel_loop3A_399 = arith.index_cast %parallel_loop3A_379 : i32 to index
        %parallel_loop3A_400 = arith.constant 16 : index
        %parallel_loop3A_401 = tpu.vector_load %arg13[%parallel_loop3A_399, %parallel_loop3A_400] {strides = array<i32>} : memref<128x64xf32, #tpu.memory_space<vmem>>, vector<1x16xf32>,
        %parallel_loop3A_402 = vector.shape_cast %parallel_loop3A_401 : vector<1x16xf32> to vector<16xf32>
        %parallel_loop3A_403 = vector.shape_cast %parallel_loop3A_398 : vector<16xf32> to vector<1x16xf32>
        tpu.vector_store %arg13[%parallel_loop3A_399, %parallel_loop3A_400], %parallel_loop3A_403 {strides = array<i32>} : memref<128x64xf32, #tpu.memory_space<vmem>>, vector<1x16xf32>,
        %parallel_loop3A_404 = arith.index_cast %parallel_loop3A_379 : i32 to index
        %parallel_loop3A_405 = arith.constant 32 : index
        %parallel_loop3A_406 = tpu.vector_load %arg9[%parallel_loop3A_404, %parallel_loop3A_405] {strides = array<i32>} : memref<128x64xf32, #tpu.memory_space<vmem>>, vector<1x16xf32>,
        %parallel_loop3A_407 = vector.shape_cast %parallel_loop3A_406 : vector<1x16xf32> to vector<16xf32>
        %parallel_loop3A_408 = arith.constant 8.000000e+00 : f32
        %parallel_loop3A_409 = vector.broadcast %parallel_loop3A_408 : f32 to vector<16xf32>
        %parallel_loop3A_410 = arith.mulf %parallel_loop3A_407, %parallel_loop3A_409 : vector<16xf32>
        %parallel_loop3A_411 = arith.index_cast %parallel_loop3A_379 : i32 to index
        %parallel_loop3A_412 = arith.constant 32 : index
        %parallel_loop3A_413 = tpu.vector_load %arg13[%parallel_loop3A_411, %parallel_loop3A_412] {strides = array<i32>} : memref<128x64xf32, #tpu.memory_space<vmem>>, vector<1x16xf32>,
        %parallel_loop3A_414 = vector.shape_cast %parallel_loop3A_413 : vector<1x16xf32> to vector<16xf32>
        %parallel_loop3A_415 = vector.shape_cast %parallel_loop3A_410 : vector<16xf32> to vector<1x16xf32>
        tpu.vector_store %arg13[%parallel_loop3A_411, %parallel_loop3A_412], %parallel_loop3A_415 {strides = array<i32>} : memref<128x64xf32, #tpu.memory_space<vmem>>, vector<1x16xf32>,
        %parallel_loop3A_416 = arith.index_cast %parallel_loop3A_379 : i32 to index
        %parallel_loop3A_417 = arith.constant 48 : index
        %parallel_loop3A_418 = tpu.vector_load %arg9[%parallel_loop3A_416, %parallel_loop3A_417] {strides = array<i32>} : memref<128x64xf32, #tpu.memory_space<vmem>>, vector<1x16xf32>,
        %parallel_loop3A_419 = vector.shape_cast %parallel_loop3A_418 : vector<1x16xf32> to vector<16xf32>
        %parallel_loop3A_420 = arith.constant 8.000000e+00 : f32
        %parallel_loop3A_421 = vector.broadcast %parallel_loop3A_420 : f32 to vector<16xf32>
        %parallel_loop3A_422 = arith.mulf %parallel_loop3A_419, %parallel_loop3A_421 : vector<16xf32>
        %parallel_loop3A_423 = arith.index_cast %parallel_loop3A_379 : i32 to index
        %parallel_loop3A_424 = arith.constant 48 : index
        %parallel_loop3A_425 = tpu.vector_load %arg13[%parallel_loop3A_423, %parallel_loop3A_424] {strides = array<i32>} : memref<128x64xf32, #tpu.memory_space<vmem>>, vector<1x16xf32>,
        %parallel_loop3A_426 = vector.shape_cast %parallel_loop3A_425 : vector<1x16xf32> to vector<16xf32>
        %parallel_loop3A_427 = vector.shape_cast %parallel_loop3A_422 : vector<16xf32> to vector<1x16xf32>
        tpu.vector_store %arg13[%parallel_loop3A_423, %parallel_loop3A_424], %parallel_loop3A_427 {strides = array<i32>} : memref<128x64xf32, #tpu.memory_space<vmem>>, vector<1x16xf32>,
      } {sc.loop_unroll_factor = 8 : i64, sc.parallel_access}
      %mul3A_364 = arith.constant 128 : i32
      %mul3A_365 = arith.muli %add3A_345, %mul3A_364 : i32
      %add3A_366 = arith.addi %mul3A_2, %mul3A_365 : i32
      %dma_start3A_367 = arith.constant 0 : i32
      %dma_start3A_368 = tpu.memref_slice %arg4[%add3A_366, %dma_start3A_367] : memref<819200x64xf32, #tpu.memory_space<hbm>> -> memref<128x64xf32, #tpu.memory_space<hbm>>
      %dma_start3A_369 = arith.constant 0 : i32
      %dma_start3A_370 = tpu.memref_slice %arg4[%add3A_366, %dma_start3A_369] : memref<819200x64xf32, #tpu.memory_space<hbm>> -> memref<128x64xf32, #tpu.memory_space<hbm>>
      tpu.enqueue_dma source(%arg13 : memref<128x64xf32, #tpu.memory_space<vmem>>) target(%dma_start3A_370 : memref<128x64xf32, #tpu.memory_space<hbm>>) target_semaphore(%arg21 : memref<!tpu.dma_semaphore, #tpu.memory_space<semaphore_mem>>)
      %add3A_371 = arith.constant 4 : i32
      %add3A_372 = arith.addi %add3A_345, %add3A_371 : i32
      %dma_start3A_373 = arith.constant 0 : i32
      %dma_start3A_374 = tpu.memref_slice %arg5[%add3A_372, %dma_start3A_373] : memref<200x128xi32, #tpu.memory_space<vmem>> -> memref<1x128xi32, #tpu.memory_space<vmem>>
      %dma_start3A_375 = tpu.memref_squeeze %dma_start3A_374 : memref<1x128xi32, #tpu.memory_space<vmem>> -> memref<128xi32, #tpu.memory_space<vmem>>
      %dma_start3A_376 = arith.constant 0 : i32
      %dma_start3A_377 = arith.constant 0 : i32
      %dma_start3A_378 = tpu.memref_slice %arg2[%dma_start3A_376, %dma_start3A_377] : memref<1000000x64xf32, #tpu.memory_space<hbm>> -> memref<1000000x64xf32, #tpu.memory_space<hbm>>
      tpu.enqueue_indirect_dma source(%dma_start3A_378 : memref<1000000x64xf32, #tpu.memory_space<hbm>>) target(%arg9 : memref<128x64xf32, #tpu.memory_space<vmem>>) offsets(%dma_start3A_375 : memref<128xi32, #tpu.memory_space<vmem>>) semaphore(%arg17 : memref<!tpu.dma_semaphore, #tpu.memory_space<semaphore_mem>>)
    }
    %scan3A_124 = arith.constant 48 : i32
    %dma_wait3A_125 = arith.constant 196 : i32
    %dma_wait3A_126 = arith.constant 0 : i32
    %dma_wait3A_127 = tpu.memref_slice %arg5[%dma_wait3A_125, %dma_wait3A_126] : memref<200x128xi32, #tpu.memory_space<vmem>> -> memref<1x128xi32, #tpu.memory_space<vmem>>
    %dma_wait3A_128 = tpu.memref_squeeze %dma_wait3A_127 : memref<1x128xi32, #tpu.memory_space<vmem>> -> memref<128xi32, #tpu.memory_space<vmem>>
    %dma_wait3A_129 = arith.constant 0 : i32
    %dma_wait3A_130 = arith.constant 0 : i32
    %dma_wait3A_131 = tpu.memref_slice %arg2[%dma_wait3A_129, %dma_wait3A_130] : memref<1000000x64xf32, #tpu.memory_space<hbm>> -> memref<1000000x64xf32, #tpu.memory_space<hbm>>
    tpu.wait_indirect_dma semaphore(%arg14 : memref<!tpu.dma_semaphore, #tpu.memory_space<semaphore_mem>>) src(%dma_wait3A_131 : memref<1000000x64xf32, #tpu.memory_space<hbm>>) dst(%arg6 : memref<128x64xf32, #tpu.memory_space<vmem>>)
    %add3A_132 = arith.constant 24576 : i32
    %add3A_133 = arith.addi %mul3A_2, %add3A_132 : i32
    %dma_wait3A_134 = arith.constant 0 : i32
    %dma_wait3A_135 = tpu.memref_slice %arg4[%add3A_133, %dma_wait3A_134] : memref<819200x64xf32, #tpu.memory_space<hbm>> -> memref<128x64xf32, #tpu.memory_space<hbm>>
    %dma_wait3A_136 = arith.constant 0 : i32
    %dma_wait3A_137 = tpu.memref_slice %arg4[%add3A_133, %dma_wait3A_136] : memref<819200x64xf32, #tpu.memory_space<hbm>> -> memref<128x64xf32, #tpu.memory_space<hbm>>
    tpu.wait_dma2 semaphore(%arg18 : memref<!tpu.dma_semaphore, #tpu.memory_space<semaphore_mem>>) src(%arg10 : memref<128x64xf32, #tpu.memory_space<vmem>>) dst(%dma_wait3A_137 : memref<128x64xf32, #tpu.memory_space<hbm>>)
    %parallel_loop3A_138 = arith.constant 0 : i32
    %parallel_loop3A_139 = arith.constant 128 : i32
    %parallel_loop3A_140 = arith.constant 1 : i32
    scf.for %parallel_loop3A_237 = %parallel_loop3A_138 to %parallel_loop3A_139 step %parallel_loop3A_140  : i32 {
      %parallel_loop3A_238 = arith.index_cast %parallel_loop3A_237 : i32 to index
      %parallel_loop3A_239 = arith.constant 0 : index
      %parallel_loop3A_240 = tpu.vector_load %arg6[%parallel_loop3A_238, %parallel_loop3A_239] {strides = array<i32>} : memref<128x64xf32, #tpu.memory_space<vmem>>, vector<1x16xf32>,
      %parallel_loop3A_241 = vector.shape_cast %parallel_loop3A_240 : vector<1x16xf32> to vector<16xf32>
      %parallel_loop3A_242 = arith.constant 8.000000e+00 : f32
      %parallel_loop3A_243 = vector.broadcast %parallel_loop3A_242 : f32 to vector<16xf32>
      %parallel_loop3A_244 = arith.mulf %parallel_loop3A_241, %parallel_loop3A_243 : vector<16xf32>
      %parallel_loop3A_245 = arith.index_cast %parallel_loop3A_237 : i32 to index
      %parallel_loop3A_246 = arith.constant 0 : index
      %parallel_loop3A_247 = tpu.vector_load %arg10[%parallel_loop3A_245, %parallel_loop3A_246] {strides = array<i32>} : memref<128x64xf32, #tpu.memory_space<vmem>>, vector<1x16xf32>,
      %parallel_loop3A_248 = vector.shape_cast %parallel_loop3A_247 : vector<1x16xf32> to vector<16xf32>
      %parallel_loop3A_249 = vector.shape_cast %parallel_loop3A_244 : vector<16xf32> to vector<1x16xf32>
      tpu.vector_store %arg10[%parallel_loop3A_245, %parallel_loop3A_246], %parallel_loop3A_249 {strides = array<i32>} : memref<128x64xf32, #tpu.memory_space<vmem>>, vector<1x16xf32>,
      %parallel_loop3A_250 = arith.index_cast %parallel_loop3A_237 : i32 to index
      %parallel_loop3A_251 = arith.constant 16 : index
      %parallel_loop3A_252 = tpu.vector_load %arg6[%parallel_loop3A_250, %parallel_loop3A_251] {strides = array<i32>} : memref<128x64xf32, #tpu.memory_space<vmem>>, vector<1x16xf32>,
      %parallel_loop3A_253 = vector.shape_cast %parallel_loop3A_252 : vector<1x16xf32> to vector<16xf32>
      %parallel_loop3A_254 = arith.constant 8.000000e+00 : f32
      %parallel_loop3A_255 = vector.broadcast %parallel_loop3A_254 : f32 to vector<16xf32>
      %parallel_loop3A_256 = arith.mulf %parallel_loop3A_253, %parallel_loop3A_255 : vector<16xf32>
      %parallel_loop3A_257 = arith.index_cast %parallel_loop3A_237 : i32 to index
      %parallel_loop3A_258 = arith.constant 16 : index
      %parallel_loop3A_259 = tpu.vector_load %arg10[%parallel_loop3A_257, %parallel_loop3A_258] {strides = array<i32>} : memref<128x64xf32, #tpu.memory_space<vmem>>, vector<1x16xf32>,
      %parallel_loop3A_260 = vector.shape_cast %parallel_loop3A_259 : vector<1x16xf32> to vector<16xf32>
      %parallel_loop3A_261 = vector.shape_cast %parallel_loop3A_256 : vector<16xf32> to vector<1x16xf32>
      tpu.vector_store %arg10[%parallel_loop3A_257, %parallel_loop3A_258], %parallel_loop3A_261 {strides = array<i32>} : memref<128x64xf32, #tpu.memory_space<vmem>>, vector<1x16xf32>,
      %parallel_loop3A_262 = arith.index_cast %parallel_loop3A_237 : i32 to index
      %parallel_loop3A_263 = arith.constant 32 : index
      %parallel_loop3A_264 = tpu.vector_load %arg6[%parallel_loop3A_262, %parallel_loop3A_263] {strides = array<i32>} : memref<128x64xf32, #tpu.memory_space<vmem>>, vector<1x16xf32>,
      %parallel_loop3A_265 = vector.shape_cast %parallel_loop3A_264 : vector<1x16xf32> to vector<16xf32>
      %parallel_loop3A_266 = arith.constant 8.000000e+00 : f32
      %parallel_loop3A_267 = vector.broadcast %parallel_loop3A_266 : f32 to vector<16xf32>
      %parallel_loop3A_268 = arith.mulf %parallel_loop3A_265, %parallel_loop3A_267 : vector<16xf32>
      %parallel_loop3A_269 = arith.index_cast %parallel_loop3A_237 : i32 to index
      %parallel_loop3A_270 = arith.constant 32 : index
      %parallel_loop3A_271 = tpu.vector_load %arg10[%parallel_loop3A_269, %parallel_loop3A_270] {strides = array<i32>} : memref<128x64xf32, #tpu.memory_space<vmem>>, vector<1x16xf32>,
      %parallel_loop3A_272 = vector.shape_cast %parallel_loop3A_271 : vector<1x16xf32> to vector<16xf32>
      %parallel_loop3A_273 = vector.shape_cast %parallel_loop3A_268 : vector<16xf32> to vector<1x16xf32>
      tpu.vector_store %arg10[%parallel_loop3A_269, %parallel_loop3A_270], %parallel_loop3A_273 {strides = array<i32>} : memref<128x64xf32, #tpu.memory_space<vmem>>, vector<1x16xf32>,
      %parallel_loop3A_274 = arith.index_cast %parallel_loop3A_237 : i32 to index
      %parallel_loop3A_275 = arith.constant 48 : index
      %parallel_loop3A_276 = tpu.vector_load %arg6[%parallel_loop3A_274, %parallel_loop3A_275] {strides = array<i32>} : memref<128x64xf32, #tpu.memory_space<vmem>>, vector<1x16xf32>,
      %parallel_loop3A_277 = vector.shape_cast %parallel_loop3A_276 : vector<1x16xf32> to vector<16xf32>
      %parallel_loop3A_278 = arith.constant 8.000000e+00 : f32
      %parallel_loop3A_279 = vector.broadcast %parallel_loop3A_278 : f32 to vector<16xf32>
      %parallel_loop3A_280 = arith.mulf %parallel_loop3A_277, %parallel_loop3A_279 : vector<16xf32>
      %parallel_loop3A_281 = arith.index_cast %parallel_loop3A_237 : i32 to index
      %parallel_loop3A_282 = arith.constant 48 : index
      %parallel_loop3A_283 = tpu.vector_load %arg10[%parallel_loop3A_281, %parallel_loop3A_282] {strides = array<i32>} : memref<128x64xf32, #tpu.memory_space<vmem>>, vector<1x16xf32>,
      %parallel_loop3A_284 = vector.shape_cast %parallel_loop3A_283 : vector<1x16xf32> to vector<16xf32>
      %parallel_loop3A_285 = vector.shape_cast %parallel_loop3A_280 : vector<16xf32> to vector<1x16xf32>
      tpu.vector_store %arg10[%parallel_loop3A_281, %parallel_loop3A_282], %parallel_loop3A_285 {strides = array<i32>} : memref<128x64xf32, #tpu.memory_space<vmem>>, vector<1x16xf32>,
    } {sc.loop_unroll_factor = 8 : i64, sc.parallel_access}
    %add3A_141 = arith.constant 25088 : i32
    %add3A_142 = arith.addi %mul3A_2, %add3A_141 : i32
    %dma_start3A_143 = arith.constant 0 : i32
    %dma_start3A_144 = tpu.memref_slice %arg4[%add3A_142, %dma_start3A_143] : memref<819200x64xf32, #tpu.memory_space<hbm>> -> memref<128x64xf32, #tpu.memory_space<hbm>>
    %dma_start3A_145 = arith.constant 0 : i32
    %dma_start3A_146 = tpu.memref_slice %arg4[%add3A_142, %dma_start3A_145] : memref<819200x64xf32, #tpu.memory_space<hbm>> -> memref<128x64xf32, #tpu.memory_space<hbm>>
    tpu.enqueue_dma source(%arg10 : memref<128x64xf32, #tpu.memory_space<vmem>>) target(%dma_start3A_146 : memref<128x64xf32, #tpu.memory_space<hbm>>) target_semaphore(%arg18 : memref<!tpu.dma_semaphore, #tpu.memory_space<semaphore_mem>>)
    %dma_wait3A_147 = arith.constant 197 : i32
    %dma_wait3A_148 = arith.constant 0 : i32
    %dma_wait3A_149 = tpu.memref_slice %arg5[%dma_wait3A_147, %dma_wait3A_148] : memref<200x128xi32, #tpu.memory_space<vmem>> -> memref<1x128xi32, #tpu.memory_space<vmem>>
    %dma_wait3A_150 = tpu.memref_squeeze %dma_wait3A_149 : memref<1x128xi32, #tpu.memory_space<vmem>> -> memref<128xi32, #tpu.memory_space<vmem>>
    %dma_wait3A_151 = arith.constant 0 : i32
    %dma_wait3A_152 = arith.constant 0 : i32
    %dma_wait3A_153 = tpu.memref_slice %arg2[%dma_wait3A_151, %dma_wait3A_152] : memref<1000000x64xf32, #tpu.memory_space<hbm>> -> memref<1000000x64xf32, #tpu.memory_space<hbm>>
    tpu.wait_indirect_dma semaphore(%arg15 : memref<!tpu.dma_semaphore, #tpu.memory_space<semaphore_mem>>) src(%dma_wait3A_153 : memref<1000000x64xf32, #tpu.memory_space<hbm>>) dst(%arg7 : memref<128x64xf32, #tpu.memory_space<vmem>>)
    %add3A_154 = arith.constant 24704 : i32
    %add3A_155 = arith.addi %mul3A_2, %add3A_154 : i32
    %dma_wait3A_156 = arith.constant 0 : i32
    %dma_wait3A_157 = tpu.memref_slice %arg4[%add3A_155, %dma_wait3A_156] : memref<819200x64xf32, #tpu.memory_space<hbm>> -> memref<128x64xf32, #tpu.memory_space<hbm>>
    %dma_wait3A_158 = arith.constant 0 : i32
    %dma_wait3A_159 = tpu.memref_slice %arg4[%add3A_155, %dma_wait3A_158] : memref<819200x64xf32, #tpu.memory_space<hbm>> -> memref<128x64xf32, #tpu.memory_space<hbm>>
    tpu.wait_dma2 semaphore(%arg19 : memref<!tpu.dma_semaphore, #tpu.memory_space<semaphore_mem>>) src(%arg11 : memref<128x64xf32, #tpu.memory_space<vmem>>) dst(%dma_wait3A_159 : memref<128x64xf32, #tpu.memory_space<hbm>>)
    %parallel_loop3A_160 = arith.constant 0 : i32
    %parallel_loop3A_161 = arith.constant 128 : i32
    %parallel_loop3A_162 = arith.constant 1 : i32
    scf.for %parallel_loop3A_237 = %parallel_loop3A_160 to %parallel_loop3A_161 step %parallel_loop3A_162  : i32 {
      %parallel_loop3A_238 = arith.index_cast %parallel_loop3A_237 : i32 to index
      %parallel_loop3A_239 = arith.constant 0 : index
      %parallel_loop3A_240 = tpu.vector_load %arg7[%parallel_loop3A_238, %parallel_loop3A_239] {strides = array<i32>} : memref<128x64xf32, #tpu.memory_space<vmem>>, vector<1x16xf32>,
      %parallel_loop3A_241 = vector.shape_cast %parallel_loop3A_240 : vector<1x16xf32> to vector<16xf32>
      %parallel_loop3A_242 = arith.constant 8.000000e+00 : f32
      %parallel_loop3A_243 = vector.broadcast %parallel_loop3A_242 : f32 to vector<16xf32>
      %parallel_loop3A_244 = arith.mulf %parallel_loop3A_241, %parallel_loop3A_243 : vector<16xf32>
      %parallel_loop3A_245 = arith.index_cast %parallel_loop3A_237 : i32 to index
      %parallel_loop3A_246 = arith.constant 0 : index
      %parallel_loop3A_247 = tpu.vector_load %arg11[%parallel_loop3A_245, %parallel_loop3A_246] {strides = array<i32>} : memref<128x64xf32, #tpu.memory_space<vmem>>, vector<1x16xf32>,
      %parallel_loop3A_248 = vector.shape_cast %parallel_loop3A_247 : vector<1x16xf32> to vector<16xf32>
      %parallel_loop3A_249 = vector.shape_cast %parallel_loop3A_244 : vector<16xf32> to vector<1x16xf32>
      tpu.vector_store %arg11[%parallel_loop3A_245, %parallel_loop3A_246], %parallel_loop3A_249 {strides = array<i32>} : memref<128x64xf32, #tpu.memory_space<vmem>>, vector<1x16xf32>,
      %parallel_loop3A_250 = arith.index_cast %parallel_loop3A_237 : i32 to index
      %parallel_loop3A_251 = arith.constant 16 : index
      %parallel_loop3A_252 = tpu.vector_load %arg7[%parallel_loop3A_250, %parallel_loop3A_251] {strides = array<i32>} : memref<128x64xf32, #tpu.memory_space<vmem>>, vector<1x16xf32>,
      %parallel_loop3A_253 = vector.shape_cast %parallel_loop3A_252 : vector<1x16xf32> to vector<16xf32>
      %parallel_loop3A_254 = arith.constant 8.000000e+00 : f32
      %parallel_loop3A_255 = vector.broadcast %parallel_loop3A_254 : f32 to vector<16xf32>
      %parallel_loop3A_256 = arith.mulf %parallel_loop3A_253, %parallel_loop3A_255 : vector<16xf32>
      %parallel_loop3A_257 = arith.index_cast %parallel_loop3A_237 : i32 to index
      %parallel_loop3A_258 = arith.constant 16 : index
      %parallel_loop3A_259 = tpu.vector_load %arg11[%parallel_loop3A_257, %parallel_loop3A_258] {strides = array<i32>} : memref<128x64xf32, #tpu.memory_space<vmem>>, vector<1x16xf32>,
      %parallel_loop3A_260 = vector.shape_cast %parallel_loop3A_259 : vector<1x16xf32> to vector<16xf32>
      %parallel_loop3A_261 = vector.shape_cast %parallel_loop3A_256 : vector<16xf32> to vector<1x16xf32>
      tpu.vector_store %arg11[%parallel_loop3A_257, %parallel_loop3A_258], %parallel_loop3A_261 {strides = array<i32>} : memref<128x64xf32, #tpu.memory_space<vmem>>, vector<1x16xf32>,
      %parallel_loop3A_262 = arith.index_cast %parallel_loop3A_237 : i32 to index
      %parallel_loop3A_263 = arith.constant 32 : index
      %parallel_loop3A_264 = tpu.vector_load %arg7[%parallel_loop3A_262, %parallel_loop3A_263] {strides = array<i32>} : memref<128x64xf32, #tpu.memory_space<vmem>>, vector<1x16xf32>,
      %parallel_loop3A_265 = vector.shape_cast %parallel_loop3A_264 : vector<1x16xf32> to vector<16xf32>
      %parallel_loop3A_266 = arith.constant 8.000000e+00 : f32
      %parallel_loop3A_267 = vector.broadcast %parallel_loop3A_266 : f32 to vector<16xf32>
      %parallel_loop3A_268 = arith.mulf %parallel_loop3A_265, %parallel_loop3A_267 : vector<16xf32>
      %parallel_loop3A_269 = arith.index_cast %parallel_loop3A_237 : i32 to index
      %parallel_loop3A_270 = arith.constant 32 : index
      %parallel_loop3A_271 = tpu.vector_load %arg11[%parallel_loop3A_269, %parallel_loop3A_270] {strides = array<i32>} : memref<128x64xf32, #tpu.memory_space<vmem>>, vector<1x16xf32>,
      %parallel_loop3A_272 = vector.shape_cast %parallel_loop3A_271 : vector<1x16xf32> to vector<16xf32>
      %parallel_loop3A_273 = vector.shape_cast %parallel_loop3A_268 : vector<16xf32> to vector<1x16xf32>
      tpu.vector_store %arg11[%parallel_loop3A_269, %parallel_loop3A_270], %parallel_loop3A_273 {strides = array<i32>} : memref<128x64xf32, #tpu.memory_space<vmem>>, vector<1x16xf32>,
      %parallel_loop3A_274 = arith.index_cast %parallel_loop3A_237 : i32 to index
      %parallel_loop3A_275 = arith.constant 48 : index
      %parallel_loop3A_276 = tpu.vector_load %arg7[%parallel_loop3A_274, %parallel_loop3A_275] {strides = array<i32>} : memref<128x64xf32, #tpu.memory_space<vmem>>, vector<1x16xf32>,
      %parallel_loop3A_277 = vector.shape_cast %parallel_loop3A_276 : vector<1x16xf32> to vector<16xf32>
      %parallel_loop3A_278 = arith.constant 8.000000e+00 : f32
      %parallel_loop3A_279 = vector.broadcast %parallel_loop3A_278 : f32 to vector<16xf32>
      %parallel_loop3A_280 = arith.mulf %parallel_loop3A_277, %parallel_loop3A_279 : vector<16xf32>
      %parallel_loop3A_281 = arith.index_cast %parallel_loop3A_237 : i32 to index
      %parallel_loop3A_282 = arith.constant 48 : index
      %parallel_loop3A_283 = tpu.vector_load %arg11[%parallel_loop3A_281, %parallel_loop3A_282] {strides = array<i32>} : memref<128x64xf32, #tpu.memory_space<vmem>>, vector<1x16xf32>,
      %parallel_loop3A_284 = vector.shape_cast %parallel_loop3A_283 : vector<1x16xf32> to vector<16xf32>
      %parallel_loop3A_285 = vector.shape_cast %parallel_loop3A_280 : vector<16xf32> to vector<1x16xf32>
      tpu.vector_store %arg11[%parallel_loop3A_281, %parallel_loop3A_282], %parallel_loop3A_285 {strides = array<i32>} : memref<128x64xf32, #tpu.memory_space<vmem>>, vector<1x16xf32>,
    } {sc.loop_unroll_factor = 8 : i64, sc.parallel_access}
    %add3A_163 = arith.constant 25216 : i32
    %add3A_164 = arith.addi %mul3A_2, %add3A_163 : i32
    %dma_start3A_165 = arith.constant 0 : i32
    %dma_start3A_166 = tpu.memref_slice %arg4[%add3A_164, %dma_start3A_165] : memref<819200x64xf32, #tpu.memory_space<hbm>> -> memref<128x64xf32, #tpu.memory_space<hbm>>
    %dma_start3A_167 = arith.constant 0 : i32
    %dma_start3A_168 = tpu.memref_slice %arg4[%add3A_164, %dma_start3A_167] : memref<819200x64xf32, #tpu.memory_space<hbm>> -> memref<128x64xf32, #tpu.memory_space<hbm>>
    tpu.enqueue_dma source(%arg11 : memref<128x64xf32, #tpu.memory_space<vmem>>) target(%dma_start3A_168 : memref<128x64xf32, #tpu.memory_space<hbm>>) target_semaphore(%arg19 : memref<!tpu.dma_semaphore, #tpu.memory_space<semaphore_mem>>)
    %dma_wait3A_169 = arith.constant 198 : i32
    %dma_wait3A_170 = arith.constant 0 : i32
    %dma_wait3A_171 = tpu.memref_slice %arg5[%dma_wait3A_169, %dma_wait3A_170] : memref<200x128xi32, #tpu.memory_space<vmem>> -> memref<1x128xi32, #tpu.memory_space<vmem>>
    %dma_wait3A_172 = tpu.memref_squeeze %dma_wait3A_171 : memref<1x128xi32, #tpu.memory_space<vmem>> -> memref<128xi32, #tpu.memory_space<vmem>>
    %dma_wait3A_173 = arith.constant 0 : i32
    %dma_wait3A_174 = arith.constant 0 : i32
    %dma_wait3A_175 = tpu.memref_slice %arg2[%dma_wait3A_173, %dma_wait3A_174] : memref<1000000x64xf32, #tpu.memory_space<hbm>> -> memref<1000000x64xf32, #tpu.memory_space<hbm>>
    tpu.wait_indirect_dma semaphore(%arg16 : memref<!tpu.dma_semaphore, #tpu.memory_space<semaphore_mem>>) src(%dma_wait3A_175 : memref<1000000x64xf32, #tpu.memory_space<hbm>>) dst(%arg8 : memref<128x64xf32, #tpu.memory_space<vmem>>)
    %add3A_176 = arith.constant 24832 : i32
    %add3A_177 = arith.addi %mul3A_2, %add3A_176 : i32
    %dma_wait3A_178 = arith.constant 0 : i32
    %dma_wait3A_179 = tpu.memref_slice %arg4[%add3A_177, %dma_wait3A_178] : memref<819200x64xf32, #tpu.memory_space<hbm>> -> memref<128x64xf32, #tpu.memory_space<hbm>>
    %dma_wait3A_180 = arith.constant 0 : i32
    %dma_wait3A_181 = tpu.memref_slice %arg4[%add3A_177, %dma_wait3A_180] : memref<819200x64xf32, #tpu.memory_space<hbm>> -> memref<128x64xf32, #tpu.memory_space<hbm>>
    tpu.wait_dma2 semaphore(%arg20 : memref<!tpu.dma_semaphore, #tpu.memory_space<semaphore_mem>>) src(%arg12 : memref<128x64xf32, #tpu.memory_space<vmem>>) dst(%dma_wait3A_181 : memref<128x64xf32, #tpu.memory_space<hbm>>)
    %parallel_loop3A_182 = arith.constant 0 : i32
    %parallel_loop3A_183 = arith.constant 128 : i32
    %parallel_loop3A_184 = arith.constant 1 : i32
    scf.for %parallel_loop3A_237 = %parallel_loop3A_182 to %parallel_loop3A_183 step %parallel_loop3A_184  : i32 {
      %parallel_loop3A_238 = arith.index_cast %parallel_loop3A_237 : i32 to index
      %parallel_loop3A_239 = arith.constant 0 : index
      %parallel_loop3A_240 = tpu.vector_load %arg8[%parallel_loop3A_238, %parallel_loop3A_239] {strides = array<i32>} : memref<128x64xf32, #tpu.memory_space<vmem>>, vector<1x16xf32>,
      %parallel_loop3A_241 = vector.shape_cast %parallel_loop3A_240 : vector<1x16xf32> to vector<16xf32>
      %parallel_loop3A_242 = arith.constant 8.000000e+00 : f32
      %parallel_loop3A_243 = vector.broadcast %parallel_loop3A_242 : f32 to vector<16xf32>
      %parallel_loop3A_244 = arith.mulf %parallel_loop3A_241, %parallel_loop3A_243 : vector<16xf32>
      %parallel_loop3A_245 = arith.index_cast %parallel_loop3A_237 : i32 to index
      %parallel_loop3A_246 = arith.constant 0 : index
      %parallel_loop3A_247 = tpu.vector_load %arg12[%parallel_loop3A_245, %parallel_loop3A_246] {strides = array<i32>} : memref<128x64xf32, #tpu.memory_space<vmem>>, vector<1x16xf32>,
      %parallel_loop3A_248 = vector.shape_cast %parallel_loop3A_247 : vector<1x16xf32> to vector<16xf32>
      %parallel_loop3A_249 = vector.shape_cast %parallel_loop3A_244 : vector<16xf32> to vector<1x16xf32>
      tpu.vector_store %arg12[%parallel_loop3A_245, %parallel_loop3A_246], %parallel_loop3A_249 {strides = array<i32>} : memref<128x64xf32, #tpu.memory_space<vmem>>, vector<1x16xf32>,
      %parallel_loop3A_250 = arith.index_cast %parallel_loop3A_237 : i32 to index
      %parallel_loop3A_251 = arith.constant 16 : index
      %parallel_loop3A_252 = tpu.vector_load %arg8[%parallel_loop3A_250, %parallel_loop3A_251] {strides = array<i32>} : memref<128x64xf32, #tpu.memory_space<vmem>>, vector<1x16xf32>,
      %parallel_loop3A_253 = vector.shape_cast %parallel_loop3A_252 : vector<1x16xf32> to vector<16xf32>
      %parallel_loop3A_254 = arith.constant 8.000000e+00 : f32
      %parallel_loop3A_255 = vector.broadcast %parallel_loop3A_254 : f32 to vector<16xf32>
      %parallel_loop3A_256 = arith.mulf %parallel_loop3A_253, %parallel_loop3A_255 : vector<16xf32>
      %parallel_loop3A_257 = arith.index_cast %parallel_loop3A_237 : i32 to index
      %parallel_loop3A_258 = arith.constant 16 : index
      %parallel_loop3A_259 = tpu.vector_load %arg12[%parallel_loop3A_257, %parallel_loop3A_258] {strides = array<i32>} : memref<128x64xf32, #tpu.memory_space<vmem>>, vector<1x16xf32>,
      %parallel_loop3A_260 = vector.shape_cast %parallel_loop3A_259 : vector<1x16xf32> to vector<16xf32>
      %parallel_loop3A_261 = vector.shape_cast %parallel_loop3A_256 : vector<16xf32> to vector<1x16xf32>
      tpu.vector_store %arg12[%parallel_loop3A_257, %parallel_loop3A_258], %parallel_loop3A_261 {strides = array<i32>} : memref<128x64xf32, #tpu.memory_space<vmem>>, vector<1x16xf32>,
      %parallel_loop3A_262 = arith.index_cast %parallel_loop3A_237 : i32 to index
      %parallel_loop3A_263 = arith.constant 32 : index
      %parallel_loop3A_264 = tpu.vector_load %arg8[%parallel_loop3A_262, %parallel_loop3A_263] {strides = array<i32>} : memref<128x64xf32, #tpu.memory_space<vmem>>, vector<1x16xf32>,
      %parallel_loop3A_265 = vector.shape_cast %parallel_loop3A_264 : vector<1x16xf32> to vector<16xf32>
      %parallel_loop3A_266 = arith.constant 8.000000e+00 : f32
      %parallel_loop3A_267 = vector.broadcast %parallel_loop3A_266 : f32 to vector<16xf32>
      %parallel_loop3A_268 = arith.mulf %parallel_loop3A_265, %parallel_loop3A_267 : vector<16xf32>
      %parallel_loop3A_269 = arith.index_cast %parallel_loop3A_237 : i32 to index
      %parallel_loop3A_270 = arith.constant 32 : index
      %parallel_loop3A_271 = tpu.vector_load %arg12[%parallel_loop3A_269, %parallel_loop3A_270] {strides = array<i32>} : memref<128x64xf32, #tpu.memory_space<vmem>>, vector<1x16xf32>,
      %parallel_loop3A_272 = vector.shape_cast %parallel_loop3A_271 : vector<1x16xf32> to vector<16xf32>
      %parallel_loop3A_273 = vector.shape_cast %parallel_loop3A_268 : vector<16xf32> to vector<1x16xf32>
      tpu.vector_store %arg12[%parallel_loop3A_269, %parallel_loop3A_270], %parallel_loop3A_273 {strides = array<i32>} : memref<128x64xf32, #tpu.memory_space<vmem>>, vector<1x16xf32>,
      %parallel_loop3A_274 = arith.index_cast %parallel_loop3A_237 : i32 to index
      %parallel_loop3A_275 = arith.constant 48 : index
      %parallel_loop3A_276 = tpu.vector_load %arg8[%parallel_loop3A_274, %parallel_loop3A_275] {strides = array<i32>} : memref<128x64xf32, #tpu.memory_space<vmem>>, vector<1x16xf32>,
      %parallel_loop3A_277 = vector.shape_cast %parallel_loop3A_276 : vector<1x16xf32> to vector<16xf32>
      %parallel_loop3A_278 = arith.constant 8.000000e+00 : f32
      %parallel_loop3A_279 = vector.broadcast %parallel_loop3A_278 : f32 to vector<16xf32>
      %parallel_loop3A_280 = arith.mulf %parallel_loop3A_277, %parallel_loop3A_279 : vector<16xf32>
      %parallel_loop3A_281 = arith.index_cast %parallel_loop3A_237 : i32 to index
      %parallel_loop3A_282 = arith.constant 48 : index
      %parallel_loop3A_283 = tpu.vector_load %arg12[%parallel_loop3A_281, %parallel_loop3A_282] {strides = array<i32>} : memref<128x64xf32, #tpu.memory_space<vmem>>, vector<1x16xf32>,
      %parallel_loop3A_284 = vector.shape_cast %parallel_loop3A_283 : vector<1x16xf32> to vector<16xf32>
      %parallel_loop3A_285 = vector.shape_cast %parallel_loop3A_280 : vector<16xf32> to vector<1x16xf32>
      tpu.vector_store %arg12[%parallel_loop3A_281, %parallel_loop3A_282], %parallel_loop3A_285 {strides = array<i32>} : memref<128x64xf32, #tpu.memory_space<vmem>>, vector<1x16xf32>,
    } {sc.loop_unroll_factor = 8 : i64, sc.parallel_access}
    %add3A_185 = arith.constant 25344 : i32
    %add3A_186 = arith.addi %mul3A_2, %add3A_185 : i32
    %dma_start3A_187 = arith.constant 0 : i32
    %dma_start3A_188 = tpu.memref_slice %arg4[%add3A_186, %dma_start3A_187] : memref<819200x64xf32, #tpu.memory_space<hbm>> -> memref<128x64xf32, #tpu.memory_space<hbm>>
    %dma_start3A_189 = arith.constant 0 : i32
    %dma_start3A_190 = tpu.memref_slice %arg4[%add3A_186, %dma_start3A_189] : memref<819200x64xf32, #tpu.memory_space<hbm>> -> memref<128x64xf32, #tpu.memory_space<hbm>>
    tpu.enqueue_dma source(%arg12 : memref<128x64xf32, #tpu.memory_space<vmem>>) target(%dma_start3A_190 : memref<128x64xf32, #tpu.memory_space<hbm>>) target_semaphore(%arg20 : memref<!tpu.dma_semaphore, #tpu.memory_space<semaphore_mem>>)
    %dma_wait3A_191 = arith.constant 199 : i32
    %dma_wait3A_192 = arith.constant 0 : i32
    %dma_wait3A_193 = tpu.memref_slice %arg5[%dma_wait3A_191, %dma_wait3A_192] : memref<200x128xi32, #tpu.memory_space<vmem>> -> memref<1x128xi32, #tpu.memory_space<vmem>>
    %dma_wait3A_194 = tpu.memref_squeeze %dma_wait3A_193 : memref<1x128xi32, #tpu.memory_space<vmem>> -> memref<128xi32, #tpu.memory_space<vmem>>
    %dma_wait3A_195 = arith.constant 0 : i32
    %dma_wait3A_196 = arith.constant 0 : i32
    %dma_wait3A_197 = tpu.memref_slice %arg2[%dma_wait3A_195, %dma_wait3A_196] : memref<1000000x64xf32, #tpu.memory_space<hbm>> -> memref<1000000x64xf32, #tpu.memory_space<hbm>>
    tpu.wait_indirect_dma semaphore(%arg17 : memref<!tpu.dma_semaphore, #tpu.memory_space<semaphore_mem>>) src(%dma_wait3A_197 : memref<1000000x64xf32, #tpu.memory_space<hbm>>) dst(%arg9 : memref<128x64xf32, #tpu.memory_space<vmem>>)
    %add3A_198 = arith.constant 24960 : i32
    %add3A_199 = arith.addi %mul3A_2, %add3A_198 : i32
    %dma_wait3A_200 = arith.constant 0 : i32
    %dma_wait3A_201 = tpu.memref_slice %arg4[%add3A_199, %dma_wait3A_200] : memref<819200x64xf32, #tpu.memory_space<hbm>> -> memref<128x64xf32, #tpu.memory_space<hbm>>
    %dma_wait3A_202 = arith.constant 0 : i32
    %dma_wait3A_203 = tpu.memref_slice %arg4[%add3A_199, %dma_wait3A_202] : memref<819200x64xf32, #tpu.memory_space<hbm>> -> memref<128x64xf32, #tpu.memory_space<hbm>>
    tpu.wait_dma2 semaphore(%arg21 : memref<!tpu.dma_semaphore, #tpu.memory_space<semaphore_mem>>) src(%arg13 : memref<128x64xf32, #tpu.memory_space<vmem>>) dst(%dma_wait3A_203 : memref<128x64xf32, #tpu.memory_space<hbm>>)
    %parallel_loop3A_204 = arith.constant 0 : i32
    %parallel_loop3A_205 = arith.constant 128 : i32
    %parallel_loop3A_206 = arith.constant 1 : i32
    scf.for %parallel_loop3A_237 = %parallel_loop3A_204 to %parallel_loop3A_205 step %parallel_loop3A_206  : i32 {
      %parallel_loop3A_238 = arith.index_cast %parallel_loop3A_237 : i32 to index
      %parallel_loop3A_239 = arith.constant 0 : index
      %parallel_loop3A_240 = tpu.vector_load %arg9[%parallel_loop3A_238, %parallel_loop3A_239] {strides = array<i32>} : memref<128x64xf32, #tpu.memory_space<vmem>>, vector<1x16xf32>,
      %parallel_loop3A_241 = vector.shape_cast %parallel_loop3A_240 : vector<1x16xf32> to vector<16xf32>
      %parallel_loop3A_242 = arith.constant 8.000000e+00 : f32
      %parallel_loop3A_243 = vector.broadcast %parallel_loop3A_242 : f32 to vector<16xf32>
      %parallel_loop3A_244 = arith.mulf %parallel_loop3A_241, %parallel_loop3A_243 : vector<16xf32>
      %parallel_loop3A_245 = arith.index_cast %parallel_loop3A_237 : i32 to index
      %parallel_loop3A_246 = arith.constant 0 : index
      %parallel_loop3A_247 = tpu.vector_load %arg13[%parallel_loop3A_245, %parallel_loop3A_246] {strides = array<i32>} : memref<128x64xf32, #tpu.memory_space<vmem>>, vector<1x16xf32>,
      %parallel_loop3A_248 = vector.shape_cast %parallel_loop3A_247 : vector<1x16xf32> to vector<16xf32>
      %parallel_loop3A_249 = vector.shape_cast %parallel_loop3A_244 : vector<16xf32> to vector<1x16xf32>
      tpu.vector_store %arg13[%parallel_loop3A_245, %parallel_loop3A_246], %parallel_loop3A_249 {strides = array<i32>} : memref<128x64xf32, #tpu.memory_space<vmem>>, vector<1x16xf32>,
      %parallel_loop3A_250 = arith.index_cast %parallel_loop3A_237 : i32 to index
      %parallel_loop3A_251 = arith.constant 16 : index
      %parallel_loop3A_252 = tpu.vector_load %arg9[%parallel_loop3A_250, %parallel_loop3A_251] {strides = array<i32>} : memref<128x64xf32, #tpu.memory_space<vmem>>, vector<1x16xf32>,
      %parallel_loop3A_253 = vector.shape_cast %parallel_loop3A_252 : vector<1x16xf32> to vector<16xf32>
      %parallel_loop3A_254 = arith.constant 8.000000e+00 : f32
      %parallel_loop3A_255 = vector.broadcast %parallel_loop3A_254 : f32 to vector<16xf32>
      %parallel_loop3A_256 = arith.mulf %parallel_loop3A_253, %parallel_loop3A_255 : vector<16xf32>
      %parallel_loop3A_257 = arith.index_cast %parallel_loop3A_237 : i32 to index
      %parallel_loop3A_258 = arith.constant 16 : index
      %parallel_loop3A_259 = tpu.vector_load %arg13[%parallel_loop3A_257, %parallel_loop3A_258] {strides = array<i32>} : memref<128x64xf32, #tpu.memory_space<vmem>>, vector<1x16xf32>,
      %parallel_loop3A_260 = vector.shape_cast %parallel_loop3A_259 : vector<1x16xf32> to vector<16xf32>
      %parallel_loop3A_261 = vector.shape_cast %parallel_loop3A_256 : vector<16xf32> to vector<1x16xf32>
      tpu.vector_store %arg13[%parallel_loop3A_257, %parallel_loop3A_258], %parallel_loop3A_261 {strides = array<i32>} : memref<128x64xf32, #tpu.memory_space<vmem>>, vector<1x16xf32>,
      %parallel_loop3A_262 = arith.index_cast %parallel_loop3A_237 : i32 to index
      %parallel_loop3A_263 = arith.constant 32 : index
      %parallel_loop3A_264 = tpu.vector_load %arg9[%parallel_loop3A_262, %parallel_loop3A_263] {strides = array<i32>} : memref<128x64xf32, #tpu.memory_space<vmem>>, vector<1x16xf32>,
      %parallel_loop3A_265 = vector.shape_cast %parallel_loop3A_264 : vector<1x16xf32> to vector<16xf32>
      %parallel_loop3A_266 = arith.constant 8.000000e+00 : f32
      %parallel_loop3A_267 = vector.broadcast %parallel_loop3A_266 : f32 to vector<16xf32>
      %parallel_loop3A_268 = arith.mulf %parallel_loop3A_265, %parallel_loop3A_267 : vector<16xf32>
      %parallel_loop3A_269 = arith.index_cast %parallel_loop3A_237 : i32 to index
      %parallel_loop3A_270 = arith.constant 32 : index
      %parallel_loop3A_271 = tpu.vector_load %arg13[%parallel_loop3A_269, %parallel_loop3A_270] {strides = array<i32>} : memref<128x64xf32, #tpu.memory_space<vmem>>, vector<1x16xf32>,
      %parallel_loop3A_272 = vector.shape_cast %parallel_loop3A_271 : vector<1x16xf32> to vector<16xf32>
      %parallel_loop3A_273 = vector.shape_cast %parallel_loop3A_268 : vector<16xf32> to vector<1x16xf32>
      tpu.vector_store %arg13[%parallel_loop3A_269, %parallel_loop3A_270], %parallel_loop3A_273 {strides = array<i32>} : memref<128x64xf32, #tpu.memory_space<vmem>>, vector<1x16xf32>,
      %parallel_loop3A_274 = arith.index_cast %parallel_loop3A_237 : i32 to index
      %parallel_loop3A_275 = arith.constant 48 : index
      %parallel_loop3A_276 = tpu.vector_load %arg9[%parallel_loop3A_274, %parallel_loop3A_275] {strides = array<i32>} : memref<128x64xf32, #tpu.memory_space<vmem>>, vector<1x16xf32>,
      %parallel_loop3A_277 = vector.shape_cast %parallel_loop3A_276 : vector<1x16xf32> to vector<16xf32>
      %parallel_loop3A_278 = arith.constant 8.000000e+00 : f32
      %parallel_loop3A_279 = vector.broadcast %parallel_loop3A_278 : f32 to vector<16xf32>
      %parallel_loop3A_280 = arith.mulf %parallel_loop3A_277, %parallel_loop3A_279 : vector<16xf32>
      %parallel_loop3A_281 = arith.index_cast %parallel_loop3A_237 : i32 to index
      %parallel_loop3A_282 = arith.constant 48 : index
      %parallel_loop3A_283 = tpu.vector_load %arg13[%parallel_loop3A_281, %parallel_loop3A_282] {strides = array<i32>} : memref<128x64xf32, #tpu.memory_space<vmem>>, vector<1x16xf32>,
      %parallel_loop3A_284 = vector.shape_cast %parallel_loop3A_283 : vector<1x16xf32> to vector<16xf32>
      %parallel_loop3A_285 = vector.shape_cast %parallel_loop3A_280 : vector<16xf32> to vector<1x16xf32>
      tpu.vector_store %arg13[%parallel_loop3A_281, %parallel_loop3A_282], %parallel_loop3A_285 {strides = array<i32>} : memref<128x64xf32, #tpu.memory_space<vmem>>, vector<1x16xf32>,
    } {sc.loop_unroll_factor = 8 : i64, sc.parallel_access}
    %add3A_207 = arith.constant 25472 : i32
    %add3A_208 = arith.addi %mul3A_2, %add3A_207 : i32
    %dma_start3A_209 = arith.constant 0 : i32
    %dma_start3A_210 = tpu.memref_slice %arg4[%add3A_208, %dma_start3A_209] : memref<819200x64xf32, #tpu.memory_space<hbm>> -> memref<128x64xf32, #tpu.memory_space<hbm>>
    %dma_start3A_211 = arith.constant 0 : i32
    %dma_start3A_212 = tpu.memref_slice %arg4[%add3A_208, %dma_start3A_211] : memref<819200x64xf32, #tpu.memory_space<hbm>> -> memref<128x64xf32, #tpu.memory_space<hbm>>
    tpu.enqueue_dma source(%arg13 : memref<128x64xf32, #tpu.memory_space<vmem>>) target(%dma_start3A_212 : memref<128x64xf32, #tpu.memory_space<hbm>>) target_semaphore(%arg21 : memref<!tpu.dma_semaphore, #tpu.memory_space<semaphore_mem>>)
    %add3A_213 = arith.constant 25088 : i32
    %add3A_214 = arith.addi %mul3A_2, %add3A_213 : i32
    %dma_wait3A_215 = arith.constant 0 : i32
    %dma_wait3A_216 = tpu.memref_slice %arg4[%add3A_214, %dma_wait3A_215] : memref<819200x64xf32, #tpu.memory_space<hbm>> -> memref<128x64xf32, #tpu.memory_space<hbm>>
    %dma_wait3A_217 = arith.constant 0 : i32
    %dma_wait3A_218 = tpu.memref_slice %arg4[%add3A_214, %dma_wait3A_217] : memref<819200x64xf32, #tpu.memory_space<hbm>> -> memref<128x64xf32, #tpu.memory_space<hbm>>
    tpu.wait_dma2 semaphore(%arg18 : memref<!tpu.dma_semaphore, #tpu.memory_space<semaphore_mem>>) src(%arg10 : memref<128x64xf32, #tpu.memory_space<vmem>>) dst(%dma_wait3A_218 : memref<128x64xf32, #tpu.memory_space<hbm>>)
    %add3A_219 = arith.constant 25216 : i32
    %add3A_220 = arith.addi %mul3A_2, %add3A_219 : i32
    %dma_wait3A_221 = arith.constant 0 : i32
    %dma_wait3A_222 = tpu.memref_slice %arg4[%add3A_220, %dma_wait3A_221] : memref<819200x64xf32, #tpu.memory_space<hbm>> -> memref<128x64xf32, #tpu.memory_space<hbm>>
    %dma_wait3A_223 = arith.constant 0 : i32
    %dma_wait3A_224 = tpu.memref_slice %arg4[%add3A_220, %dma_wait3A_223] : memref<819200x64xf32, #tpu.memory_space<hbm>> -> memref<128x64xf32, #tpu.memory_space<hbm>>
    tpu.wait_dma2 semaphore(%arg19 : memref<!tpu.dma_semaphore, #tpu.memory_space<semaphore_mem>>) src(%arg11 : memref<128x64xf32, #tpu.memory_space<vmem>>) dst(%dma_wait3A_224 : memref<128x64xf32, #tpu.memory_space<hbm>>)
    %add3A_225 = arith.constant 25344 : i32
    %add3A_226 = arith.addi %mul3A_2, %add3A_225 : i32
    %dma_wait3A_227 = arith.constant 0 : i32
    %dma_wait3A_228 = tpu.memref_slice %arg4[%add3A_226, %dma_wait3A_227] : memref<819200x64xf32, #tpu.memory_space<hbm>> -> memref<128x64xf32, #tpu.memory_space<hbm>>
    %dma_wait3A_229 = arith.constant 0 : i32
    %dma_wait3A_230 = tpu.memref_slice %arg4[%add3A_226, %dma_wait3A_229] : memref<819200x64xf32, #tpu.memory_space<hbm>> -> memref<128x64xf32, #tpu.memory_space<hbm>>
    tpu.wait_dma2 semaphore(%arg20 : memref<!tpu.dma_semaphore, #tpu.memory_space<semaphore_mem>>) src(%arg12 : memref<128x64xf32, #tpu.memory_space<vmem>>) dst(%dma_wait3A_230 : memref<128x64xf32, #tpu.memory_space<hbm>>)
    %add3A_231 = arith.constant 25472 : i32
    %add3A_232 = arith.addi %mul3A_2, %add3A_231 : i32
    %dma_wait3A_233 = arith.constant 0 : i32
    %dma_wait3A_234 = tpu.memref_slice %arg4[%add3A_232, %dma_wait3A_233] : memref<819200x64xf32, #tpu.memory_space<hbm>> -> memref<128x64xf32, #tpu.memory_space<hbm>>
    %dma_wait3A_235 = arith.constant 0 : i32
    %dma_wait3A_236 = tpu.memref_slice %arg4[%add3A_232, %dma_wait3A_235] : memref<819200x64xf32, #tpu.memory_space<hbm>> -> memref<128x64xf32, #tpu.memory_space<hbm>>
    tpu.wait_dma2 semaphore(%arg21 : memref<!tpu.dma_semaphore, #tpu.memory_space<semaphore_mem>>) src(%arg13 : memref<128x64xf32, #tpu.memory_space<vmem>>) dst(%dma_wait3A_236 : memref<128x64xf32, #tpu.memory_space<hbm>>)
    return
  }
}

</mosaic_0001>

<sc_bundles>
// kernel: kernel.3.cloned.1.call-start
scs
__scs_entry_jumppad:
0x0: {  	(pc) =	sbr.rel $0x88, $3  }
0x1: {  	(tag) =	ssettag $0x0;
	lr =	simm.s32 $0x1  }
0x2: {  	[smem:$0x3F9F] =	sst lr;
	_ =	strace $0xD0000000  }
0x3: {  	_ = 	snop  }
0x4: {  	_ = 	snop  }
0x5: {  	_ = 	snop  }
0x6: {  	_ = 	snop  }
0x7: {  	_ = 	snop  }
__scs_overlays_trampoline_lowered:
0x8: {  	[smem:$0x3FAE] =	sst s0  }
0x9: {  	[smem:$0x3FAF] =	sst s1  }
0xa: {  	[smem:$0x3FB0] =	sst s2  }
0xb: {  	[smem:$0x3FB1] =	sst s3  }
0xc: {  	[smem:$0x3FB2] =	sst s4  }
0xd: {  	[smem:$0x3FB3] =	sst s5  }
0xe: {  	[smem:$0x3FB4] =	sst s6  }
0xf: {  	[smem:$0x3FB5] =	sst s7  }
0x10: {  	[smem:$0x3FB6] =	sst s8  }
0x11: {  	[smem:$0x3FB7] =	sst s9;
	s0 =	simm.s32 @!p0 $0x0  }
0x12: {  	s1 =	sld [smem:$0x3F9D];
	s0 =	simm.s32 @p0 $0x1  }
0x13: {  	[smem:$0x3FB8] =	sst s0;
	s0 =	simm.s32 @!p1 $0x0  }
0x14: {  	s2 =	sld [smem:$0x3F9C];
	s0 =	simm.s32 @p1 $0x1  }
0x15: {  	[smem:$0x3FB9] =	sst s0;
	s0 =	simm.s32 @!p2 $0x0  }
0x16: {  	s3 =	sld [smem:$0x3FDB];
	s0 =	simm.s32 @p2 $0x1  }
0x17: {  	s4 =	simm.s32 $0x1BF5;
	[smem:$0x3FBB] =	sst s0  }
0x18: {  	s0 =	sld [smem:$0x3F9E];
	_ =	swait.ge [sflag:s4], $0x0  }
0x19: {  	s7 =	sld [smem:$0x3F9F]  }
0x1a: {  	s8 =	sadd.s32 $0xFFFFE003, lr  }
0x1b: {  	s9 =	sadd.s32 $0xFFFFFEF7, lr;
	s5 =	simm.s32 $0xFFFFFFFF;
	p2 =	slt.u32 s8, $0xFFFFF086  }
0x1c: {  	p1 =	slt.u32 s9, $0xF7A;
	s5 =	simm.s32 @!p2 $0x0  }
0x1d: {  	s5 =	simm.s32 @p1 $0x1;
	p0 =	seq.s32 s7, s2  }
0x1e: {  	s7 =	smul.u32 @!p0 $0xF7A, s2;
	p2 =	seq.s32 @!p0 s5, $0x0  }
0x1f: {  	s9 =	smul.u32 $0xF7A, s1;
	s8 =	simm.s32 @!p0 $0x1BF5;
	p2 =	por !p2, p0  }
0x20: {  	[sflag:s8] =	ssyncset.s32 @!p0 $0xFFFFF086;
	s6 =	sadd.s32 @!p0 s3, s7;
	s7 =	simm.s32 @!p0 $0x108  }
0x21: {  	s3 =	sadd.s32 s3, s9;
	s6 =	sadd.s32 @!p0 $0x88, s6;
	s7 =	simm.s32 @p2 $0x1082  }
0x22: {  	[simem:s7], [sflag:s8] =	dma.local @!p0 [hbm:s6], $0xF7A  }
0x23: {  	s9 =	sor.u32 $0xD0000000, s2;
	s6 =	simm.s32 $0x108;
	_ =	swait.ge @!p0 [sflag:s8], $0x0  }
0x24: {  	s3 =	sadd.s32 $0x88, s3;
	s6 =	simm.s32 @!p1 $0x1082;
	[sflag:s4] =	ssyncset.s32 $0xFFFFF086  }
0x25: {  	[simem:s6], [sflag:s4] =	dma.local [hbm:s3], $0xF7A  }
0x26: {  	[smem:$0x3F9F] =	sst s1;
	(tag) =	ssettag s2;
	_ =	strace s9  }
0x27: {  	s1 =	sld [smem:$0x3FAF]  }
0x28: {  	s2 =	sld [smem:$0x3FB0]  }
0x29: {  	s4 =	sld [smem:$0x3FB2]  }
0x2a: {  	p0 =	seq.s32 s5, $0x0;
	s5 =	sld [smem:$0x3FB3]  }
0x2b: {  	s6 =	sld [smem:$0x3FB4]  }
0x2c: {  	s7 =	sld [smem:$0x3FB5]  }
0x2d: {  	s3 =	simm.s32 $0x108;
	s8 =	sld [smem:$0x3FB6]  }
0x2e: {  	s3 =	simm.s32 @!p0 $0x1082;
	s9 =	sld [smem:$0x3FB7]  }
0x2f: {  	lr =	sadd.s32 s0, s3;
	s0 =	sld [smem:$0x3FAE]  }
0x30: {  	s3 =	sld [smem:$0x3FB1]  }
0x31: {  	[smem:$0x3FBA] =	sst s10  }
0x32: {  	s10 =	sld [smem:$0x3FB8];
	_ =	sdelay $0x3  }
0x33: {  	p0 =	seq.s32 s10, $0x1;
	s10 =	sld [smem:$0x3FBA];
	_ =	sdelay $0x3  }
0x34: {  	[smem:$0x3FBA] =	sst s10  }
0x35: {  	s10 =	sld [smem:$0x3FB9];
	_ =	sdelay $0x3  }
0x36: {  	p1 =	seq.s32 s10, $0x1;
	s10 =	sld [smem:$0x3FBA];
	_ =	sdelay $0x3  }
0x37: {  	[smem:$0x3FBA] =	sst s10  }
0x38: {  	s10 =	sld [smem:$0x3FBB]  }
0x39: {  	_ = 	snop;
	(pc) =	sbr.ind lr, $3  }
0x3a: {  	_ = 	snop  }
0x3b: {  	_ = 	snop  }
0x3c: {  	p2 =	seq.s32 s10, $0x1;
	s10 =	sld [smem:$0x3FBA]  }
0x3d: {  	_ =	shalt  }
0x3e: {  	_ =	shalt  }
0x3f: {  	_ =	shalt  }
0x40: {  	_ =	shalt  }
0x41: {  	_ =	shalt  }
0x42: {  	_ =	shalt  }
0x43: {  	_ =	shalt  }
0x44: {  	_ =	shalt  }
0x45: {  	_ =	shalt  }
0x46: {  	_ =	shalt  }
0x47: {  	_ =	shalt  }
0x48: {  	_ =	shalt  }
0x49: {  	_ =	shalt  }
0x4a: {  	_ =	shalt  }
0x4b: {  	_ =	shalt  }
0x4c: {  	_ =	shalt  }
0x4d: {  	_ =	shalt  }
0x4e: {  	_ =	shalt  }
0x4f: {  	_ =	shalt  }
0x50: {  	_ =	shalt  }
0x51: {  	_ =	shalt  }
0x52: {  	_ =	shalt  }
0x53: {  	_ =	shalt  }
0x54: {  	_ =	shalt  }
0x55: {  	_ =	shalt  }
0x56: {  	_ =	shalt  }
0x57: {  	_ =	shalt  }
0x58: {  	_ =	shalt  }
0x59: {  	_ =	shalt  }
0x5a: {  	_ =	shalt  }
0x5b: {  	_ =	shalt  }
0x5c: {  	_ =	shalt  }
0x5d: {  	_ =	shalt  }
0x5e: {  	_ =	shalt  }
0x5f: {  	_ =	shalt  }
0x60: {  	_ =	shalt  }
0x61: {  	_ =	shalt  }
0x62: {  	_ =	shalt  }
0x63: {  	_ =	shalt  }
0x64: {  	_ =	shalt  }
0x65: {  	_ =	shalt  }
0x66: {  	_ =	shalt  }
0x67: {  	_ =	shalt  }
0x68: {  	_ =	shalt  }
0x69: {  	_ =	shalt  }
0x6a: {  	_ =	shalt  }
0x6b: {  	_ =	shalt  }
0x6c: {  	_ =	shalt  }
0x6d: {  	_ =	shalt  }
0x6e: {  	_ =	shalt  }
0x6f: {  	_ =	shalt  }
0x70: {  	_ =	shalt  }
0x71: {  	_ =	shalt  }
0x72: {  	_ =	shalt  }
0x73: {  	_ =	shalt  }
0x74: {  	_ =	shalt  }
0x75: {  	_ =	shalt  }
0x76: {  	_ =	shalt  }
0x77: {  	_ =	shalt  }
0x78: {  	_ =	shalt  }
0x79: {  	_ =	shalt  }
0x7a: {  	_ =	shalt  }
0x7b: {  	_ =	shalt  }
0x7c: {  	_ =	shalt  }
0x7d: {  	_ =	shalt  }
0x7e: {  	_ =	shalt  }
0x7f: {  	_ =	shalt  }
0x80: {  	_ =	shalt  }
0x81: {  	_ =	shalt  }
0x82: {  	_ =	shalt  }
0x83: {  	_ =	shalt  }
0x84: {  	_ =	shalt  }
0x85: {  	_ =	shalt  }
0x86: {  	_ =	shalt  }
0x87: {  	_ =	shalt  }
.Lfunc_end0:
.L_simem_size_0:
called_computation.1_lowered:
.L_overlay_start_0:
0x88: {  	s2 =	sld [smem:$0x3FD9]  }
0x89: {  	s3 =	sld [smem:$0x3FFE];
	_ =	sdelay $0x1  }
0x8a: {  	s1 =	srdreg.scid  }
0x8b: {  	s0 =	sand.u32 $0x1, s1  }
0x8c: {  	s17 =	sshll.u32 s0, $0xA;
	s2 =	sadd.s32 s3, s2  }
0x8d: {  	s2 =	sadd.s32 s2, s17  }
0x8e: {  	[smem:$0x3FC6] =	sst s2  }
0x8f: {  	_ = 	snop  }
0x90: {  	s2 =	sld [smem:$0x3FD0];
	(tm) =	ssettm $0x1  }
0x91: {  	s18 =	sld [smem:$0x3FFB];
	_ =	sdelay $0x3  }
0x92: {  	_ =	strace s18  }
0x93: {  	s3 =	sld [smem:$0x3FFC];
	_ =	sdelay $0x3  }
0x94: {  	_ =	strace s3  }
0x95: {  	s3 =	sld [smem:$0x3FFD];
	_ =	sdelay $0x3  }
0x96: {  	_ =	strace s3  }
0x97: {  	_ =	strace $0x8FFFFFFF  }
0x98: {  	s19 =	sld [smem:$0x3FDB];
	_ =	sdelay $0x1  }
0x99: {  	s4 =	simm.s32 $_scs_section_size  }
0x9a: {  	s5 =	simm.s32 $_size__tile_overlayer_lowered;
	s6 =	simm.s32 $_tile_overlayer_lowered  }
0x9b: {  	s22 =	simm.s32 $0x1BFF;
	s21 =	sshll.u32 s6, $0x1;
	s3 =	sadd.s32 s4, s19  }
0x9c: {  	s7 =	simm.s32 $0x0;
	s20 =	sshll.u32 s5, $0x1;
	s5 =	sadd.s32 s21, s3  }
0x9d: {  	[timem:s7], [sflag:s22] =	dma.local [hbm:s5], s20  }
0x9e: {  	_ =	swait.ge [sflag:s22], s20  }
0x9f: {  	s4 =	ssub.s32 $0x0, s20;
	[sflag:s22] =	ssyncset.done $0x0  }
0xa0: {  	[sflag:s22] =	ssyncadd.s32 s4;
	_ =	sdelay $0x1  }
0xa1: {  	s23 =	simm.s32 $0x1B8B  }
0xa2: {  	_ =	swait.ge [sflag:s23], $0x1  }
0xa3: {  	[sflag:s23] =	ssyncset.done $0x0  }
0xa4: {  	s25 =	simm.s32 $0x1B8E;
	s24 =	sld [smem:$0x3FFE];
	[sflag:s23] =	ssyncadd.s32 $0xFFFFFFFF  }
0xa5: {  	s26 =	simm.s32 $execute0_lowered;
	[smem:$0x3FD2] =	sst s25  }
0xa6: {  	s5 =	sshll.u32 s26, $0x1;
	_ =	strace $0x80000046;
	[dreg:$0x1] =	wrdreg $0xFFFFFFFF  }
0xa7: {  	s28 =	simm.s32 $_size_execute0_lowered;
	s3 =	sadd.s32 s3, s5;
	[dreg:$0x0] =	wrdreg $0x0  }
0xa8: {  	s5 =	sshll.u32 s28, $0x1;
	[dreg:$0x2] =	wrdreg s3  }
0xa9: {  	[dreg:$0x3] =	wrdreg s5  }
0xaa: {  	[dreg:$0x4] =	wrdreg $0xC0  }
0xab: {  	_ =	task [dreg:s7], $0x5FFFF  }
0xac: {  	[dreg:$0x1] =	wrdreg $0xFFFFFFFF  }
0xad: {  	[dreg:$0x0] =	wrdreg $0x60  }
0xae: {  	[dreg:$0x2] =	wrdreg s24  }
0xaf: {  	[dreg:$0x3] =	wrdreg s2  }
0xb0: {  	[dreg:$0x4] =	wrdreg $0x9  }
0xb1: {  	_ =	task.clear_ibuf [dreg:s7], $0x5FFFF;
	_ =	strace $0x90000046  }
0xb2: {  	s29 =	simm.s32 $0x9;
	_ =	strace $0x80000048  }
0xb3: {  	_ =	swait.ge [sflag:s29], $0x1  }
0xb4: {  	[sflag:s29] =	ssyncadd.s32 $0xFFFFFFFF  }
0xb5: {  	_ =	strace $0x90000048  }
0xb6: {  	_ =	sfence  }
0xb7: {  	s30 =	sld [smem:$0x0];
	_ =	sdelay $0x2  }
0xb8: {  	s31 =	sshll.u32 s1, $0xD;
	s1 =	sshrl.u32 s1, $0x2  }
0xb9: {  	s3 =	sand.u32 $0x4000, s31;
	s1 =	sadd.s32 s1, s30  }
0xba: {  	s0 =	sor.u32 s3, s0;
	s1 =	sshll.u32 s1, $0x11  }
0xbb: {  	s0 =	sor.u32 s1, s0  }
0xbc: {  	s0 =	sadd.s32 $0x8F2B, s0  }
0xbd: {  	[sflag:s0] =	ssyncadd.remote.s32 $0x1  }
0xbe: {  	_ =	sfence.sel $0xFFFF  }
0xbf: {  	[dreg:$0x0] =	wrdreg $0xFFFFFFFF;
	(pc) =	sbr.abs _section_cstart, $3  }
0xc0: {  	[dreg:$0x1] =	wrdreg $0xFFFFFFFF  }
0xc1: {  	_ =	task.clear_ibuf [dreg:s7], $0x2FFFF;
	_ =	strace $0x9FFFFFFF  }
0xc2: {  	(tm) =	ssettm $0x7FFFFFFF  }
0xc3: {  	_ =	shalt  }
tec
execute0_lowered:
.L_overlay_start_1:
0x0: {  	(tag) =	ssettag $0x1  }
0x1: {  	s0 =	rddreg [dreg:$0x0];
	s1 =	srdreg.scid  }
0x2: {  	s3 =	stileid.u32;
	s2 =	rddreg [dreg:$0x1];
	s28 =	simm.s32 $0x1  }
0x3: {  	s29 =	simm.s32 $0xE400;
	s31 =	simm.s32 $0x2;
	s30 =	simm.s32 $0x14400  }
0x4: {  	s9 =	simm.s32 $0x7;
	s1 =	sand.u32 $0x1, s1;
	s4 =	sshll.u32 s3, $0x1  }
0x5: {  	s10 =	simm.s32 $0x8;
	s14 =	simm.s32 $0x0;
	s5 =	sor.u32 s1, s4  }
0x6: {  	s3 =	simm.s32 $0x0;
	s1 =	ssub.s32 $0x2, s1;
	s7 =	smul.u32 $0x6400, s5  }
0x7: {  	[smem:$0x7FF] =	sst s3;
	s8 =	smul.u32 $0x32000, s5;
	s18 =	sshrl.u32 s1, $0x1  }
0x8: {  	s4 =	sadd.s32 $0xF42E00, s0;
	_ =	strace $0x80000047;
	s1 =	ssub.s32 s1, s18  }
0x9: {  	s6 =	sshrl.u32 s7, $0x3;
	s8 =	sadd.s32 s2, s8;
	s11 =	sor.u32 $0x80, s7  }
0xa: {  	s12 =	sor.u32 $0x100, s7;
	s13 =	sor.u32 $0x180, s7;
	s26 =	smax.u32 s1, $0x1  }
0xb: {  	s1 =	simm.s32 $0x10400;
	s0 =	sadd.s32 s6, s0;
	[dreg:$0x3] =	wrdreg s8  }
0xc: {  	s6 =	smul.u32 $0x190000, s5;
	s19 =	sadd.s32 $0x400, s8;
	[dreg:$0xc] =	wrdreg s26  }
0xd: {  	s7 =	simm.s32 $0x5;
	s20 =	sadd.s32 $0x800, s8;
	[dreg:$0x5] =	wrdreg s19  }
0xe: {  	s0 =	sadd.s32 $0xA00, s0;
	[dreg:$0x6] =	wrdreg s20;
	s22 =	sshrl.u32 s6, $0x3  }
0xf: {  	s21 =	sadd.s32 $0xC00, s8;
	[dreg:$0x4] =	wrdreg s0;
	s0 =	sadd.s32 s2, s22  }
0x10: {  	s26 =	simm.s32 $0xC400;
	[dreg:$0x7] =	wrdreg s21;
	s23 =	sadd.s32 $0x31000, s0  }
0x11: {  	s8 =	simm.s32 $0x6;
	s24 =	sadd.s32 $0x31400, s0;
	[dreg:$0x8] =	wrdreg s23  }
0x12: {  	s20 =	simm.s32 $0x80;
	s25 =	sadd.s32 $0x31800, s0;
	[dreg:$0x9] =	wrdreg s24  }
0x13: {  	s21 =	simm.s32 $0x6400;
	s0 =	sadd.s32 $0x31C00, s0;
	[dreg:$0xa] =	wrdreg s25  }
0x14: {  	s22 =	simm.s32 $0x8400;
	[dreg:$0xb] =	wrdreg s0;
	s24 =	simm.s32 $0xA400  }
0x15: {  	s23 =	simm.s32 $0x3;
	s25 =	simm.s32 $0x12400;
	s0 =	simm.s32 $0x4  }
.LBB2_1:
0x16: {  	s5 =	rddreg [dreg:$0x4];
	s16 =	simm.s32 $0x9  }
0x17: {  	[tilespmem:s3], [sflag:$0x9] =	stream.linear.gather [hbm4b:s5+s3], $0x6400, $0x38;
	[tilespmem:$0x16400] =	vst v63  }
0x18: {  	_ =	swait.ge [sflag:s16], $0x6400  }
0x19: {  	[sflag:s16] =	ssyncset.done $0x0  }
0x1a: {  	[sflag:s16] =	ssyncadd.s32 $0xFFFF9C00  }
0x1b: {  	[tilespmem:s21], [sflag:$0x1] =	stream.indirect.gather [hbm4b:s4+s20], $0x40, s3, s20, $0xb8;
	[tilespmem:$0x16400] =	vst v63  }
0x1c: {  	_ = 	snop  }
0x1d: {  	[tilespmem:s22], [sflag:$0x2] =	stream.indirect.gather [hbm4b:s4+s20], $0x40, s20, s20, $0xb8;
	[tilespmem:$0x16400] =	vst v63  }
0x1e: {  	s17 =	simm.s32 $0x100  }
0x1f: {  	[tilespmem:s24], [sflag:$0x3] =	stream.indirect.gather [hbm4b:s4+s20], $0x40, s17, s20, $0xb8;
	[tilespmem:$0x16400] =	vst v63  }
0x20: {  	s18 =	simm.s32 $0x180  }
0x21: {  	[tilespmem:s26], [sflag:$0x4] =	stream.indirect.gather [hbm4b:s4+s20], $0x40, s18, s20, $0xb8;
	[tilespmem:$0x16400] =	vst v63  }
0x22: {  	_ =	swait.ge [sflag:s28], $0x2000  }
0x23: {  	[sflag:s28] =	ssyncset.done $0x0  }
0x24: {  	s19 =	simm.s32 $0x6500;
	[sflag:s28] =	ssyncadd.s32 $0xFFFFE000  }
0x25: {  	v0 =	vld [tilespmem:s19+$0xC0]  }
0x26: {  	v1 =	vld [tilespmem:s19+$0xFFFFFF40]  }
0x27: {  	v2 =	vld [tilespmem:s19+$0xFFFFFF80]  }
0x28: {  	v3 =	vld [tilespmem:s19+$0xFFFFFFC0]  }
0x29: {  	v4 =	vld [tilespmem:s19+$0x0]  }
0x2a: {  	v5 =	vld [tilespmem:s19+$0x40];
	v0 =	vmul.f32 $8.000000000e+00, v0  }
0x2b: {  	s15 =	simm.s32 $0xE500;
	v6 =	vld [tilespmem:s19+$0x80];
	v1 =	vmul.f32 $8.000000000e+00, v1  }
0x2c: {  	v7 =	vld [tilespmem:s19+$0xFFFFFF00];
	v2 =	vmul.f32 $8.000000000e+00, v2;
	[tilespmem:s15+$0xC0] =	vst v0  }
0x2d: {  	[tilespmem:s15+$0xFFFFFF40] =	vst v1;
	v0 =	vmul.f32 $8.000000000e+00, v3;
	v1 =	vld [tilespmem:s19+$0xD0]  }
0x2e: {  	[tilespmem:s15+$0xFFFFFF80] =	vst v2;
	v2 =	vmul.f32 $8.000000000e+00, v4;
	v3 =	vld [tilespmem:s19+$0xFFFFFF50]  }
0x2f: {  	v4 =	vld [tilespmem:s19+$0xFFFFFF90];
	[tilespmem:s15+$0xFFFFFFC0] =	vst v0;
	v0 =	vmul.f32 $8.000000000e+00, v5  }
0x30: {  	[tilespmem:s15+$0x0] =	vst v2;
	v2 =	vmul.f32 $8.000000000e+00, v6;
	v5 =	vld [tilespmem:s19+$0xFFFFFFD0]  }
0x31: {  	v6 =	vmul.f32 $8.000000000e+00, v7;
	v7 =	vld [tilespmem:s19+$0x10];
	[tilespmem:s15+$0x40] =	vst v0  }
0x32: {  	[tilespmem:s15+$0x80] =	vst v2;
	v0 =	vld [tilespmem:s19+$0x50];
	v1 =	vmul.f32 $8.000000000e+00, v1  }
0x33: {  	[tilespmem:s15+$0xFFFFFF00] =	vst v6;
	v2 =	vmul.f32 $8.000000000e+00, v3;
	v3 =	vld [tilespmem:s19+$0x90]  }
0x34: {  	v6 =	vld [tilespmem:s19+$0xFFFFFF10];
	v4 =	vmul.f32 $8.000000000e+00, v4;
	[tilespmem:s15+$0xD0] =	vst v1  }
0x35: {  	[tilespmem:s15+$0xFFFFFF50] =	vst v2;
	v1 =	vmul.f32 $8.000000000e+00, v5;
	v2 =	vld [tilespmem:s19+$0xE0]  }
0x36: {  	[tilespmem:s15+$0xFFFFFF90] =	vst v4;
	v4 =	vmul.f32 $8.000000000e+00, v7;
	v5 =	vld [tilespmem:s19+$0xFFFFFF60]  }
0x37: {  	v7 =	vld [tilespmem:s19+$0xFFFFFFA0];
	[tilespmem:s15+$0xFFFFFFD0] =	vst v1;
	v0 =	vmul.f32 $8.000000000e+00, v0  }
0x38: {  	[tilespmem:s15+$0x10] =	vst v4;
	v1 =	vld [tilespmem:s19+$0xFFFFFFE0];
	v3 =	vmul.f32 $8.000000000e+00, v3  }
0x39: {  	v4 =	vmul.f32 $8.000000000e+00, v6;
	v6 =	vld [tilespmem:s19+$0x20];
	[tilespmem:s15+$0x50] =	vst v0  }
0x3a: {  	v0 =	vld [tilespmem:s19+$0x60];
	[tilespmem:s15+$0x90] =	vst v3;
	v2 =	vmul.f32 $8.000000000e+00, v2  }
0x3b: {  	[tilespmem:s15+$0xFFFFFF10] =	vst v4;
	v3 =	vmul.f32 $8.000000000e+00, v5;
	v4 =	vld [tilespmem:s19+$0xA0]  }
0x3c: {  	v5 =	vld [tilespmem:s19+$0xFFFFFF20];
	v7 =	vmul.f32 $8.000000000e+00, v7;
	[tilespmem:s15+$0xE0] =	vst v2  }
0x3d: {  	[tilespmem:s15+$0xFFFFFF60] =	vst v3;
	v1 =	vmul.f32 $8.000000000e+00, v1;
	v3 =	vld [tilespmem:s19+$0xF0]  }
0x3e: {  	[tilespmem:s15+$0xFFFFFFA0] =	vst v7;
	v2 =	vmul.f32 $8.000000000e+00, v6;
	v8 =	vld [tilespmem:s19+$0xFFFFFF70]  }
0x3f: {  	v7 =	vld [tilespmem:s19+$0xFFFFFFB0];
	[tilespmem:s15+$0xFFFFFFE0] =	vst v1;
	v1 =	vmul.f32 $8.000000000e+00, v0  }
0x40: {  	[tilespmem:s15+$0x20] =	vst v2;
	v0 =	vld [tilespmem:s19+$0xFFFFFFF0];
	v4 =	vmul.f32 $8.000000000e+00, v4  }
0x41: {  	v5 =	vmul.f32 $8.000000000e+00, v5;
	v2 =	vld [tilespmem:s19+$0x30];
	[tilespmem:s15+$0x60] =	vst v1  }
0x42: {  	v1 =	vld [tilespmem:s19+$0x70];
	[tilespmem:s15+$0xA0] =	vst v4;
	v9 =	vmul.f32 $8.000000000e+00, v3  }
0x43: {  	[tilespmem:s15+$0xFFFFFF20] =	vst v5;
	v3 =	vld [tilespmem:s19+$0xB0];
	v6 =	vmul.f32 $8.000000000e+00, v8  }
0x44: {  	s5 =	simm.s32 $0x6700;
	s16 =	simm.s32 $0x0;
	v4 =	vld [tilespmem:s19+$0xFFFFFF30];
	v5 =	vmul.f32 $8.000000000e+00, v7;
	[tilespmem:s15+$0xF0] =	vst v9  }
.LBB2_2:
0x45: {  	v7 =	vld [tilespmem:s5+$0xC0];
	s16 =	sadd.s32 $0x8, s16;
	[tilespmem:s15+$0xFFFFFF70] =	vst v6;
	v0 =	vmul.f32 $8.000000000e+00, v0  }
0x46: {  	v6 =	vld [tilespmem:s5+$0xFFFFFF40];
	p0 =	slt.u32 s16, $0x78;
	[tilespmem:s15+$0xFFFFFFB0] =	vst v5;
	v2 =	vmul.f32 $8.000000000e+00, v2  }
0x47: {  	v5 =	vld [tilespmem:s5+$0xFFFFFF80];
	[tilespmem:s15+$0xFFFFFFF0] =	vst v0;
	v0 =	vmul.f32 $8.000000000e+00, v1  }
0x48: {  	v1 =	vld [tilespmem:s5+$0xFFFFFFC0];
	[tilespmem:s15+$0x30] =	vst v2;
	v2 =	vmul.f32 $8.000000000e+00, v3  }
0x49: {  	v3 =	vld [tilespmem:s5+$0x0];
	v4 =	vmul.f32 $8.000000000e+00, v4;
	[tilespmem:s15+$0x70] =	vst v0  }
0x4a: {  	v0 =	vld [tilespmem:s5+$0x40];
	v7 =	vmul.f32 $8.000000000e+00, v7;
	[tilespmem:s15+$0xB0] =	vst v2  }
0x4b: {  	v2 =	vmul.f32 $8.000000000e+00, v6;
	v6 =	vld [tilespmem:s5+$0x80];
	[tilespmem:s15+$0xFFFFFF30] =	vst v4;
	s15 =	sadd.s32 $0x200, s15  }
0x4c: {  	v4 =	vld [tilespmem:s5+$0xFFFFFF00];
	v5 =	vmul.f32 $8.000000000e+00, v5;
	[tilespmem:s15+$0xC0] =	vst v7  }
0x4d: {  	[tilespmem:s15+$0xFFFFFF40] =	vst v2;
	v1 =	vmul.f32 $8.000000000e+00, v1;
	v2 =	vld [tilespmem:s5+$0xD0]  }
0x4e: {  	v7 =	vld [tilespmem:s5+$0xFFFFFF50];
	[tilespmem:s15+$0xFFFFFF80] =	vst v5;
	v3 =	vmul.f32 $8.000000000e+00, v3  }
0x4f: {  	v5 =	vld [tilespmem:s5+$0xFFFFFF90];
	[tilespmem:s15+$0xFFFFFFC0] =	vst v1;
	v0 =	vmul.f32 $8.000000000e+00, v0  }
0x50: {  	v1 =	vld [tilespmem:s5+$0xFFFFFFD0];
	[tilespmem:s15+$0x0] =	vst v3;
	v3 =	vmul.f32 $8.000000000e+00, v6  }
0x51: {  	v4 =	vmul.f32 $8.000000000e+00, v4;
	v6 =	vld [tilespmem:s5+$0x10];
	[tilespmem:s15+$0x40] =	vst v0  }
0x52: {  	v0 =	vld [tilespmem:s5+$0x50];
	[tilespmem:s15+$0x80] =	vst v3;
	v2 =	vmul.f32 $8.000000000e+00, v2  }
0x53: {  	[tilespmem:s15+$0xFFFFFF00] =	vst v4;
	v3 =	vmul.f32 $8.000000000e+00, v7;
	v4 =	vld [tilespmem:s5+$0x90]  }
0x54: {  	v7 =	vld [tilespmem:s5+$0xFFFFFF10];
	v5 =	vmul.f32 $8.000000000e+00, v5;
	[tilespmem:s15+$0xD0] =	vst v2  }
0x55: {  	[tilespmem:s15+$0xFFFFFF50] =	vst v3;
	v1 =	vmul.f32 $8.000000000e+00, v1;
	v2 =	vld [tilespmem:s5+$0xE0]  }
0x56: {  	v3 =	vld [tilespmem:s5+$0xFFFFFF60];
	[tilespmem:s15+$0xFFFFFF90] =	vst v5;
	v5 =	vmul.f32 $8.000000000e+00, v6  }
0x57: {  	v6 =	vld [tilespmem:s5+$0xFFFFFFA0];
	[tilespmem:s15+$0xFFFFFFD0] =	vst v1;
	v0 =	vmul.f32 $8.000000000e+00, v0  }
0x58: {  	v1 =	vld [tilespmem:s5+$0xFFFFFFE0];
	[tilespmem:s15+$0x10] =	vst v5;
	v4 =	vmul.f32 $8.000000000e+00, v4  }
0x59: {  	v5 =	vmul.f32 $8.000000000e+00, v7;
	v7 =	vld [tilespmem:s5+$0x20];
	[tilespmem:s15+$0x50] =	vst v0  }
0x5a: {  	v0 =	vld [tilespmem:s5+$0x60];
	[tilespmem:s15+$0x90] =	vst v4;
	v2 =	vmul.f32 $8.000000000e+00, v2  }
0x5b: {  	[tilespmem:s15+$0xFFFFFF10] =	vst v5;
	v3 =	vmul.f32 $8.000000000e+00, v3;
	v4 =	vld [tilespmem:s5+$0xA0]  }
0x5c: {  	v5 =	vld [tilespmem:s5+$0xFFFFFF20];
	v6 =	vmul.f32 $8.000000000e+00, v6;
	[tilespmem:s15+$0xE0] =	vst v2  }
0x5d: {  	[tilespmem:s15+$0xFFFFFF60] =	vst v3;
	v1 =	vmul.f32 $8.000000000e+00, v1;
	v3 =	vld [tilespmem:s5+$0xF0]  }
0x5e: {  	v8 =	vld [tilespmem:s5+$0xFFFFFF70];
	[tilespmem:s15+$0xFFFFFFA0] =	vst v6;
	v2 =	vmul.f32 $8.000000000e+00, v7  }
0x5f: {  	v7 =	vld [tilespmem:s5+$0xFFFFFFB0];
	[tilespmem:s15+$0xFFFFFFE0] =	vst v1;
	v1 =	vmul.f32 $8.000000000e+00, v0  }
.Ltmp0:
0x60: {  	v0 =	vld [tilespmem:s5+$0xFFFFFFF0];
	[tilespmem:s15+$0x20] =	vst v2;
	v4 =	vmul.f32 $8.000000000e+00, v4;
	(pc) =	sbr.rel @p0 .LBB2_2-.Ltmp0, $4  }
0x61: {  	v5 =	vmul.f32 $8.000000000e+00, v5;
	v2 =	vld [tilespmem:s5+$0x30];
	[tilespmem:s15+$0x60] =	vst v1  }
0x62: {  	v1 =	vld [tilespmem:s5+$0x70];
	[tilespmem:s15+$0xA0] =	vst v4;
	v9 =	vmul.f32 $8.000000000e+00, v3  }
0x63: {  	[tilespmem:s15+$0xFFFFFF20] =	vst v5;
	v6 =	vmul.f32 $8.000000000e+00, v8;
	v3 =	vld [tilespmem:s5+$0xB0]  }
0x64: {  	v4 =	vld [tilespmem:s5+$0xFFFFFF30];
	v5 =	vmul.f32 $8.000000000e+00, v7;
	[tilespmem:s15+$0xF0] =	vst v9;
	s5 =	sadd.s32 $0x200, s5  }
0x65: {  	[tilespmem:s15+$0xFFFFFF70] =	vst v6;
	v0 =	vmul.f32 $8.000000000e+00, v0  }
0x66: {  	[tilespmem:s15+$0xFFFFFFB0] =	vst v5;
	v2 =	vmul.f32 $8.000000000e+00, v2  }
0x67: {  	[tilespmem:s15+$0xFFFFFFF0] =	vst v0;
	v0 =	vmul.f32 $8.000000000e+00, v1  }
0x68: {  	[tilespmem:s15+$0x30] =	vst v2;
	v1 =	vmul.f32 $8.000000000e+00, v3  }
0x69: {  	v2 =	vmul.f32 $8.000000000e+00, v4;
	[tilespmem:s15+$0x70] =	vst v0  }
0x6a: {  	[tilespmem:s15+$0xB0] =	vst v1  }
0x6b: {  	[tilespmem:s15+$0xFFFFFF30] =	vst v2  }
0x6c: {  	s5 =	rddreg [dreg:$0x3]  }
0x6d: {  	[hbm4b:s5+s3] =	stream.linear.scatter [tilespmem:s29], [sflag:$0x5], $0x2000, $0x38;
	[tilespmem:$0x16400] =	vst v63  }
0x6e: {  	s18 =	simm.s32 $0x200  }
0x6f: {  	[tilespmem:s21], [sflag:$0x1] =	stream.indirect.gather [hbm4b:s4+s20], $0x40, s18, s20, $0xb8;
	[tilespmem:$0x16400] =	vst v63  }
0x70: {  	_ =	swait.ge [sflag:s31], $0x2000  }
0x71: {  	[sflag:s31] =	ssyncset.done $0x0  }
0x72: {  	s19 =	simm.s32 $0x8500;
	[sflag:s31] =	ssyncadd.s32 $0xFFFFE000  }
0x73: {  	v0 =	vld [tilespmem:s19+$0xC0]  }
0x74: {  	v1 =	vld [tilespmem:s19+$0xFFFFFF40]  }
0x75: {  	v2 =	vld [tilespmem:s19+$0xFFFFFF80]  }
0x76: {  	v3 =	vld [tilespmem:s19+$0xFFFFFFC0]  }
0x77: {  	v4 =	vld [tilespmem:s19+$0x0]  }
0x78: {  	v5 =	vld [tilespmem:s19+$0x40];
	v0 =	vmul.f32 $8.000000000e+00, v0  }
0x79: {  	s15 =	simm.s32 $0x10500;
	v6 =	vld [tilespmem:s19+$0x80];
	v1 =	vmul.f32 $8.000000000e+00, v1  }
0x7a: {  	v7 =	vld [tilespmem:s19+$0xFFFFFF00];
	v2 =	vmul.f32 $8.000000000e+00, v2;
	[tilespmem:s15+$0xC0] =	vst v0  }
0x7b: {  	[tilespmem:s15+$0xFFFFFF40] =	vst v1;
	v0 =	vmul.f32 $8.000000000e+00, v3;
	v1 =	vld [tilespmem:s19+$0xD0]  }
0x7c: {  	[tilespmem:s15+$0xFFFFFF80] =	vst v2;
	v2 =	vmul.f32 $8.000000000e+00, v4;
	v3 =	vld [tilespmem:s19+$0xFFFFFF50]  }
0x7d: {  	v4 =	vld [tilespmem:s19+$0xFFFFFF90];
	[tilespmem:s15+$0xFFFFFFC0] =	vst v0;
	v0 =	vmul.f32 $8.000000000e+00, v5  }
0x7e: {  	[tilespmem:s15+$0x0] =	vst v2;
	v2 =	vmul.f32 $8.000000000e+00, v6;
	v5 =	vld [tilespmem:s19+$0xFFFFFFD0]  }
0x7f: {  	v6 =	vmul.f32 $8.000000000e+00, v7;
	v7 =	vld [tilespmem:s19+$0x10];
	[tilespmem:s15+$0x40] =	vst v0  }
0x80: {  	[tilespmem:s15+$0x80] =	vst v2;
	v0 =	vld [tilespmem:s19+$0x50];
	v1 =	vmul.f32 $8.000000000e+00, v1  }
0x81: {  	[tilespmem:s15+$0xFFFFFF00] =	vst v6;
	v2 =	vmul.f32 $8.000000000e+00, v3;
	v3 =	vld [tilespmem:s19+$0x90]  }
0x82: {  	v6 =	vld [tilespmem:s19+$0xFFFFFF10];
	v4 =	vmul.f32 $8.000000000e+00, v4;
	[tilespmem:s15+$0xD0] =	vst v1  }
0x83: {  	[tilespmem:s15+$0xFFFFFF50] =	vst v2;
	v1 =	vmul.f32 $8.000000000e+00, v5;
	v2 =	vld [tilespmem:s19+$0xE0]  }
0x84: {  	[tilespmem:s15+$0xFFFFFF90] =	vst v4;
	v4 =	vmul.f32 $8.000000000e+00, v7;
	v5 =	vld [tilespmem:s19+$0xFFFFFF60]  }
0x85: {  	v7 =	vld [tilespmem:s19+$0xFFFFFFA0];
	[tilespmem:s15+$0xFFFFFFD0] =	vst v1;
	v0 =	vmul.f32 $8.000000000e+00, v0  }
0x86: {  	[tilespmem:s15+$0x10] =	vst v4;
	v1 =	vld [tilespmem:s19+$0xFFFFFFE0];
	v3 =	vmul.f32 $8.000000000e+00, v3  }
0x87: {  	v4 =	vmul.f32 $8.000000000e+00, v6;
	v6 =	vld [tilespmem:s19+$0x20];
	[tilespmem:s15+$0x50] =	vst v0  }
0x88: {  	v0 =	vld [tilespmem:s19+$0x60];
	[tilespmem:s15+$0x90] =	vst v3;
	v2 =	vmul.f32 $8.000000000e+00, v2  }
0x89: {  	[tilespmem:s15+$0xFFFFFF10] =	vst v4;
	v3 =	vmul.f32 $8.000000000e+00, v5;
	v4 =	vld [tilespmem:s19+$0xA0]  }
0x8a: {  	v5 =	vld [tilespmem:s19+$0xFFFFFF20];
	v7 =	vmul.f32 $8.000000000e+00, v7;
	[tilespmem:s15+$0xE0] =	vst v2  }
0x8b: {  	[tilespmem:s15+$0xFFFFFF60] =	vst v3;
	v1 =	vmul.f32 $8.000000000e+00, v1;
	v3 =	vld [tilespmem:s19+$0xF0]  }
0x8c: {  	[tilespmem:s15+$0xFFFFFFA0] =	vst v7;
	v2 =	vmul.f32 $8.000000000e+00, v6;
	v8 =	vld [tilespmem:s19+$0xFFFFFF70]  }
0x8d: {  	v7 =	vld [tilespmem:s19+$0xFFFFFFB0];
	[tilespmem:s15+$0xFFFFFFE0] =	vst v1;
	v1 =	vmul.f32 $8.000000000e+00, v0  }
0x8e: {  	[tilespmem:s15+$0x20] =	vst v2;
	v0 =	vld [tilespmem:s19+$0xFFFFFFF0];
	v4 =	vmul.f32 $8.000000000e+00, v4  }
0x8f: {  	v5 =	vmul.f32 $8.000000000e+00, v5;
	v2 =	vld [tilespmem:s19+$0x30];
	[tilespmem:s15+$0x60] =	vst v1  }
0x90: {  	v1 =	vld [tilespmem:s19+$0x70];
	[tilespmem:s15+$0xA0] =	vst v4;
	v9 =	vmul.f32 $8.000000000e+00, v3  }
0x91: {  	[tilespmem:s15+$0xFFFFFF20] =	vst v5;
	v3 =	vld [tilespmem:s19+$0xB0];
	v6 =	vmul.f32 $8.000000000e+00, v8  }
0x92: {  	s16 =	simm.s32 $0x0;
	s5 =	simm.s32 $0x8700;
	v4 =	vld [tilespmem:s19+$0xFFFFFF30];
	v5 =	vmul.f32 $8.000000000e+00, v7;
	[tilespmem:s15+$0xF0] =	vst v9  }
.LBB2_4:
0x93: {  	v7 =	vld [tilespmem:s5+$0xC0];
	s16 =	sadd.s32 $0x8, s16;
	[tilespmem:s15+$0xFFFFFF70] =	vst v6;
	v0 =	vmul.f32 $8.000000000e+00, v0  }
0x94: {  	v6 =	vld [tilespmem:s5+$0xFFFFFF40];
	p0 =	slt.u32 s16, $0x78;
	[tilespmem:s15+$0xFFFFFFB0] =	vst v5;
	v2 =	vmul.f32 $8.000000000e+00, v2  }
0x95: {  	v5 =	vld [tilespmem:s5+$0xFFFFFF80];
	[tilespmem:s15+$0xFFFFFFF0] =	vst v0;
	v0 =	vmul.f32 $8.000000000e+00, v1  }
0x96: {  	v1 =	vld [tilespmem:s5+$0xFFFFFFC0];
	[tilespmem:s15+$0x30] =	vst v2;
	v2 =	vmul.f32 $8.000000000e+00, v3  }
0x97: {  	v3 =	vld [tilespmem:s5+$0x0];
	v4 =	vmul.f32 $8.000000000e+00, v4;
	[tilespmem:s15+$0x70] =	vst v0  }
0x98: {  	v0 =	vld [tilespmem:s5+$0x40];
	v7 =	vmul.f32 $8.000000000e+00, v7;
	[tilespmem:s15+$0xB0] =	vst v2  }
0x99: {  	v2 =	vmul.f32 $8.000000000e+00, v6;
	v6 =	vld [tilespmem:s5+$0x80];
	[tilespmem:s15+$0xFFFFFF30] =	vst v4;
	s15 =	sadd.s32 $0x200, s15  }
0x9a: {  	v4 =	vld [tilespmem:s5+$0xFFFFFF00];
	v5 =	vmul.f32 $8.000000000e+00, v5;
	[tilespmem:s15+$0xC0] =	vst v7  }
0x9b: {  	[tilespmem:s15+$0xFFFFFF40] =	vst v2;
	v1 =	vmul.f32 $8.000000000e+00, v1;
	v2 =	vld [tilespmem:s5+$0xD0]  }
0x9c: {  	v7 =	vld [tilespmem:s5+$0xFFFFFF50];
	[tilespmem:s15+$0xFFFFFF80] =	vst v5;
	v3 =	vmul.f32 $8.000000000e+00, v3  }
0x9d: {  	v5 =	vld [tilespmem:s5+$0xFFFFFF90];
	[tilespmem:s15+$0xFFFFFFC0] =	vst v1;
	v0 =	vmul.f32 $8.000000000e+00, v0  }
0x9e: {  	v1 =	vld [tilespmem:s5+$0xFFFFFFD0];
	[tilespmem:s15+$0x0] =	vst v3;
	v3 =	vmul.f32 $8.000000000e+00, v6  }
0x9f: {  	v4 =	vmul.f32 $8.000000000e+00, v4;
	v6 =	vld [tilespmem:s5+$0x10];
	[tilespmem:s15+$0x40] =	vst v0  }
0xa0: {  	v0 =	vld [tilespmem:s5+$0x50];
	[tilespmem:s15+$0x80] =	vst v3;
	v2 =	vmul.f32 $8.000000000e+00, v2  }
0xa1: {  	[tilespmem:s15+$0xFFFFFF00] =	vst v4;
	v3 =	vmul.f32 $8.000000000e+00, v7;
	v4 =	vld [tilespmem:s5+$0x90]  }
0xa2: {  	v7 =	vld [tilespmem:s5+$0xFFFFFF10];
	v5 =	vmul.f32 $8.000000000e+00, v5;
	[tilespmem:s15+$0xD0] =	vst v2  }
0xa3: {  	[tilespmem:s15+$0xFFFFFF50] =	vst v3;
	v1 =	vmul.f32 $8.000000000e+00, v1;
	v2 =	vld [tilespmem:s5+$0xE0]  }
0xa4: {  	v3 =	vld [tilespmem:s5+$0xFFFFFF60];
	[tilespmem:s15+$0xFFFFFF90] =	vst v5;
	v5 =	vmul.f32 $8.000000000e+00, v6  }
0xa5: {  	v6 =	vld [tilespmem:s5+$0xFFFFFFA0];
	[tilespmem:s15+$0xFFFFFFD0] =	vst v1;
	v0 =	vmul.f32 $8.000000000e+00, v0  }
0xa6: {  	v1 =	vld [tilespmem:s5+$0xFFFFFFE0];
	[tilespmem:s15+$0x10] =	vst v5;
	v4 =	vmul.f32 $8.000000000e+00, v4  }
0xa7: {  	v5 =	vmul.f32 $8.000000000e+00, v7;
	v7 =	vld [tilespmem:s5+$0x20];
	[tilespmem:s15+$0x50] =	vst v0  }
0xa8: {  	v0 =	vld [tilespmem:s5+$0x60];
	[tilespmem:s15+$0x90] =	vst v4;
	v2 =	vmul.f32 $8.000000000e+00, v2  }
0xa9: {  	[tilespmem:s15+$0xFFFFFF10] =	vst v5;
	v3 =	vmul.f32 $8.000000000e+00, v3;
	v4 =	vld [tilespmem:s5+$0xA0]  }
0xaa: {  	v5 =	vld [tilespmem:s5+$0xFFFFFF20];
	v6 =	vmul.f32 $8.000000000e+00, v6;
	[tilespmem:s15+$0xE0] =	vst v2  }
0xab: {  	[tilespmem:s15+$0xFFFFFF60] =	vst v3;
	v1 =	vmul.f32 $8.000000000e+00, v1;
	v3 =	vld [tilespmem:s5+$0xF0]  }
0xac: {  	v8 =	vld [tilespmem:s5+$0xFFFFFF70];
	[tilespmem:s15+$0xFFFFFFA0] =	vst v6;
	v2 =	vmul.f32 $8.000000000e+00, v7  }
0xad: {  	v7 =	vld [tilespmem:s5+$0xFFFFFFB0];
	[tilespmem:s15+$0xFFFFFFE0] =	vst v1;
	v1 =	vmul.f32 $8.000000000e+00, v0  }
.Ltmp1:
0xae: {  	v0 =	vld [tilespmem:s5+$0xFFFFFFF0];
	[tilespmem:s15+$0x20] =	vst v2;
	v4 =	vmul.f32 $8.000000000e+00, v4;
	(pc) =	sbr.rel @p0 .LBB2_4-.Ltmp1, $4  }
0xaf: {  	v5 =	vmul.f32 $8.000000000e+00, v5;
	v2 =	vld [tilespmem:s5+$0x30];
	[tilespmem:s15+$0x60] =	vst v1  }
0xb0: {  	v1 =	vld [tilespmem:s5+$0x70];
	[tilespmem:s15+$0xA0] =	vst v4;
	v9 =	vmul.f32 $8.000000000e+00, v3  }
0xb1: {  	[tilespmem:s15+$0xFFFFFF20] =	vst v5;
	v6 =	vmul.f32 $8.000000000e+00, v8;
	v3 =	vld [tilespmem:s5+$0xB0]  }
0xb2: {  	v4 =	vld [tilespmem:s5+$0xFFFFFF30];
	v5 =	vmul.f32 $8.000000000e+00, v7;
	[tilespmem:s15+$0xF0] =	vst v9;
	s5 =	sadd.s32 $0x200, s5  }
0xb3: {  	[tilespmem:s15+$0xFFFFFF70] =	vst v6;
	v0 =	vmul.f32 $8.000000000e+00, v0  }
0xb4: {  	[tilespmem:s15+$0xFFFFFFB0] =	vst v5;
	v2 =	vmul.f32 $8.000000000e+00, v2  }
0xb5: {  	[tilespmem:s15+$0xFFFFFFF0] =	vst v0;
	v0 =	vmul.f32 $8.000000000e+00, v1  }
0xb6: {  	[tilespmem:s15+$0x30] =	vst v2;
	v1 =	vmul.f32 $8.000000000e+00, v3  }
0xb7: {  	v2 =	vmul.f32 $8.000000000e+00, v4;
	[tilespmem:s15+$0x70] =	vst v0  }
0xb8: {  	[tilespmem:s15+$0xB0] =	vst v1  }
0xb9: {  	[tilespmem:s15+$0xFFFFFF30] =	vst v2  }
0xba: {  	s5 =	rddreg [dreg:$0x5]  }
0xbb: {  	[hbm4b:s5+s3] =	stream.linear.scatter [tilespmem:s1], [sflag:$0x6], $0x2000, $0x38;
	[tilespmem:$0x16400] =	vst v63  }
0xbc: {  	s18 =	simm.s32 $0x280  }
0xbd: {  	[tilespmem:s22], [sflag:$0x2] =	stream.indirect.gather [hbm4b:s4+s20], $0x40, s18, s20, $0xb8;
	[tilespmem:$0x16400] =	vst v63  }
0xbe: {  	_ =	swait.ge [sflag:s23], $0x2000  }
0xbf: {  	[sflag:s23] =	ssyncset.done $0x0  }
0xc0: {  	s19 =	simm.s32 $0xA500;
	[sflag:s23] =	ssyncadd.s32 $0xFFFFE000  }
0xc1: {  	v0 =	vld [tilespmem:s19+$0xC0]  }
0xc2: {  	v1 =	vld [tilespmem:s19+$0xFFFFFF40]  }
0xc3: {  	v2 =	vld [tilespmem:s19+$0xFFFFFF80]  }
0xc4: {  	v3 =	vld [tilespmem:s19+$0xFFFFFFC0]  }
0xc5: {  	v4 =	vld [tilespmem:s19+$0x0]  }
0xc6: {  	v5 =	vld [tilespmem:s19+$0x40];
	v0 =	vmul.f32 $8.000000000e+00, v0  }
0xc7: {  	s15 =	simm.s32 $0x12500;
	v6 =	vld [tilespmem:s19+$0x80];
	v1 =	vmul.f32 $8.000000000e+00, v1  }
0xc8: {  	v7 =	vld [tilespmem:s19+$0xFFFFFF00];
	v2 =	vmul.f32 $8.000000000e+00, v2;
	[tilespmem:s15+$0xC0] =	vst v0  }
0xc9: {  	[tilespmem:s15+$0xFFFFFF40] =	vst v1;
	v0 =	vmul.f32 $8.000000000e+00, v3;
	v1 =	vld [tilespmem:s19+$0xD0]  }
0xca: {  	[tilespmem:s15+$0xFFFFFF80] =	vst v2;
	v2 =	vmul.f32 $8.000000000e+00, v4;
	v3 =	vld [tilespmem:s19+$0xFFFFFF50]  }
0xcb: {  	v4 =	vld [tilespmem:s19+$0xFFFFFF90];
	[tilespmem:s15+$0xFFFFFFC0] =	vst v0;
	v0 =	vmul.f32 $8.000000000e+00, v5  }
0xcc: {  	[tilespmem:s15+$0x0] =	vst v2;
	v2 =	vmul.f32 $8.000000000e+00, v6;
	v5 =	vld [tilespmem:s19+$0xFFFFFFD0]  }
0xcd: {  	v6 =	vmul.f32 $8.000000000e+00, v7;
	v7 =	vld [tilespmem:s19+$0x10];
	[tilespmem:s15+$0x40] =	vst v0  }
0xce: {  	[tilespmem:s15+$0x80] =	vst v2;
	v0 =	vld [tilespmem:s19+$0x50];
	v1 =	vmul.f32 $8.000000000e+00, v1  }
0xcf: {  	[tilespmem:s15+$0xFFFFFF00] =	vst v6;
	v2 =	vmul.f32 $8.000000000e+00, v3;
	v3 =	vld [tilespmem:s19+$0x90]  }
0xd0: {  	v6 =	vld [tilespmem:s19+$0xFFFFFF10];
	v4 =	vmul.f32 $8.000000000e+00, v4;
	[tilespmem:s15+$0xD0] =	vst v1  }
0xd1: {  	[tilespmem:s15+$0xFFFFFF50] =	vst v2;
	v1 =	vmul.f32 $8.000000000e+00, v5;
	v2 =	vld [tilespmem:s19+$0xE0]  }
0xd2: {  	[tilespmem:s15+$0xFFFFFF90] =	vst v4;
	v4 =	vmul.f32 $8.000000000e+00, v7;
	v5 =	vld [tilespmem:s19+$0xFFFFFF60]  }
0xd3: {  	v7 =	vld [tilespmem:s19+$0xFFFFFFA0];
	[tilespmem:s15+$0xFFFFFFD0] =	vst v1;
	v0 =	vmul.f32 $8.000000000e+00, v0  }
0xd4: {  	[tilespmem:s15+$0x10] =	vst v4;
	v1 =	vld [tilespmem:s19+$0xFFFFFFE0];
	v3 =	vmul.f32 $8.000000000e+00, v3  }
0xd5: {  	v4 =	vmul.f32 $8.000000000e+00, v6;
	v6 =	vld [tilespmem:s19+$0x20];
	[tilespmem:s15+$0x50] =	vst v0  }
0xd6: {  	v0 =	vld [tilespmem:s19+$0x60];
	[tilespmem:s15+$0x90] =	vst v3;
	v2 =	vmul.f32 $8.000000000e+00, v2  }
0xd7: {  	[tilespmem:s15+$0xFFFFFF10] =	vst v4;
	v3 =	vmul.f32 $8.000000000e+00, v5;
	v4 =	vld [tilespmem:s19+$0xA0]  }
0xd8: {  	v5 =	vld [tilespmem:s19+$0xFFFFFF20];
	v7 =	vmul.f32 $8.000000000e+00, v7;
	[tilespmem:s15+$0xE0] =	vst v2  }
0xd9: {  	[tilespmem:s15+$0xFFFFFF60] =	vst v3;
	v1 =	vmul.f32 $8.000000000e+00, v1;
	v3 =	vld [tilespmem:s19+$0xF0]  }
0xda: {  	[tilespmem:s15+$0xFFFFFFA0] =	vst v7;
	v2 =	vmul.f32 $8.000000000e+00, v6;
	v8 =	vld [tilespmem:s19+$0xFFFFFF70]  }
0xdb: {  	v7 =	vld [tilespmem:s19+$0xFFFFFFB0];
	[tilespmem:s15+$0xFFFFFFE0] =	vst v1;
	v1 =	vmul.f32 $8.000000000e+00, v0  }
0xdc: {  	[tilespmem:s15+$0x20] =	vst v2;
	v0 =	vld [tilespmem:s19+$0xFFFFFFF0];
	v4 =	vmul.f32 $8.000000000e+00, v4  }
0xdd: {  	v5 =	vmul.f32 $8.000000000e+00, v5;
	v2 =	vld [tilespmem:s19+$0x30];
	[tilespmem:s15+$0x60] =	vst v1  }
0xde: {  	v1 =	vld [tilespmem:s19+$0x70];
	[tilespmem:s15+$0xA0] =	vst v4;
	v9 =	vmul.f32 $8.000000000e+00, v3  }
0xdf: {  	[tilespmem:s15+$0xFFFFFF20] =	vst v5;
	v3 =	vld [tilespmem:s19+$0xB0];
	v6 =	vmul.f32 $8.000000000e+00, v8  }
0xe0: {  	s16 =	simm.s32 $0x0;
	s5 =	simm.s32 $0xA700;
	v4 =	vld [tilespmem:s19+$0xFFFFFF30];
	v5 =	vmul.f32 $8.000000000e+00, v7;
	[tilespmem:s15+$0xF0] =	vst v9  }
.LBB2_6:
0xe1: {  	v7 =	vld [tilespmem:s5+$0xC0];
	s16 =	sadd.s32 $0x8, s16;
	[tilespmem:s15+$0xFFFFFF70] =	vst v6;
	v0 =	vmul.f32 $8.000000000e+00, v0  }
0xe2: {  	v6 =	vld [tilespmem:s5+$0xFFFFFF40];
	p0 =	slt.u32 s16, $0x78;
	[tilespmem:s15+$0xFFFFFFB0] =	vst v5;
	v2 =	vmul.f32 $8.000000000e+00, v2  }
0xe3: {  	v5 =	vld [tilespmem:s5+$0xFFFFFF80];
	[tilespmem:s15+$0xFFFFFFF0] =	vst v0;
	v0 =	vmul.f32 $8.000000000e+00, v1  }
0xe4: {  	v1 =	vld [tilespmem:s5+$0xFFFFFFC0];
	[tilespmem:s15+$0x30] =	vst v2;
	v2 =	vmul.f32 $8.000000000e+00, v3  }
0xe5: {  	v3 =	vld [tilespmem:s5+$0x0];
	v4 =	vmul.f32 $8.000000000e+00, v4;
	[tilespmem:s15+$0x70] =	vst v0  }
0xe6: {  	v0 =	vld [tilespmem:s5+$0x40];
	v7 =	vmul.f32 $8.000000000e+00, v7;
	[tilespmem:s15+$0xB0] =	vst v2  }
0xe7: {  	v2 =	vmul.f32 $8.000000000e+00, v6;
	v6 =	vld [tilespmem:s5+$0x80];
	[tilespmem:s15+$0xFFFFFF30] =	vst v4;
	s15 =	sadd.s32 $0x200, s15  }
0xe8: {  	v4 =	vld [tilespmem:s5+$0xFFFFFF00];
	v5 =	vmul.f32 $8.000000000e+00, v5;
	[tilespmem:s15+$0xC0] =	vst v7  }
0xe9: {  	[tilespmem:s15+$0xFFFFFF40] =	vst v2;
	v1 =	vmul.f32 $8.000000000e+00, v1;
	v2 =	vld [tilespmem:s5+$0xD0]  }
0xea: {  	v7 =	vld [tilespmem:s5+$0xFFFFFF50];
	[tilespmem:s15+$0xFFFFFF80] =	vst v5;
	v3 =	vmul.f32 $8.000000000e+00, v3  }
0xeb: {  	v5 =	vld [tilespmem:s5+$0xFFFFFF90];
	[tilespmem:s15+$0xFFFFFFC0] =	vst v1;
	v0 =	vmul.f32 $8.000000000e+00, v0  }
0xec: {  	v1 =	vld [tilespmem:s5+$0xFFFFFFD0];
	[tilespmem:s15+$0x0] =	vst v3;
	v3 =	vmul.f32 $8.000000000e+00, v6  }
0xed: {  	v4 =	vmul.f32 $8.000000000e+00, v4;
	v6 =	vld [tilespmem:s5+$0x10];
	[tilespmem:s15+$0x40] =	vst v0  }
0xee: {  	v0 =	vld [tilespmem:s5+$0x50];
	[tilespmem:s15+$0x80] =	vst v3;
	v2 =	vmul.f32 $8.000000000e+00, v2  }
0xef: {  	[tilespmem:s15+$0xFFFFFF00] =	vst v4;
	v3 =	vmul.f32 $8.000000000e+00, v7;
	v4 =	vld [tilespmem:s5+$0x90]  }
0xf0: {  	v7 =	vld [tilespmem:s5+$0xFFFFFF10];
	v5 =	vmul.f32 $8.000000000e+00, v5;
	[tilespmem:s15+$0xD0] =	vst v2  }
0xf1: {  	[tilespmem:s15+$0xFFFFFF50] =	vst v3;
	v1 =	vmul.f32 $8.000000000e+00, v1;
	v2 =	vld [tilespmem:s5+$0xE0]  }
0xf2: {  	v3 =	vld [tilespmem:s5+$0xFFFFFF60];
	[tilespmem:s15+$0xFFFFFF90] =	vst v5;
	v5 =	vmul.f32 $8.000000000e+00, v6  }
0xf3: {  	v6 =	vld [tilespmem:s5+$0xFFFFFFA0];
	[tilespmem:s15+$0xFFFFFFD0] =	vst v1;
	v0 =	vmul.f32 $8.000000000e+00, v0  }
0xf4: {  	v1 =	vld [tilespmem:s5+$0xFFFFFFE0];
	[tilespmem:s15+$0x10] =	vst v5;
	v4 =	vmul.f32 $8.000000000e+00, v4  }
0xf5: {  	v5 =	vmul.f32 $8.000000000e+00, v7;
	v7 =	vld [tilespmem:s5+$0x20];
	[tilespmem:s15+$0x50] =	vst v0  }
0xf6: {  	v0 =	vld [tilespmem:s5+$0x60];
	[tilespmem:s15+$0x90] =	vst v4;
	v2 =	vmul.f32 $8.000000000e+00, v2  }
0xf7: {  	[tilespmem:s15+$0xFFFFFF10] =	vst v5;
	v3 =	vmul.f32 $8.000000000e+00, v3;
	v4 =	vld [tilespmem:s5+$0xA0]  }
0xf8: {  	v5 =	vld [tilespmem:s5+$0xFFFFFF20];
	v6 =	vmul.f32 $8.000000000e+00, v6;
	[tilespmem:s15+$0xE0] =	vst v2  }
0xf9: {  	[tilespmem:s15+$0xFFFFFF60] =	vst v3;
	v1 =	vmul.f32 $8.000000000e+00, v1;
	v3 =	vld [tilespmem:s5+$0xF0]  }
0xfa: {  	v8 =	vld [tilespmem:s5+$0xFFFFFF70];
	[tilespmem:s15+$0xFFFFFFA0] =	vst v6;
	v2 =	vmul.f32 $8.000000000e+00, v7  }
0xfb: {  	v7 =	vld [tilespmem:s5+$0xFFFFFFB0];
	[tilespmem:s15+$0xFFFFFFE0] =	vst v1;
	v1 =	vmul.f32 $8.000000000e+00, v0  }
.Ltmp2:
0xfc: {  	v0 =	vld [tilespmem:s5+$0xFFFFFFF0];
	[tilespmem:s15+$0x20] =	vst v2;
	v4 =	vmul.f32 $8.000000000e+00, v4;
	(pc) =	sbr.rel @p0 .LBB2_6-.Ltmp2, $4  }
0xfd: {  	v5 =	vmul.f32 $8.000000000e+00, v5;
	v2 =	vld [tilespmem:s5+$0x30];
	[tilespmem:s15+$0x60] =	vst v1  }
0xfe: {  	v1 =	vld [tilespmem:s5+$0x70];
	[tilespmem:s15+$0xA0] =	vst v4;
	v9 =	vmul.f32 $8.000000000e+00, v3  }
0xff: {  	[tilespmem:s15+$0xFFFFFF20] =	vst v5;
	v6 =	vmul.f32 $8.000000000e+00, v8;
	v3 =	vld [tilespmem:s5+$0xB0]  }
0x100: {  	v4 =	vld [tilespmem:s5+$0xFFFFFF30];
	v5 =	vmul.f32 $8.000000000e+00, v7;
	[tilespmem:s15+$0xF0] =	vst v9;
	s5 =	sadd.s32 $0x200, s5  }
0x101: {  	[tilespmem:s15+$0xFFFFFF70] =	vst v6;
	v0 =	vmul.f32 $8.000000000e+00, v0  }
0x102: {  	[tilespmem:s15+$0xFFFFFFB0] =	vst v5;
	v2 =	vmul.f32 $8.000000000e+00, v2  }
0x103: {  	[tilespmem:s15+$0xFFFFFFF0] =	vst v0;
	v0 =	vmul.f32 $8.000000000e+00, v1  }
0x104: {  	[tilespmem:s15+$0x30] =	vst v2;
	v1 =	vmul.f32 $8.000000000e+00, v3  }
0x105: {  	v2 =	vmul.f32 $8.000000000e+00, v4;
	[tilespmem:s15+$0x70] =	vst v0  }
0x106: {  	[tilespmem:s15+$0xB0] =	vst v1  }
0x107: {  	[tilespmem:s15+$0xFFFFFF30] =	vst v2  }
0x108: {  	s5 =	rddreg [dreg:$0x6]  }
0x109: {  	[hbm4b:s5+s3] =	stream.linear.scatter [tilespmem:s25], [sflag:$0x7], $0x2000, $0x38;
	[tilespmem:$0x16400] =	vst v63  }
0x10a: {  	s18 =	simm.s32 $0x300  }
0x10b: {  	[tilespmem:s24], [sflag:$0x3] =	stream.indirect.gather [hbm4b:s4+s20], $0x40, s18, s20, $0xb8;
	[tilespmem:$0x16400] =	vst v63  }
0x10c: {  	_ =	swait.ge [sflag:s0], $0x2000  }
0x10d: {  	[sflag:s0] =	ssyncset.done $0x0  }
0x10e: {  	s19 =	simm.s32 $0xC500;
	[sflag:s0] =	ssyncadd.s32 $0xFFFFE000  }
0x10f: {  	v0 =	vld [tilespmem:s19+$0xC0]  }
0x110: {  	v1 =	vld [tilespmem:s19+$0xFFFFFF40]  }
0x111: {  	v2 =	vld [tilespmem:s19+$0xFFFFFF80]  }
0x112: {  	v3 =	vld [tilespmem:s19+$0xFFFFFFC0]  }
0x113: {  	v4 =	vld [tilespmem:s19+$0x0]  }
0x114: {  	v5 =	vld [tilespmem:s19+$0x40];
	v0 =	vmul.f32 $8.000000000e+00, v0  }
0x115: {  	s15 =	simm.s32 $0x14500;
	v6 =	vld [tilespmem:s19+$0x80];
	v1 =	vmul.f32 $8.000000000e+00, v1  }
0x116: {  	v7 =	vld [tilespmem:s19+$0xFFFFFF00];
	v2 =	vmul.f32 $8.000000000e+00, v2;
	[tilespmem:s15+$0xC0] =	vst v0  }
0x117: {  	[tilespmem:s15+$0xFFFFFF40] =	vst v1;
	v0 =	vmul.f32 $8.000000000e+00, v3;
	v1 =	vld [tilespmem:s19+$0xD0]  }
0x118: {  	[tilespmem:s15+$0xFFFFFF80] =	vst v2;
	v2 =	vmul.f32 $8.000000000e+00, v4;
	v3 =	vld [tilespmem:s19+$0xFFFFFF50]  }
0x119: {  	v4 =	vld [tilespmem:s19+$0xFFFFFF90];
	[tilespmem:s15+$0xFFFFFFC0] =	vst v0;
	v0 =	vmul.f32 $8.000000000e+00, v5  }
0x11a: {  	[tilespmem:s15+$0x0] =	vst v2;
	v2 =	vmul.f32 $8.000000000e+00, v6;
	v5 =	vld [tilespmem:s19+$0xFFFFFFD0]  }
0x11b: {  	v6 =	vmul.f32 $8.000000000e+00, v7;
	v7 =	vld [tilespmem:s19+$0x10];
	[tilespmem:s15+$0x40] =	vst v0  }
0x11c: {  	[tilespmem:s15+$0x80] =	vst v2;
	v0 =	vld [tilespmem:s19+$0x50];
	v1 =	vmul.f32 $8.000000000e+00, v1  }
0x11d: {  	[tilespmem:s15+$0xFFFFFF00] =	vst v6;
	v2 =	vmul.f32 $8.000000000e+00, v3;
	v3 =	vld [tilespmem:s19+$0x90]  }
0x11e: {  	v6 =	vld [tilespmem:s19+$0xFFFFFF10];
	v4 =	vmul.f32 $8.000000000e+00, v4;
	[tilespmem:s15+$0xD0] =	vst v1  }
0x11f: {  	[tilespmem:s15+$0xFFFFFF50] =	vst v2;
	v1 =	vmul.f32 $8.000000000e+00, v5;
	v2 =	vld [tilespmem:s19+$0xE0]  }
0x120: {  	[tilespmem:s15+$0xFFFFFF90] =	vst v4;
	v4 =	vmul.f32 $8.000000000e+00, v7;
	v5 =	vld [tilespmem:s19+$0xFFFFFF60]  }
0x121: {  	v7 =	vld [tilespmem:s19+$0xFFFFFFA0];
	[tilespmem:s15+$0xFFFFFFD0] =	vst v1;
	v0 =	vmul.f32 $8.000000000e+00, v0  }
0x122: {  	[tilespmem:s15+$0x10] =	vst v4;
	v1 =	vld [tilespmem:s19+$0xFFFFFFE0];
	v3 =	vmul.f32 $8.000000000e+00, v3  }
0x123: {  	v4 =	vmul.f32 $8.000000000e+00, v6;
	v6 =	vld [tilespmem:s19+$0x20];
	[tilespmem:s15+$0x50] =	vst v0  }
0x124: {  	v0 =	vld [tilespmem:s19+$0x60];
	[tilespmem:s15+$0x90] =	vst v3;
	v2 =	vmul.f32 $8.000000000e+00, v2  }
0x125: {  	[tilespmem:s15+$0xFFFFFF10] =	vst v4;
	v3 =	vmul.f32 $8.000000000e+00, v5;
	v4 =	vld [tilespmem:s19+$0xA0]  }
0x126: {  	v5 =	vld [tilespmem:s19+$0xFFFFFF20];
	v7 =	vmul.f32 $8.000000000e+00, v7;
	[tilespmem:s15+$0xE0] =	vst v2  }
0x127: {  	[tilespmem:s15+$0xFFFFFF60] =	vst v3;
	v1 =	vmul.f32 $8.000000000e+00, v1;
	v3 =	vld [tilespmem:s19+$0xF0]  }
0x128: {  	[tilespmem:s15+$0xFFFFFFA0] =	vst v7;
	v2 =	vmul.f32 $8.000000000e+00, v6;
	v8 =	vld [tilespmem:s19+$0xFFFFFF70]  }
0x129: {  	v7 =	vld [tilespmem:s19+$0xFFFFFFB0];
	[tilespmem:s15+$0xFFFFFFE0] =	vst v1;
	v1 =	vmul.f32 $8.000000000e+00, v0  }
0x12a: {  	[tilespmem:s15+$0x20] =	vst v2;
	v0 =	vld [tilespmem:s19+$0xFFFFFFF0];
	v4 =	vmul.f32 $8.000000000e+00, v4  }
0x12b: {  	v5 =	vmul.f32 $8.000000000e+00, v5;
	v2 =	vld [tilespmem:s19+$0x30];
	[tilespmem:s15+$0x60] =	vst v1  }
0x12c: {  	v1 =	vld [tilespmem:s19+$0x70];
	[tilespmem:s15+$0xA0] =	vst v4;
	v9 =	vmul.f32 $8.000000000e+00, v3  }
0x12d: {  	[tilespmem:s15+$0xFFFFFF20] =	vst v5;
	v3 =	vld [tilespmem:s19+$0xB0];
	v6 =	vmul.f32 $8.000000000e+00, v8  }
0x12e: {  	s16 =	simm.s32 $0x0;
	s5 =	simm.s32 $0xC700;
	v4 =	vld [tilespmem:s19+$0xFFFFFF30];
	v5 =	vmul.f32 $8.000000000e+00, v7;
	[tilespmem:s15+$0xF0] =	vst v9  }
.LBB2_8:
0x12f: {  	v7 =	vld [tilespmem:s5+$0xC0];
	s16 =	sadd.s32 $0x8, s16;
	[tilespmem:s15+$0xFFFFFF70] =	vst v6;
	v0 =	vmul.f32 $8.000000000e+00, v0  }
0x130: {  	v6 =	vld [tilespmem:s5+$0xFFFFFF40];
	p0 =	slt.u32 s16, $0x78;
	[tilespmem:s15+$0xFFFFFFB0] =	vst v5;
	v2 =	vmul.f32 $8.000000000e+00, v2  }
0x131: {  	v5 =	vld [tilespmem:s5+$0xFFFFFF80];
	[tilespmem:s15+$0xFFFFFFF0] =	vst v0;
	v0 =	vmul.f32 $8.000000000e+00, v1  }
0x132: {  	v1 =	vld [tilespmem:s5+$0xFFFFFFC0];
	[tilespmem:s15+$0x30] =	vst v2;
	v2 =	vmul.f32 $8.000000000e+00, v3  }
0x133: {  	v3 =	vld [tilespmem:s5+$0x0];
	v4 =	vmul.f32 $8.000000000e+00, v4;
	[tilespmem:s15+$0x70] =	vst v0  }
0x134: {  	v0 =	vld [tilespmem:s5+$0x40];
	v7 =	vmul.f32 $8.000000000e+00, v7;
	[tilespmem:s15+$0xB0] =	vst v2  }
0x135: {  	v2 =	vmul.f32 $8.000000000e+00, v6;
	v6 =	vld [tilespmem:s5+$0x80];
	[tilespmem:s15+$0xFFFFFF30] =	vst v4;
	s15 =	sadd.s32 $0x200, s15  }
0x136: {  	v4 =	vld [tilespmem:s5+$0xFFFFFF00];
	v5 =	vmul.f32 $8.000000000e+00, v5;
	[tilespmem:s15+$0xC0] =	vst v7  }
0x137: {  	[tilespmem:s15+$0xFFFFFF40] =	vst v2;
	v1 =	vmul.f32 $8.000000000e+00, v1;
	v2 =	vld [tilespmem:s5+$0xD0]  }
0x138: {  	v7 =	vld [tilespmem:s5+$0xFFFFFF50];
	[tilespmem:s15+$0xFFFFFF80] =	vst v5;
	v3 =	vmul.f32 $8.000000000e+00, v3  }
0x139: {  	v5 =	vld [tilespmem:s5+$0xFFFFFF90];
	[tilespmem:s15+$0xFFFFFFC0] =	vst v1;
	v0 =	vmul.f32 $8.000000000e+00, v0  }
0x13a: {  	v1 =	vld [tilespmem:s5+$0xFFFFFFD0];
	[tilespmem:s15+$0x0] =	vst v3;
	v3 =	vmul.f32 $8.000000000e+00, v6  }
0x13b: {  	v4 =	vmul.f32 $8.000000000e+00, v4;
	v6 =	vld [tilespmem:s5+$0x10];
	[tilespmem:s15+$0x40] =	vst v0  }
0x13c: {  	v0 =	vld [tilespmem:s5+$0x50];
	[tilespmem:s15+$0x80] =	vst v3;
	v2 =	vmul.f32 $8.000000000e+00, v2  }
0x13d: {  	[tilespmem:s15+$0xFFFFFF00] =	vst v4;
	v3 =	vmul.f32 $8.000000000e+00, v7;
	v4 =	vld [tilespmem:s5+$0x90]  }
0x13e: {  	v7 =	vld [tilespmem:s5+$0xFFFFFF10];
	v5 =	vmul.f32 $8.000000000e+00, v5;
	[tilespmem:s15+$0xD0] =	vst v2  }
0x13f: {  	[tilespmem:s15+$0xFFFFFF50] =	vst v3;
	v1 =	vmul.f32 $8.000000000e+00, v1;
	v2 =	vld [tilespmem:s5+$0xE0]  }
0x140: {  	v3 =	vld [tilespmem:s5+$0xFFFFFF60];
	[tilespmem:s15+$0xFFFFFF90] =	vst v5;
	v5 =	vmul.f32 $8.000000000e+00, v6  }
0x141: {  	v6 =	vld [tilespmem:s5+$0xFFFFFFA0];
	[tilespmem:s15+$0xFFFFFFD0] =	vst v1;
	v0 =	vmul.f32 $8.000000000e+00, v0  }
0x142: {  	v1 =	vld [tilespmem:s5+$0xFFFFFFE0];
	[tilespmem:s15+$0x10] =	vst v5;
	v4 =	vmul.f32 $8.000000000e+00, v4  }
0x143: {  	v5 =	vmul.f32 $8.000000000e+00, v7;
	v7 =	vld [tilespmem:s5+$0x20];
	[tilespmem:s15+$0x50] =	vst v0  }
0x144: {  	v0 =	vld [tilespmem:s5+$0x60];
	[tilespmem:s15+$0x90] =	vst v4;
	v2 =	vmul.f32 $8.000000000e+00, v2  }
0x145: {  	[tilespmem:s15+$0xFFFFFF10] =	vst v5;
	v3 =	vmul.f32 $8.000000000e+00, v3;
	v4 =	vld [tilespmem:s5+$0xA0]  }
0x146: {  	v5 =	vld [tilespmem:s5+$0xFFFFFF20];
	v6 =	vmul.f32 $8.000000000e+00, v6;
	[tilespmem:s15+$0xE0] =	vst v2  }
0x147: {  	[tilespmem:s15+$0xFFFFFF60] =	vst v3;
	v1 =	vmul.f32 $8.000000000e+00, v1;
	v3 =	vld [tilespmem:s5+$0xF0]  }
0x148: {  	v8 =	vld [tilespmem:s5+$0xFFFFFF70];
	[tilespmem:s15+$0xFFFFFFA0] =	vst v6;
	v2 =	vmul.f32 $8.000000000e+00, v7  }
0x149: {  	v7 =	vld [tilespmem:s5+$0xFFFFFFB0];
	[tilespmem:s15+$0xFFFFFFE0] =	vst v1;
	v1 =	vmul.f32 $8.000000000e+00, v0  }
.Ltmp3:
0x14a: {  	v0 =	vld [tilespmem:s5+$0xFFFFFFF0];
	[tilespmem:s15+$0x20] =	vst v2;
	v4 =	vmul.f32 $8.000000000e+00, v4;
	(pc) =	sbr.rel @p0 .LBB2_8-.Ltmp3, $4  }
0x14b: {  	v5 =	vmul.f32 $8.000000000e+00, v5;
	v2 =	vld [tilespmem:s5+$0x30];
	[tilespmem:s15+$0x60] =	vst v1  }
0x14c: {  	v1 =	vld [tilespmem:s5+$0x70];
	[tilespmem:s15+$0xA0] =	vst v4;
	v9 =	vmul.f32 $8.000000000e+00, v3  }
0x14d: {  	[tilespmem:s15+$0xFFFFFF20] =	vst v5;
	v6 =	vmul.f32 $8.000000000e+00, v8;
	v3 =	vld [tilespmem:s5+$0xB0]  }
0x14e: {  	v4 =	vld [tilespmem:s5+$0xFFFFFF30];
	v5 =	vmul.f32 $8.000000000e+00, v7;
	[tilespmem:s15+$0xF0] =	vst v9;
	s5 =	sadd.s32 $0x200, s5  }
0x14f: {  	[tilespmem:s15+$0xFFFFFF70] =	vst v6;
	v0 =	vmul.f32 $8.000000000e+00, v0  }
0x150: {  	[tilespmem:s15+$0xFFFFFFB0] =	vst v5;
	v2 =	vmul.f32 $8.000000000e+00, v2  }
0x151: {  	[tilespmem:s15+$0xFFFFFFF0] =	vst v0;
	v61 =	vmul.f32 $8.000000000e+00, v1  }
0x152: {  	[tilespmem:s15+$0x30] =	vst v2;
	v62 =	vmul.f32 $8.000000000e+00, v3  }
0x153: {  	v63 =	vmul.f32 $8.000000000e+00, v4;
	[tilespmem:s15+$0x70] =	vst v61  }
0x154: {  	[tilespmem:s15+$0xB0] =	vst v62  }
0x155: {  	[tilespmem:s15+$0xFFFFFF30] =	vst v63  }
0x156: {  	s5 =	rddreg [dreg:$0x7]  }
0x157: {  	[hbm4b:s5+s3] =	stream.linear.scatter [tilespmem:s30], [sflag:$0x8], $0x2000, $0x38;
	[tilespmem:$0x16400] =	vst v63  }
0x158: {  	s19 =	simm.s32 $0x380;
	s15 =	simm.s32 $0x1  }
0x159: {  	[tilespmem:s26], [sflag:$0x4] =	stream.indirect.gather [hbm4b:s4+s20], $0x40, s19, s20, $0xb8;
	[tilespmem:$0x16400] =	vst v63  }
.LBB2_10:
0x15a: {  	_ =	swait.ge [sflag:s28], $0x2000  }
0x15b: {  	[sflag:s28] =	ssyncset.done $0x0  }
0x15c: {  	[sflag:s28] =	ssyncadd.s32 $0xFFFFE000  }
0x15d: {  	_ =	swait.ge [sflag:s7], $0x2000  }
0x15e: {  	[sflag:s7] =	ssyncset.done $0x0  }
0x15f: {  	s5 =	simm.s32 $0x6500;
	[sflag:s7] =	ssyncadd.s32 $0xFFFFE000  }
0x160: {  	v0 =	vld [tilespmem:s5+$0xC0]  }
0x161: {  	v1 =	vld [tilespmem:s5+$0xFFFFFF40]  }
0x162: {  	v2 =	vld [tilespmem:s5+$0xFFFFFF80]  }
0x163: {  	v3 =	vld [tilespmem:s5+$0xFFFFFFC0]  }
0x164: {  	v4 =	vld [tilespmem:s5+$0x0]  }
0x165: {  	v5 =	vld [tilespmem:s5+$0x40];
	v0 =	vmul.f32 $8.000000000e+00, v0  }
0x166: {  	s16 =	simm.s32 $0xE500;
	v6 =	vld [tilespmem:s5+$0x80];
	v1 =	vmul.f32 $8.000000000e+00, v1  }
0x167: {  	v7 =	vld [tilespmem:s5+$0xFFFFFF00];
	v2 =	vmul.f32 $8.000000000e+00, v2;
	[tilespmem:s16+$0xC0] =	vst v0  }
0x168: {  	[tilespmem:s16+$0xFFFFFF40] =	vst v1;
	v0 =	vmul.f32 $8.000000000e+00, v3;
	v1 =	vld [tilespmem:s5+$0xD0]  }
0x169: {  	[tilespmem:s16+$0xFFFFFF80] =	vst v2;
	v2 =	vmul.f32 $8.000000000e+00, v4;
	v3 =	vld [tilespmem:s5+$0xFFFFFF50]  }
0x16a: {  	v4 =	vld [tilespmem:s5+$0xFFFFFF90];
	[tilespmem:s16+$0xFFFFFFC0] =	vst v0;
	v0 =	vmul.f32 $8.000000000e+00, v5  }
0x16b: {  	[tilespmem:s16+$0x0] =	vst v2;
	v2 =	vmul.f32 $8.000000000e+00, v6;
	v5 =	vld [tilespmem:s5+$0xFFFFFFD0]  }
0x16c: {  	v6 =	vmul.f32 $8.000000000e+00, v7;
	v7 =	vld [tilespmem:s5+$0x10];
	[tilespmem:s16+$0x40] =	vst v0  }
0x16d: {  	[tilespmem:s16+$0x80] =	vst v2;
	v0 =	vld [tilespmem:s5+$0x50];
	v1 =	vmul.f32 $8.000000000e+00, v1  }
0x16e: {  	[tilespmem:s16+$0xFFFFFF00] =	vst v6;
	v2 =	vmul.f32 $8.000000000e+00, v3;
	v3 =	vld [tilespmem:s5+$0x90]  }
0x16f: {  	v6 =	vld [tilespmem:s5+$0xFFFFFF10];
	v4 =	vmul.f32 $8.000000000e+00, v4;
	[tilespmem:s16+$0xD0] =	vst v1  }
0x170: {  	[tilespmem:s16+$0xFFFFFF50] =	vst v2;
	v1 =	vmul.f32 $8.000000000e+00, v5;
	v2 =	vld [tilespmem:s5+$0xE0]  }
0x171: {  	[tilespmem:s16+$0xFFFFFF90] =	vst v4;
	v4 =	vmul.f32 $8.000000000e+00, v7;
	v5 =	vld [tilespmem:s5+$0xFFFFFF60]  }
0x172: {  	v7 =	vld [tilespmem:s5+$0xFFFFFFA0];
	[tilespmem:s16+$0xFFFFFFD0] =	vst v1;
	v0 =	vmul.f32 $8.000000000e+00, v0  }
0x173: {  	[tilespmem:s16+$0x10] =	vst v4;
	v1 =	vld [tilespmem:s5+$0xFFFFFFE0];
	v3 =	vmul.f32 $8.000000000e+00, v3  }
0x174: {  	v4 =	vmul.f32 $8.000000000e+00, v6;
	v6 =	vld [tilespmem:s5+$0x20];
	[tilespmem:s16+$0x50] =	vst v0  }
0x175: {  	v0 =	vld [tilespmem:s5+$0x60];
	[tilespmem:s16+$0x90] =	vst v3;
	v2 =	vmul.f32 $8.000000000e+00, v2  }
0x176: {  	[tilespmem:s16+$0xFFFFFF10] =	vst v4;
	v3 =	vmul.f32 $8.000000000e+00, v5;
	v4 =	vld [tilespmem:s5+$0xA0]  }
0x177: {  	v5 =	vld [tilespmem:s5+$0xFFFFFF20];
	v7 =	vmul.f32 $8.000000000e+00, v7;
	[tilespmem:s16+$0xE0] =	vst v2  }
0x178: {  	[tilespmem:s16+$0xFFFFFF60] =	vst v3;
	v1 =	vmul.f32 $8.000000000e+00, v1;
	v3 =	vld [tilespmem:s5+$0xF0]  }
0x179: {  	[tilespmem:s16+$0xFFFFFFA0] =	vst v7;
	v2 =	vmul.f32 $8.000000000e+00, v6;
	v8 =	vld [tilespmem:s5+$0xFFFFFF70]  }
0x17a: {  	v7 =	vld [tilespmem:s5+$0xFFFFFFB0];
	[tilespmem:s16+$0xFFFFFFE0] =	vst v1;
	v1 =	vmul.f32 $8.000000000e+00, v0  }
0x17b: {  	[tilespmem:s16+$0x20] =	vst v2;
	v0 =	vld [tilespmem:s5+$0xFFFFFFF0];
	v4 =	vmul.f32 $8.000000000e+00, v4  }
0x17c: {  	v5 =	vmul.f32 $8.000000000e+00, v5;
	v2 =	vld [tilespmem:s5+$0x30];
	[tilespmem:s16+$0x60] =	vst v1  }
0x17d: {  	v1 =	vld [tilespmem:s5+$0x70];
	[tilespmem:s16+$0xA0] =	vst v4;
	v9 =	vmul.f32 $8.000000000e+00, v3  }
0x17e: {  	[tilespmem:s16+$0xFFFFFF20] =	vst v5;
	v3 =	vld [tilespmem:s5+$0xB0];
	v6 =	vmul.f32 $8.000000000e+00, v8  }
0x17f: {  	s17 =	simm.s32 $0x0;
	v4 =	vld [tilespmem:s5+$0xFFFFFF30];
	v5 =	vmul.f32 $8.000000000e+00, v7;
	s5 =	simm.s32 $0x6700;
	[tilespmem:s16+$0xF0] =	vst v9  }
.LBB2_11:
0x180: {  	v7 =	vld [tilespmem:s5+$0xC0];
	s17 =	sadd.s32 $0x8, s17;
	[tilespmem:s16+$0xFFFFFF70] =	vst v6;
	v0 =	vmul.f32 $8.000000000e+00, v0  }
0x181: {  	v6 =	vld [tilespmem:s5+$0xFFFFFF40];
	p0 =	slt.u32 s17, $0x78;
	[tilespmem:s16+$0xFFFFFFB0] =	vst v5;
	v2 =	vmul.f32 $8.000000000e+00, v2  }
0x182: {  	v5 =	vld [tilespmem:s5+$0xFFFFFF80];
	[tilespmem:s16+$0xFFFFFFF0] =	vst v0;
	v0 =	vmul.f32 $8.000000000e+00, v1  }
0x183: {  	v1 =	vld [tilespmem:s5+$0xFFFFFFC0];
	[tilespmem:s16+$0x30] =	vst v2;
	v2 =	vmul.f32 $8.000000000e+00, v3  }
0x184: {  	v3 =	vld [tilespmem:s5+$0x0];
	v4 =	vmul.f32 $8.000000000e+00, v4;
	[tilespmem:s16+$0x70] =	vst v0  }
0x185: {  	v0 =	vld [tilespmem:s5+$0x40];
	v7 =	vmul.f32 $8.000000000e+00, v7;
	[tilespmem:s16+$0xB0] =	vst v2  }
0x186: {  	v2 =	vmul.f32 $8.000000000e+00, v6;
	v6 =	vld [tilespmem:s5+$0x80];
	[tilespmem:s16+$0xFFFFFF30] =	vst v4;
	s16 =	sadd.s32 $0x200, s16  }
0x187: {  	v4 =	vld [tilespmem:s5+$0xFFFFFF00];
	v5 =	vmul.f32 $8.000000000e+00, v5;
	[tilespmem:s16+$0xC0] =	vst v7  }
0x188: {  	[tilespmem:s16+$0xFFFFFF40] =	vst v2;
	v1 =	vmul.f32 $8.000000000e+00, v1;
	v2 =	vld [tilespmem:s5+$0xD0]  }
0x189: {  	v7 =	vld [tilespmem:s5+$0xFFFFFF50];
	[tilespmem:s16+$0xFFFFFF80] =	vst v5;
	v3 =	vmul.f32 $8.000000000e+00, v3  }
0x18a: {  	v5 =	vld [tilespmem:s5+$0xFFFFFF90];
	[tilespmem:s16+$0xFFFFFFC0] =	vst v1;
	v0 =	vmul.f32 $8.000000000e+00, v0  }
0x18b: {  	v1 =	vld [tilespmem:s5+$0xFFFFFFD0];
	[tilespmem:s16+$0x0] =	vst v3;
	v3 =	vmul.f32 $8.000000000e+00, v6  }
0x18c: {  	v4 =	vmul.f32 $8.000000000e+00, v4;
	v6 =	vld [tilespmem:s5+$0x10];
	[tilespmem:s16+$0x40] =	vst v0  }
0x18d: {  	v0 =	vld [tilespmem:s5+$0x50];
	[tilespmem:s16+$0x80] =	vst v3;
	v2 =	vmul.f32 $8.000000000e+00, v2  }
0x18e: {  	[tilespmem:s16+$0xFFFFFF00] =	vst v4;
	v3 =	vmul.f32 $8.000000000e+00, v7;
	v4 =	vld [tilespmem:s5+$0x90]  }
0x18f: {  	v7 =	vld [tilespmem:s5+$0xFFFFFF10];
	v5 =	vmul.f32 $8.000000000e+00, v5;
	[tilespmem:s16+$0xD0] =	vst v2  }
0x190: {  	[tilespmem:s16+$0xFFFFFF50] =	vst v3;
	v1 =	vmul.f32 $8.000000000e+00, v1;
	v2 =	vld [tilespmem:s5+$0xE0]  }
0x191: {  	v3 =	vld [tilespmem:s5+$0xFFFFFF60];
	[tilespmem:s16+$0xFFFFFF90] =	vst v5;
	v5 =	vmul.f32 $8.000000000e+00, v6  }
0x192: {  	v6 =	vld [tilespmem:s5+$0xFFFFFFA0];
	[tilespmem:s16+$0xFFFFFFD0] =	vst v1;
	v0 =	vmul.f32 $8.000000000e+00, v0  }
0x193: {  	v1 =	vld [tilespmem:s5+$0xFFFFFFE0];
	[tilespmem:s16+$0x10] =	vst v5;
	v4 =	vmul.f32 $8.000000000e+00, v4  }
0x194: {  	v5 =	vmul.f32 $8.000000000e+00, v7;
	v7 =	vld [tilespmem:s5+$0x20];
	[tilespmem:s16+$0x50] =	vst v0  }
0x195: {  	v0 =	vld [tilespmem:s5+$0x60];
	[tilespmem:s16+$0x90] =	vst v4;
	v2 =	vmul.f32 $8.000000000e+00, v2  }
0x196: {  	[tilespmem:s16+$0xFFFFFF10] =	vst v5;
	v3 =	vmul.f32 $8.000000000e+00, v3;
	v4 =	vld [tilespmem:s5+$0xA0]  }
0x197: {  	v5 =	vld [tilespmem:s5+$0xFFFFFF20];
	v6 =	vmul.f32 $8.000000000e+00, v6;
	[tilespmem:s16+$0xE0] =	vst v2  }
0x198: {  	[tilespmem:s16+$0xFFFFFF60] =	vst v3;
	v1 =	vmul.f32 $8.000000000e+00, v1;
	v3 =	vld [tilespmem:s5+$0xF0]  }
0x199: {  	v8 =	vld [tilespmem:s5+$0xFFFFFF70];
	[tilespmem:s16+$0xFFFFFFA0] =	vst v6;
	v2 =	vmul.f32 $8.000000000e+00, v7  }
0x19a: {  	v7 =	vld [tilespmem:s5+$0xFFFFFFB0];
	[tilespmem:s16+$0xFFFFFFE0] =	vst v1;
	v1 =	vmul.f32 $8.000000000e+00, v0  }
.Ltmp4:
0x19b: {  	v0 =	vld [tilespmem:s5+$0xFFFFFFF0];
	[tilespmem:s16+$0x20] =	vst v2;
	v4 =	vmul.f32 $8.000000000e+00, v4;
	(pc) =	sbr.rel @p0 .LBB2_11-.Ltmp4, $4  }
0x19c: {  	v5 =	vmul.f32 $8.000000000e+00, v5;
	v2 =	vld [tilespmem:s5+$0x30];
	[tilespmem:s16+$0x60] =	vst v1  }
0x19d: {  	v1 =	vld [tilespmem:s5+$0x70];
	[tilespmem:s16+$0xA0] =	vst v4;
	v9 =	vmul.f32 $8.000000000e+00, v3  }
0x19e: {  	[tilespmem:s16+$0xFFFFFF20] =	vst v5;
	v6 =	vmul.f32 $8.000000000e+00, v8;
	v3 =	vld [tilespmem:s5+$0xB0]  }
0x19f: {  	v4 =	vld [tilespmem:s5+$0xFFFFFF30];
	v5 =	vmul.f32 $8.000000000e+00, v7;
	[tilespmem:s16+$0xF0] =	vst v9;
	s5 =	sadd.s32 $0x200, s5  }
0x1a0: {  	[tilespmem:s16+$0xFFFFFF70] =	vst v6;
	v0 =	vmul.f32 $8.000000000e+00, v0  }
0x1a1: {  	[tilespmem:s16+$0xFFFFFFB0] =	vst v5;
	v2 =	vmul.f32 $8.000000000e+00, v2  }
0x1a2: {  	[tilespmem:s16+$0xFFFFFFF0] =	vst v0;
	v0 =	vmul.f32 $8.000000000e+00, v1  }
0x1a3: {  	s5 =	sshll.u32 s15, $0xF;
	[tilespmem:s16+$0x30] =	vst v2;
	v1 =	vmul.f32 $8.000000000e+00, v3  }
0x1a4: {  	s5 =	sadd.s32 s6, s5;
	v2 =	vmul.f32 $8.000000000e+00, v4;
	[tilespmem:s16+$0x70] =	vst v0  }
0x1a5: {  	s17 =	sshll.u32 s15, $0x9;
	s5 =	sshrl.u32 s5, $0x3;
	[tilespmem:s16+$0xB0] =	vst v1  }
0x1a6: {  	s5 =	sadd.s32 s2, s5;
	[tilespmem:s16+$0xFFFFFF30] =	vst v2;
	s16 =	sand.u32 $0x3FFFFE00, s17  }
0x1a7: {  	[hbm4b:s5+s3] =	stream.linear.scatter [tilespmem:s29], [sflag:$0x5], $0x2000, $0x38;
	[tilespmem:$0x16400] =	vst v63  }
0x1a8: {  	s19 =	sadd.s32 $0x200, s16  }
0x1a9: {  	[tilespmem:s21], [sflag:$0x1] =	stream.indirect.gather [hbm4b:s4+s20], $0x40, s19, s20, $0xb8;
	[tilespmem:$0x16400] =	vst v63  }
0x1aa: {  	_ =	swait.ge [sflag:s31], $0x2000  }
0x1ab: {  	[sflag:s31] =	ssyncset.done $0x0  }
0x1ac: {  	[sflag:s31] =	ssyncadd.s32 $0xFFFFE000  }
0x1ad: {  	_ =	swait.ge [sflag:s8], $0x2000  }
0x1ae: {  	[sflag:s8] =	ssyncset.done $0x0  }
0x1af: {  	s19 =	simm.s32 $0x8500;
	[sflag:s8] =	ssyncadd.s32 $0xFFFFE000  }
0x1b0: {  	v0 =	vld [tilespmem:s19+$0xC0]  }
0x1b1: {  	v1 =	vld [tilespmem:s19+$0xFFFFFF40]  }
0x1b2: {  	v2 =	vld [tilespmem:s19+$0xFFFFFF80]  }
0x1b3: {  	v3 =	vld [tilespmem:s19+$0xFFFFFFC0]  }
0x1b4: {  	v4 =	vld [tilespmem:s19+$0x0]  }
0x1b5: {  	v5 =	vld [tilespmem:s19+$0x40];
	v0 =	vmul.f32 $8.000000000e+00, v0  }
0x1b6: {  	s18 =	simm.s32 $0x10500;
	v6 =	vld [tilespmem:s19+$0x80];
	v1 =	vmul.f32 $8.000000000e+00, v1  }
0x1b7: {  	v7 =	vld [tilespmem:s19+$0xFFFFFF00];
	v2 =	vmul.f32 $8.000000000e+00, v2;
	[tilespmem:s18+$0xC0] =	vst v0  }
0x1b8: {  	[tilespmem:s18+$0xFFFFFF40] =	vst v1;
	v0 =	vmul.f32 $8.000000000e+00, v3;
	v1 =	vld [tilespmem:s19+$0xD0]  }
0x1b9: {  	[tilespmem:s18+$0xFFFFFF80] =	vst v2;
	v2 =	vmul.f32 $8.000000000e+00, v4;
	v3 =	vld [tilespmem:s19+$0xFFFFFF50]  }
0x1ba: {  	v4 =	vld [tilespmem:s19+$0xFFFFFF90];
	[tilespmem:s18+$0xFFFFFFC0] =	vst v0;
	v0 =	vmul.f32 $8.000000000e+00, v5  }
0x1bb: {  	[tilespmem:s18+$0x0] =	vst v2;
	v2 =	vmul.f32 $8.000000000e+00, v6;
	v5 =	vld [tilespmem:s19+$0xFFFFFFD0]  }
0x1bc: {  	v6 =	vmul.f32 $8.000000000e+00, v7;
	v7 =	vld [tilespmem:s19+$0x10];
	[tilespmem:s18+$0x40] =	vst v0  }
0x1bd: {  	[tilespmem:s18+$0x80] =	vst v2;
	v0 =	vld [tilespmem:s19+$0x50];
	v1 =	vmul.f32 $8.000000000e+00, v1  }
0x1be: {  	[tilespmem:s18+$0xFFFFFF00] =	vst v6;
	v2 =	vmul.f32 $8.000000000e+00, v3;
	v3 =	vld [tilespmem:s19+$0x90]  }
0x1bf: {  	v6 =	vld [tilespmem:s19+$0xFFFFFF10];
	v4 =	vmul.f32 $8.000000000e+00, v4;
	[tilespmem:s18+$0xD0] =	vst v1  }
0x1c0: {  	[tilespmem:s18+$0xFFFFFF50] =	vst v2;
	v1 =	vmul.f32 $8.000000000e+00, v5;
	v2 =	vld [tilespmem:s19+$0xE0]  }
0x1c1: {  	[tilespmem:s18+$0xFFFFFF90] =	vst v4;
	v4 =	vmul.f32 $8.000000000e+00, v7;
	v5 =	vld [tilespmem:s19+$0xFFFFFF60]  }
0x1c2: {  	v7 =	vld [tilespmem:s19+$0xFFFFFFA0];
	[tilespmem:s18+$0xFFFFFFD0] =	vst v1;
	v0 =	vmul.f32 $8.000000000e+00, v0  }
0x1c3: {  	[tilespmem:s18+$0x10] =	vst v4;
	v1 =	vld [tilespmem:s19+$0xFFFFFFE0];
	v3 =	vmul.f32 $8.000000000e+00, v3  }
0x1c4: {  	v4 =	vmul.f32 $8.000000000e+00, v6;
	v6 =	vld [tilespmem:s19+$0x20];
	[tilespmem:s18+$0x50] =	vst v0  }
0x1c5: {  	v0 =	vld [tilespmem:s19+$0x60];
	[tilespmem:s18+$0x90] =	vst v3;
	v2 =	vmul.f32 $8.000000000e+00, v2  }
0x1c6: {  	[tilespmem:s18+$0xFFFFFF10] =	vst v4;
	v3 =	vmul.f32 $8.000000000e+00, v5;
	v4 =	vld [tilespmem:s19+$0xA0]  }
0x1c7: {  	v5 =	vld [tilespmem:s19+$0xFFFFFF20];
	v7 =	vmul.f32 $8.000000000e+00, v7;
	[tilespmem:s18+$0xE0] =	vst v2  }
0x1c8: {  	[tilespmem:s18+$0xFFFFFF60] =	vst v3;
	v1 =	vmul.f32 $8.000000000e+00, v1;
	v3 =	vld [tilespmem:s19+$0xF0]  }
0x1c9: {  	[tilespmem:s18+$0xFFFFFFA0] =	vst v7;
	v2 =	vmul.f32 $8.000000000e+00, v6;
	v8 =	vld [tilespmem:s19+$0xFFFFFF70]  }
0x1ca: {  	v7 =	vld [tilespmem:s19+$0xFFFFFFB0];
	[tilespmem:s18+$0xFFFFFFE0] =	vst v1;
	v1 =	vmul.f32 $8.000000000e+00, v0  }
0x1cb: {  	[tilespmem:s18+$0x20] =	vst v2;
	v0 =	vld [tilespmem:s19+$0xFFFFFFF0];
	v4 =	vmul.f32 $8.000000000e+00, v4  }
0x1cc: {  	v5 =	vmul.f32 $8.000000000e+00, v5;
	v2 =	vld [tilespmem:s19+$0x30];
	[tilespmem:s18+$0x60] =	vst v1  }
0x1cd: {  	v1 =	vld [tilespmem:s19+$0x70];
	[tilespmem:s18+$0xA0] =	vst v4;
	v9 =	vmul.f32 $8.000000000e+00, v3  }
0x1ce: {  	[tilespmem:s18+$0xFFFFFF20] =	vst v5;
	v3 =	vld [tilespmem:s19+$0xB0];
	v6 =	vmul.f32 $8.000000000e+00, v8  }
0x1cf: {  	s5 =	simm.s32 $0x0;
	v4 =	vld [tilespmem:s19+$0xFFFFFF30];
	v5 =	vmul.f32 $8.000000000e+00, v7;
	s19 =	simm.s32 $0x8700;
	[tilespmem:s18+$0xF0] =	vst v9  }
.LBB2_13:
0x1d0: {  	v7 =	vld [tilespmem:s19+$0xC0];
	s5 =	sadd.s32 $0x8, s5;
	[tilespmem:s18+$0xFFFFFF70] =	vst v6;
	v0 =	vmul.f32 $8.000000000e+00, v0  }
0x1d1: {  	v6 =	vld [tilespmem:s19+$0xFFFFFF40];
	p0 =	slt.u32 s5, $0x78;
	[tilespmem:s18+$0xFFFFFFB0] =	vst v5;
	v2 =	vmul.f32 $8.000000000e+00, v2  }
0x1d2: {  	v5 =	vld [tilespmem:s19+$0xFFFFFF80];
	[tilespmem:s18+$0xFFFFFFF0] =	vst v0;
	v0 =	vmul.f32 $8.000000000e+00, v1  }
0x1d3: {  	v1 =	vld [tilespmem:s19+$0xFFFFFFC0];
	[tilespmem:s18+$0x30] =	vst v2;
	v2 =	vmul.f32 $8.000000000e+00, v3  }
0x1d4: {  	v3 =	vld [tilespmem:s19+$0x0];
	v4 =	vmul.f32 $8.000000000e+00, v4;
	[tilespmem:s18+$0x70] =	vst v0  }
0x1d5: {  	v0 =	vld [tilespmem:s19+$0x40];
	v7 =	vmul.f32 $8.000000000e+00, v7;
	[tilespmem:s18+$0xB0] =	vst v2  }
0x1d6: {  	v2 =	vmul.f32 $8.000000000e+00, v6;
	v6 =	vld [tilespmem:s19+$0x80];
	[tilespmem:s18+$0xFFFFFF30] =	vst v4;
	s18 =	sadd.s32 $0x200, s18  }
0x1d7: {  	v4 =	vld [tilespmem:s19+$0xFFFFFF00];
	v5 =	vmul.f32 $8.000000000e+00, v5;
	[tilespmem:s18+$0xC0] =	vst v7  }
0x1d8: {  	[tilespmem:s18+$0xFFFFFF40] =	vst v2;
	v1 =	vmul.f32 $8.000000000e+00, v1;
	v2 =	vld [tilespmem:s19+$0xD0]  }
0x1d9: {  	v7 =	vld [tilespmem:s19+$0xFFFFFF50];
	[tilespmem:s18+$0xFFFFFF80] =	vst v5;
	v3 =	vmul.f32 $8.000000000e+00, v3  }
0x1da: {  	v5 =	vld [tilespmem:s19+$0xFFFFFF90];
	[tilespmem:s18+$0xFFFFFFC0] =	vst v1;
	v0 =	vmul.f32 $8.000000000e+00, v0  }
0x1db: {  	v1 =	vld [tilespmem:s19+$0xFFFFFFD0];
	[tilespmem:s18+$0x0] =	vst v3;
	v3 =	vmul.f32 $8.000000000e+00, v6  }
0x1dc: {  	v4 =	vmul.f32 $8.000000000e+00, v4;
	v6 =	vld [tilespmem:s19+$0x10];
	[tilespmem:s18+$0x40] =	vst v0  }
0x1dd: {  	v0 =	vld [tilespmem:s19+$0x50];
	[tilespmem:s18+$0x80] =	vst v3;
	v2 =	vmul.f32 $8.000000000e+00, v2  }
0x1de: {  	[tilespmem:s18+$0xFFFFFF00] =	vst v4;
	v3 =	vmul.f32 $8.000000000e+00, v7;
	v4 =	vld [tilespmem:s19+$0x90]  }
0x1df: {  	v7 =	vld [tilespmem:s19+$0xFFFFFF10];
	v5 =	vmul.f32 $8.000000000e+00, v5;
	[tilespmem:s18+$0xD0] =	vst v2  }
0x1e0: {  	[tilespmem:s18+$0xFFFFFF50] =	vst v3;
	v1 =	vmul.f32 $8.000000000e+00, v1;
	v2 =	vld [tilespmem:s19+$0xE0]  }
0x1e1: {  	v3 =	vld [tilespmem:s19+$0xFFFFFF60];
	[tilespmem:s18+$0xFFFFFF90] =	vst v5;
	v5 =	vmul.f32 $8.000000000e+00, v6  }
0x1e2: {  	v6 =	vld [tilespmem:s19+$0xFFFFFFA0];
	[tilespmem:s18+$0xFFFFFFD0] =	vst v1;
	v0 =	vmul.f32 $8.000000000e+00, v0  }
0x1e3: {  	v1 =	vld [tilespmem:s19+$0xFFFFFFE0];
	[tilespmem:s18+$0x10] =	vst v5;
	v4 =	vmul.f32 $8.000000000e+00, v4  }
0x1e4: {  	v5 =	vmul.f32 $8.000000000e+00, v7;
	v7 =	vld [tilespmem:s19+$0x20];
	[tilespmem:s18+$0x50] =	vst v0  }
0x1e5: {  	v0 =	vld [tilespmem:s19+$0x60];
	[tilespmem:s18+$0x90] =	vst v4;
	v2 =	vmul.f32 $8.000000000e+00, v2  }
0x1e6: {  	[tilespmem:s18+$0xFFFFFF10] =	vst v5;
	v3 =	vmul.f32 $8.000000000e+00, v3;
	v4 =	vld [tilespmem:s19+$0xA0]  }
0x1e7: {  	v5 =	vld [tilespmem:s19+$0xFFFFFF20];
	v6 =	vmul.f32 $8.000000000e+00, v6;
	[tilespmem:s18+$0xE0] =	vst v2  }
0x1e8: {  	[tilespmem:s18+$0xFFFFFF60] =	vst v3;
	v1 =	vmul.f32 $8.000000000e+00, v1;
	v3 =	vld [tilespmem:s19+$0xF0]  }
0x1e9: {  	v8 =	vld [tilespmem:s19+$0xFFFFFF70];
	[tilespmem:s18+$0xFFFFFFA0] =	vst v6;
	v2 =	vmul.f32 $8.000000000e+00, v7  }
0x1ea: {  	v7 =	vld [tilespmem:s19+$0xFFFFFFB0];
	[tilespmem:s18+$0xFFFFFFE0] =	vst v1;
	v1 =	vmul.f32 $8.000000000e+00, v0  }
.Ltmp5:
0x1eb: {  	v0 =	vld [tilespmem:s19+$0xFFFFFFF0];
	[tilespmem:s18+$0x20] =	vst v2;
	v4 =	vmul.f32 $8.000000000e+00, v4;
	(pc) =	sbr.rel @p0 .LBB2_13-.Ltmp5, $4  }
0x1ec: {  	v5 =	vmul.f32 $8.000000000e+00, v5;
	v2 =	vld [tilespmem:s19+$0x30];
	[tilespmem:s18+$0x60] =	vst v1  }
0x1ed: {  	v1 =	vld [tilespmem:s19+$0x70];
	[tilespmem:s18+$0xA0] =	vst v4;
	v9 =	vmul.f32 $8.000000000e+00, v3  }
0x1ee: {  	[tilespmem:s18+$0xFFFFFF20] =	vst v5;
	v6 =	vmul.f32 $8.000000000e+00, v8;
	v3 =	vld [tilespmem:s19+$0xB0]  }
0x1ef: {  	v4 =	vld [tilespmem:s19+$0xFFFFFF30];
	v5 =	vmul.f32 $8.000000000e+00, v7;
	[tilespmem:s18+$0xF0] =	vst v9;
	s19 =	sadd.s32 $0x200, s19  }
0x1f0: {  	[tilespmem:s18+$0xFFFFFF70] =	vst v6;
	v0 =	vmul.f32 $8.000000000e+00, v0  }
0x1f1: {  	[tilespmem:s18+$0xFFFFFFB0] =	vst v5;
	v2 =	vmul.f32 $8.000000000e+00, v2  }
0x1f2: {  	[tilespmem:s18+$0xFFFFFFF0] =	vst v0;
	v0 =	vmul.f32 $8.000000000e+00, v1  }
0x1f3: {  	s5 =	sadd.s32 s17, s11;
	[tilespmem:s18+$0x30] =	vst v2;
	v1 =	vmul.f32 $8.000000000e+00, v3  }
0x1f4: {  	s5 =	sshll.u32 s5, $0x3;
	v2 =	vmul.f32 $8.000000000e+00, v4;
	[tilespmem:s18+$0x70] =	vst v0  }
0x1f5: {  	s5 =	sand.u32 $0x1FFFF400, s5;
	[tilespmem:s18+$0xB0] =	vst v1  }
0x1f6: {  	s5 =	sadd.s32 s2, s5;
	[tilespmem:s18+$0xFFFFFF30] =	vst v2  }
0x1f7: {  	[hbm4b:s5+s3] =	stream.linear.scatter [tilespmem:s1], [sflag:$0x6], $0x2000, $0x38;
	[tilespmem:$0x16400] =	vst v63  }
0x1f8: {  	s19 =	sadd.s32 $0x280, s16  }
0x1f9: {  	[tilespmem:s22], [sflag:$0x2] =	stream.indirect.gather [hbm4b:s4+s20], $0x40, s19, s20, $0xb8;
	[tilespmem:$0x16400] =	vst v63  }
0x1fa: {  	_ =	swait.ge [sflag:s23], $0x2000  }
0x1fb: {  	[sflag:s23] =	ssyncset.done $0x0  }
0x1fc: {  	[sflag:s23] =	ssyncadd.s32 $0xFFFFE000  }
0x1fd: {  	_ =	swait.ge [sflag:s9], $0x2000  }
0x1fe: {  	[sflag:s9] =	ssyncset.done $0x0  }
0x1ff: {  	s19 =	simm.s32 $0xA500;
	[sflag:s9] =	ssyncadd.s32 $0xFFFFE000  }
0x200: {  	v0 =	vld [tilespmem:s19+$0xC0]  }
0x201: {  	v1 =	vld [tilespmem:s19+$0xFFFFFF40]  }
0x202: {  	v2 =	vld [tilespmem:s19+$0xFFFFFF80]  }
0x203: {  	v3 =	vld [tilespmem:s19+$0xFFFFFFC0]  }
0x204: {  	v4 =	vld [tilespmem:s19+$0x0]  }
0x205: {  	v5 =	vld [tilespmem:s19+$0x40];
	v0 =	vmul.f32 $8.000000000e+00, v0  }
0x206: {  	s18 =	simm.s32 $0x12500;
	v6 =	vld [tilespmem:s19+$0x80];
	v1 =	vmul.f32 $8.000000000e+00, v1  }
0x207: {  	v7 =	vld [tilespmem:s19+$0xFFFFFF00];
	v2 =	vmul.f32 $8.000000000e+00, v2;
	[tilespmem:s18+$0xC0] =	vst v0  }
0x208: {  	[tilespmem:s18+$0xFFFFFF40] =	vst v1;
	v0 =	vmul.f32 $8.000000000e+00, v3;
	v1 =	vld [tilespmem:s19+$0xD0]  }
0x209: {  	[tilespmem:s18+$0xFFFFFF80] =	vst v2;
	v2 =	vmul.f32 $8.000000000e+00, v4;
	v3 =	vld [tilespmem:s19+$0xFFFFFF50]  }
0x20a: {  	v4 =	vld [tilespmem:s19+$0xFFFFFF90];
	[tilespmem:s18+$0xFFFFFFC0] =	vst v0;
	v0 =	vmul.f32 $8.000000000e+00, v5  }
0x20b: {  	[tilespmem:s18+$0x0] =	vst v2;
	v2 =	vmul.f32 $8.000000000e+00, v6;
	v5 =	vld [tilespmem:s19+$0xFFFFFFD0]  }
0x20c: {  	v6 =	vmul.f32 $8.000000000e+00, v7;
	v7 =	vld [tilespmem:s19+$0x10];
	[tilespmem:s18+$0x40] =	vst v0  }
0x20d: {  	[tilespmem:s18+$0x80] =	vst v2;
	v0 =	vld [tilespmem:s19+$0x50];
	v1 =	vmul.f32 $8.000000000e+00, v1  }
0x20e: {  	[tilespmem:s18+$0xFFFFFF00] =	vst v6;
	v2 =	vmul.f32 $8.000000000e+00, v3;
	v3 =	vld [tilespmem:s19+$0x90]  }
0x20f: {  	v6 =	vld [tilespmem:s19+$0xFFFFFF10];
	v4 =	vmul.f32 $8.000000000e+00, v4;
	[tilespmem:s18+$0xD0] =	vst v1  }
0x210: {  	[tilespmem:s18+$0xFFFFFF50] =	vst v2;
	v1 =	vmul.f32 $8.000000000e+00, v5;
	v2 =	vld [tilespmem:s19+$0xE0]  }
0x211: {  	[tilespmem:s18+$0xFFFFFF90] =	vst v4;
	v4 =	vmul.f32 $8.000000000e+00, v7;
	v5 =	vld [tilespmem:s19+$0xFFFFFF60]  }
0x212: {  	v7 =	vld [tilespmem:s19+$0xFFFFFFA0];
	[tilespmem:s18+$0xFFFFFFD0] =	vst v1;
	v0 =	vmul.f32 $8.000000000e+00, v0  }
0x213: {  	[tilespmem:s18+$0x10] =	vst v4;
	v1 =	vld [tilespmem:s19+$0xFFFFFFE0];
	v3 =	vmul.f32 $8.000000000e+00, v3  }
0x214: {  	v4 =	vmul.f32 $8.000000000e+00, v6;
	v6 =	vld [tilespmem:s19+$0x20];
	[tilespmem:s18+$0x50] =	vst v0  }
0x215: {  	v0 =	vld [tilespmem:s19+$0x60];
	[tilespmem:s18+$0x90] =	vst v3;
	v2 =	vmul.f32 $8.000000000e+00, v2  }
0x216: {  	[tilespmem:s18+$0xFFFFFF10] =	vst v4;
	v3 =	vmul.f32 $8.000000000e+00, v5;
	v4 =	vld [tilespmem:s19+$0xA0]  }
0x217: {  	v5 =	vld [tilespmem:s19+$0xFFFFFF20];
	v7 =	vmul.f32 $8.000000000e+00, v7;
	[tilespmem:s18+$0xE0] =	vst v2  }
0x218: {  	[tilespmem:s18+$0xFFFFFF60] =	vst v3;
	v1 =	vmul.f32 $8.000000000e+00, v1;
	v3 =	vld [tilespmem:s19+$0xF0]  }
0x219: {  	[tilespmem:s18+$0xFFFFFFA0] =	vst v7;
	v2 =	vmul.f32 $8.000000000e+00, v6;
	v8 =	vld [tilespmem:s19+$0xFFFFFF70]  }
0x21a: {  	v7 =	vld [tilespmem:s19+$0xFFFFFFB0];
	[tilespmem:s18+$0xFFFFFFE0] =	vst v1;
	v1 =	vmul.f32 $8.000000000e+00, v0  }
0x21b: {  	[tilespmem:s18+$0x20] =	vst v2;
	v0 =	vld [tilespmem:s19+$0xFFFFFFF0];
	v4 =	vmul.f32 $8.000000000e+00, v4  }
0x21c: {  	v5 =	vmul.f32 $8.000000000e+00, v5;
	v2 =	vld [tilespmem:s19+$0x30];
	[tilespmem:s18+$0x60] =	vst v1  }
0x21d: {  	v1 =	vld [tilespmem:s19+$0x70];
	[tilespmem:s18+$0xA0] =	vst v4;
	v9 =	vmul.f32 $8.000000000e+00, v3  }
0x21e: {  	[tilespmem:s18+$0xFFFFFF20] =	vst v5;
	v3 =	vld [tilespmem:s19+$0xB0];
	v6 =	vmul.f32 $8.000000000e+00, v8  }
0x21f: {  	s5 =	simm.s32 $0x0;
	v4 =	vld [tilespmem:s19+$0xFFFFFF30];
	v5 =	vmul.f32 $8.000000000e+00, v7;
	s19 =	simm.s32 $0xA700;
	[tilespmem:s18+$0xF0] =	vst v9  }
.LBB2_15:
0x220: {  	v7 =	vld [tilespmem:s19+$0xC0];
	s5 =	sadd.s32 $0x8, s5;
	[tilespmem:s18+$0xFFFFFF70] =	vst v6;
	v0 =	vmul.f32 $8.000000000e+00, v0  }
0x221: {  	v6 =	vld [tilespmem:s19+$0xFFFFFF40];
	p0 =	slt.u32 s5, $0x78;
	[tilespmem:s18+$0xFFFFFFB0] =	vst v5;
	v2 =	vmul.f32 $8.000000000e+00, v2  }
0x222: {  	v5 =	vld [tilespmem:s19+$0xFFFFFF80];
	[tilespmem:s18+$0xFFFFFFF0] =	vst v0;
	v0 =	vmul.f32 $8.000000000e+00, v1  }
0x223: {  	v1 =	vld [tilespmem:s19+$0xFFFFFFC0];
	[tilespmem:s18+$0x30] =	vst v2;
	v2 =	vmul.f32 $8.000000000e+00, v3  }
0x224: {  	v3 =	vld [tilespmem:s19+$0x0];
	v4 =	vmul.f32 $8.000000000e+00, v4;
	[tilespmem:s18+$0x70] =	vst v0  }
0x225: {  	v0 =	vld [tilespmem:s19+$0x40];
	v7 =	vmul.f32 $8.000000000e+00, v7;
	[tilespmem:s18+$0xB0] =	vst v2  }
0x226: {  	v2 =	vmul.f32 $8.000000000e+00, v6;
	v6 =	vld [tilespmem:s19+$0x80];
	[tilespmem:s18+$0xFFFFFF30] =	vst v4;
	s18 =	sadd.s32 $0x200, s18  }
0x227: {  	v4 =	vld [tilespmem:s19+$0xFFFFFF00];
	v5 =	vmul.f32 $8.000000000e+00, v5;
	[tilespmem:s18+$0xC0] =	vst v7  }
0x228: {  	[tilespmem:s18+$0xFFFFFF40] =	vst v2;
	v1 =	vmul.f32 $8.000000000e+00, v1;
	v2 =	vld [tilespmem:s19+$0xD0]  }
0x229: {  	v7 =	vld [tilespmem:s19+$0xFFFFFF50];
	[tilespmem:s18+$0xFFFFFF80] =	vst v5;
	v3 =	vmul.f32 $8.000000000e+00, v3  }
0x22a: {  	v5 =	vld [tilespmem:s19+$0xFFFFFF90];
	[tilespmem:s18+$0xFFFFFFC0] =	vst v1;
	v0 =	vmul.f32 $8.000000000e+00, v0  }
0x22b: {  	v1 =	vld [tilespmem:s19+$0xFFFFFFD0];
	[tilespmem:s18+$0x0] =	vst v3;
	v3 =	vmul.f32 $8.000000000e+00, v6  }
0x22c: {  	v4 =	vmul.f32 $8.000000000e+00, v4;
	v6 =	vld [tilespmem:s19+$0x10];
	[tilespmem:s18+$0x40] =	vst v0  }
0x22d: {  	v0 =	vld [tilespmem:s19+$0x50];
	[tilespmem:s18+$0x80] =	vst v3;
	v2 =	vmul.f32 $8.000000000e+00, v2  }
0x22e: {  	[tilespmem:s18+$0xFFFFFF00] =	vst v4;
	v3 =	vmul.f32 $8.000000000e+00, v7;
	v4 =	vld [tilespmem:s19+$0x90]  }
0x22f: {  	v7 =	vld [tilespmem:s19+$0xFFFFFF10];
	v5 =	vmul.f32 $8.000000000e+00, v5;
	[tilespmem:s18+$0xD0] =	vst v2  }
0x230: {  	[tilespmem:s18+$0xFFFFFF50] =	vst v3;
	v1 =	vmul.f32 $8.000000000e+00, v1;
	v2 =	vld [tilespmem:s19+$0xE0]  }
0x231: {  	v3 =	vld [tilespmem:s19+$0xFFFFFF60];
	[tilespmem:s18+$0xFFFFFF90] =	vst v5;
	v5 =	vmul.f32 $8.000000000e+00, v6  }
0x232: {  	v6 =	vld [tilespmem:s19+$0xFFFFFFA0];
	[tilespmem:s18+$0xFFFFFFD0] =	vst v1;
	v0 =	vmul.f32 $8.000000000e+00, v0  }
0x233: {  	v1 =	vld [tilespmem:s19+$0xFFFFFFE0];
	[tilespmem:s18+$0x10] =	vst v5;
	v4 =	vmul.f32 $8.000000000e+00, v4  }
0x234: {  	v5 =	vmul.f32 $8.000000000e+00, v7;
	v7 =	vld [tilespmem:s19+$0x20];
	[tilespmem:s18+$0x50] =	vst v0  }
0x235: {  	v0 =	vld [tilespmem:s19+$0x60];
	[tilespmem:s18+$0x90] =	vst v4;
	v2 =	vmul.f32 $8.000000000e+00, v2  }
0x236: {  	[tilespmem:s18+$0xFFFFFF10] =	vst v5;
	v3 =	vmul.f32 $8.000000000e+00, v3;
	v4 =	vld [tilespmem:s19+$0xA0]  }
0x237: {  	v5 =	vld [tilespmem:s19+$0xFFFFFF20];
	v6 =	vmul.f32 $8.000000000e+00, v6;
	[tilespmem:s18+$0xE0] =	vst v2  }
0x238: {  	[tilespmem:s18+$0xFFFFFF60] =	vst v3;
	v1 =	vmul.f32 $8.000000000e+00, v1;
	v3 =	vld [tilespmem:s19+$0xF0]  }
0x239: {  	v8 =	vld [tilespmem:s19+$0xFFFFFF70];
	[tilespmem:s18+$0xFFFFFFA0] =	vst v6;
	v2 =	vmul.f32 $8.000000000e+00, v7  }
0x23a: {  	v7 =	vld [tilespmem:s19+$0xFFFFFFB0];
	[tilespmem:s18+$0xFFFFFFE0] =	vst v1;
	v1 =	vmul.f32 $8.000000000e+00, v0  }
.Ltmp6:
0x23b: {  	v0 =	vld [tilespmem:s19+$0xFFFFFFF0];
	[tilespmem:s18+$0x20] =	vst v2;
	v4 =	vmul.f32 $8.000000000e+00, v4;
	(pc) =	sbr.rel @p0 .LBB2_15-.Ltmp6, $4  }
0x23c: {  	v5 =	vmul.f32 $8.000000000e+00, v5;
	v2 =	vld [tilespmem:s19+$0x30];
	[tilespmem:s18+$0x60] =	vst v1  }
0x23d: {  	v1 =	vld [tilespmem:s19+$0x70];
	[tilespmem:s18+$0xA0] =	vst v4;
	v9 =	vmul.f32 $8.000000000e+00, v3  }
0x23e: {  	[tilespmem:s18+$0xFFFFFF20] =	vst v5;
	v6 =	vmul.f32 $8.000000000e+00, v8;
	v3 =	vld [tilespmem:s19+$0xB0]  }
0x23f: {  	v4 =	vld [tilespmem:s19+$0xFFFFFF30];
	v5 =	vmul.f32 $8.000000000e+00, v7;
	[tilespmem:s18+$0xF0] =	vst v9;
	s19 =	sadd.s32 $0x200, s19  }
0x240: {  	[tilespmem:s18+$0xFFFFFF70] =	vst v6;
	v0 =	vmul.f32 $8.000000000e+00, v0  }
0x241: {  	[tilespmem:s18+$0xFFFFFFB0] =	vst v5;
	v2 =	vmul.f32 $8.000000000e+00, v2  }
0x242: {  	[tilespmem:s18+$0xFFFFFFF0] =	vst v0;
	v0 =	vmul.f32 $8.000000000e+00, v1  }
0x243: {  	s5 =	sadd.s32 s17, s12;
	[tilespmem:s18+$0x30] =	vst v2;
	v1 =	vmul.f32 $8.000000000e+00, v3  }
0x244: {  	s5 =	sshll.u32 s5, $0x3;
	v2 =	vmul.f32 $8.000000000e+00, v4;
	[tilespmem:s18+$0x70] =	vst v0  }
0x245: {  	s5 =	sand.u32 $0x1FFFF800, s5;
	[tilespmem:s18+$0xB0] =	vst v1  }
0x246: {  	s5 =	sadd.s32 s2, s5;
	[tilespmem:s18+$0xFFFFFF30] =	vst v2  }
0x247: {  	[hbm4b:s5+s3] =	stream.linear.scatter [tilespmem:s25], [sflag:$0x7], $0x2000, $0x38;
	[tilespmem:$0x16400] =	vst v63  }
0x248: {  	s19 =	sadd.s32 $0x300, s16  }
0x249: {  	[tilespmem:s24], [sflag:$0x3] =	stream.indirect.gather [hbm4b:s4+s20], $0x40, s19, s20, $0xb8;
	[tilespmem:$0x16400] =	vst v63  }
0x24a: {  	_ =	swait.ge [sflag:s0], $0x2000  }
0x24b: {  	[sflag:s0] =	ssyncset.done $0x0  }
0x24c: {  	[sflag:s0] =	ssyncadd.s32 $0xFFFFE000  }
0x24d: {  	_ =	swait.ge [sflag:s10], $0x2000  }
0x24e: {  	[sflag:s10] =	ssyncset.done $0x0  }
0x24f: {  	s19 =	simm.s32 $0xC500;
	[sflag:s10] =	ssyncadd.s32 $0xFFFFE000  }
0x250: {  	v0 =	vld [tilespmem:s19+$0xC0]  }
0x251: {  	v1 =	vld [tilespmem:s19+$0xFFFFFF40]  }
0x252: {  	v2 =	vld [tilespmem:s19+$0xFFFFFF80]  }
0x253: {  	v3 =	vld [tilespmem:s19+$0xFFFFFFC0]  }
0x254: {  	v4 =	vld [tilespmem:s19+$0x0]  }
0x255: {  	v5 =	vld [tilespmem:s19+$0x40];
	v0 =	vmul.f32 $8.000000000e+00, v0  }
0x256: {  	s18 =	simm.s32 $0x14500;
	v6 =	vld [tilespmem:s19+$0x80];
	v1 =	vmul.f32 $8.000000000e+00, v1  }
0x257: {  	v7 =	vld [tilespmem:s19+$0xFFFFFF00];
	v2 =	vmul.f32 $8.000000000e+00, v2;
	[tilespmem:s18+$0xC0] =	vst v0  }
0x258: {  	[tilespmem:s18+$0xFFFFFF40] =	vst v1;
	v0 =	vmul.f32 $8.000000000e+00, v3;
	v1 =	vld [tilespmem:s19+$0xD0]  }
0x259: {  	[tilespmem:s18+$0xFFFFFF80] =	vst v2;
	v2 =	vmul.f32 $8.000000000e+00, v4;
	v3 =	vld [tilespmem:s19+$0xFFFFFF50]  }
0x25a: {  	v4 =	vld [tilespmem:s19+$0xFFFFFF90];
	[tilespmem:s18+$0xFFFFFFC0] =	vst v0;
	v0 =	vmul.f32 $8.000000000e+00, v5  }
0x25b: {  	[tilespmem:s18+$0x0] =	vst v2;
	v2 =	vmul.f32 $8.000000000e+00, v6;
	v5 =	vld [tilespmem:s19+$0xFFFFFFD0]  }
0x25c: {  	v6 =	vmul.f32 $8.000000000e+00, v7;
	v7 =	vld [tilespmem:s19+$0x10];
	[tilespmem:s18+$0x40] =	vst v0  }
0x25d: {  	[tilespmem:s18+$0x80] =	vst v2;
	v0 =	vld [tilespmem:s19+$0x50];
	v1 =	vmul.f32 $8.000000000e+00, v1  }
0x25e: {  	[tilespmem:s18+$0xFFFFFF00] =	vst v6;
	v2 =	vmul.f32 $8.000000000e+00, v3;
	v3 =	vld [tilespmem:s19+$0x90]  }
0x25f: {  	v6 =	vld [tilespmem:s19+$0xFFFFFF10];
	v4 =	vmul.f32 $8.000000000e+00, v4;
	[tilespmem:s18+$0xD0] =	vst v1  }
0x260: {  	[tilespmem:s18+$0xFFFFFF50] =	vst v2;
	v1 =	vmul.f32 $8.000000000e+00, v5;
	v2 =	vld [tilespmem:s19+$0xE0]  }
0x261: {  	[tilespmem:s18+$0xFFFFFF90] =	vst v4;
	v4 =	vmul.f32 $8.000000000e+00, v7;
	v5 =	vld [tilespmem:s19+$0xFFFFFF60]  }
0x262: {  	v7 =	vld [tilespmem:s19+$0xFFFFFFA0];
	[tilespmem:s18+$0xFFFFFFD0] =	vst v1;
	v0 =	vmul.f32 $8.000000000e+00, v0  }
0x263: {  	[tilespmem:s18+$0x10] =	vst v4;
	v1 =	vld [tilespmem:s19+$0xFFFFFFE0];
	v3 =	vmul.f32 $8.000000000e+00, v3  }
0x264: {  	v4 =	vmul.f32 $8.000000000e+00, v6;
	v6 =	vld [tilespmem:s19+$0x20];
	[tilespmem:s18+$0x50] =	vst v0  }
0x265: {  	v0 =	vld [tilespmem:s19+$0x60];
	[tilespmem:s18+$0x90] =	vst v3;
	v2 =	vmul.f32 $8.000000000e+00, v2  }
0x266: {  	[tilespmem:s18+$0xFFFFFF10] =	vst v4;
	v3 =	vmul.f32 $8.000000000e+00, v5;
	v4 =	vld [tilespmem:s19+$0xA0]  }
0x267: {  	v5 =	vld [tilespmem:s19+$0xFFFFFF20];
	v7 =	vmul.f32 $8.000000000e+00, v7;
	[tilespmem:s18+$0xE0] =	vst v2  }
0x268: {  	[tilespmem:s18+$0xFFFFFF60] =	vst v3;
	v1 =	vmul.f32 $8.000000000e+00, v1;
	v3 =	vld [tilespmem:s19+$0xF0]  }
0x269: {  	[tilespmem:s18+$0xFFFFFFA0] =	vst v7;
	v2 =	vmul.f32 $8.000000000e+00, v6;
	v8 =	vld [tilespmem:s19+$0xFFFFFF70]  }
0x26a: {  	v7 =	vld [tilespmem:s19+$0xFFFFFFB0];
	[tilespmem:s18+$0xFFFFFFE0] =	vst v1;
	v1 =	vmul.f32 $8.000000000e+00, v0  }
0x26b: {  	[tilespmem:s18+$0x20] =	vst v2;
	v0 =	vld [tilespmem:s19+$0xFFFFFFF0];
	v4 =	vmul.f32 $8.000000000e+00, v4  }
0x26c: {  	v5 =	vmul.f32 $8.000000000e+00, v5;
	v2 =	vld [tilespmem:s19+$0x30];
	[tilespmem:s18+$0x60] =	vst v1  }
0x26d: {  	v1 =	vld [tilespmem:s19+$0x70];
	[tilespmem:s18+$0xA0] =	vst v4;
	v9 =	vmul.f32 $8.000000000e+00, v3  }
0x26e: {  	[tilespmem:s18+$0xFFFFFF20] =	vst v5;
	v3 =	vld [tilespmem:s19+$0xB0];
	v6 =	vmul.f32 $8.000000000e+00, v8  }
0x26f: {  	s5 =	simm.s32 $0x0;
	v4 =	vld [tilespmem:s19+$0xFFFFFF30];
	v5 =	vmul.f32 $8.000000000e+00, v7;
	s19 =	simm.s32 $0xC700;
	[tilespmem:s18+$0xF0] =	vst v9  }
.LBB2_17:
0x270: {  	v7 =	vld [tilespmem:s19+$0xC0];
	s5 =	sadd.s32 $0x8, s5;
	[tilespmem:s18+$0xFFFFFF70] =	vst v6;
	v0 =	vmul.f32 $8.000000000e+00, v0  }
0x271: {  	v6 =	vld [tilespmem:s19+$0xFFFFFF40];
	p0 =	slt.u32 s5, $0x78;
	[tilespmem:s18+$0xFFFFFFB0] =	vst v5;
	v2 =	vmul.f32 $8.000000000e+00, v2  }
0x272: {  	v5 =	vld [tilespmem:s19+$0xFFFFFF80];
	[tilespmem:s18+$0xFFFFFFF0] =	vst v0;
	v0 =	vmul.f32 $8.000000000e+00, v1  }
0x273: {  	v1 =	vld [tilespmem:s19+$0xFFFFFFC0];
	[tilespmem:s18+$0x30] =	vst v2;
	v2 =	vmul.f32 $8.000000000e+00, v3  }
0x274: {  	v3 =	vld [tilespmem:s19+$0x0];
	v4 =	vmul.f32 $8.000000000e+00, v4;
	[tilespmem:s18+$0x70] =	vst v0  }
0x275: {  	v0 =	vld [tilespmem:s19+$0x40];
	v7 =	vmul.f32 $8.000000000e+00, v7;
	[tilespmem:s18+$0xB0] =	vst v2  }
0x276: {  	v2 =	vmul.f32 $8.000000000e+00, v6;
	v6 =	vld [tilespmem:s19+$0x80];
	[tilespmem:s18+$0xFFFFFF30] =	vst v4;
	s18 =	sadd.s32 $0x200, s18  }
0x277: {  	v4 =	vld [tilespmem:s19+$0xFFFFFF00];
	v5 =	vmul.f32 $8.000000000e+00, v5;
	[tilespmem:s18+$0xC0] =	vst v7  }
0x278: {  	[tilespmem:s18+$0xFFFFFF40] =	vst v2;
	v1 =	vmul.f32 $8.000000000e+00, v1;
	v2 =	vld [tilespmem:s19+$0xD0]  }
0x279: {  	v7 =	vld [tilespmem:s19+$0xFFFFFF50];
	[tilespmem:s18+$0xFFFFFF80] =	vst v5;
	v3 =	vmul.f32 $8.000000000e+00, v3  }
0x27a: {  	v5 =	vld [tilespmem:s19+$0xFFFFFF90];
	[tilespmem:s18+$0xFFFFFFC0] =	vst v1;
	v0 =	vmul.f32 $8.000000000e+00, v0  }
0x27b: {  	v1 =	vld [tilespmem:s19+$0xFFFFFFD0];
	[tilespmem:s18+$0x0] =	vst v3;
	v3 =	vmul.f32 $8.000000000e+00, v6  }
0x27c: {  	v4 =	vmul.f32 $8.000000000e+00, v4;
	v6 =	vld [tilespmem:s19+$0x10];
	[tilespmem:s18+$0x40] =	vst v0  }
0x27d: {  	v0 =	vld [tilespmem:s19+$0x50];
	[tilespmem:s18+$0x80] =	vst v3;
	v2 =	vmul.f32 $8.000000000e+00, v2  }
0x27e: {  	[tilespmem:s18+$0xFFFFFF00] =	vst v4;
	v3 =	vmul.f32 $8.000000000e+00, v7;
	v4 =	vld [tilespmem:s19+$0x90]  }
0x27f: {  	v7 =	vld [tilespmem:s19+$0xFFFFFF10];
	v5 =	vmul.f32 $8.000000000e+00, v5;
	[tilespmem:s18+$0xD0] =	vst v2  }
0x280: {  	[tilespmem:s18+$0xFFFFFF50] =	vst v3;
	v1 =	vmul.f32 $8.000000000e+00, v1;
	v2 =	vld [tilespmem:s19+$0xE0]  }
0x281: {  	v3 =	vld [tilespmem:s19+$0xFFFFFF60];
	[tilespmem:s18+$0xFFFFFF90] =	vst v5;
	v5 =	vmul.f32 $8.000000000e+00, v6  }
0x282: {  	v6 =	vld [tilespmem:s19+$0xFFFFFFA0];
	[tilespmem:s18+$0xFFFFFFD0] =	vst v1;
	v0 =	vmul.f32 $8.000000000e+00, v0  }
0x283: {  	v1 =	vld [tilespmem:s19+$0xFFFFFFE0];
	[tilespmem:s18+$0x10] =	vst v5;
	v4 =	vmul.f32 $8.000000000e+00, v4  }
0x284: {  	v5 =	vmul.f32 $8.000000000e+00, v7;
	v7 =	vld [tilespmem:s19+$0x20];
	[tilespmem:s18+$0x50] =	vst v0  }
0x285: {  	v0 =	vld [tilespmem:s19+$0x60];
	[tilespmem:s18+$0x90] =	vst v4;
	v2 =	vmul.f32 $8.000000000e+00, v2  }
0x286: {  	[tilespmem:s18+$0xFFFFFF10] =	vst v5;
	v3 =	vmul.f32 $8.000000000e+00, v3;
	v4 =	vld [tilespmem:s19+$0xA0]  }
0x287: {  	v5 =	vld [tilespmem:s19+$0xFFFFFF20];
	v6 =	vmul.f32 $8.000000000e+00, v6;
	[tilespmem:s18+$0xE0] =	vst v2  }
0x288: {  	[tilespmem:s18+$0xFFFFFF60] =	vst v3;
	v1 =	vmul.f32 $8.000000000e+00, v1;
	v3 =	vld [tilespmem:s19+$0xF0]  }
0x289: {  	v8 =	vld [tilespmem:s19+$0xFFFFFF70];
	[tilespmem:s18+$0xFFFFFFA0] =	vst v6;
	v2 =	vmul.f32 $8.000000000e+00, v7  }
0x28a: {  	v7 =	vld [tilespmem:s19+$0xFFFFFFB0];
	[tilespmem:s18+$0xFFFFFFE0] =	vst v1;
	v1 =	vmul.f32 $8.000000000e+00, v0  }
.Ltmp7:
0x28b: {  	v0 =	vld [tilespmem:s19+$0xFFFFFFF0];
	[tilespmem:s18+$0x20] =	vst v2;
	v4 =	vmul.f32 $8.000000000e+00, v4;
	(pc) =	sbr.rel @p0 .LBB2_17-.Ltmp7, $4  }
0x28c: {  	v5 =	vmul.f32 $8.000000000e+00, v5;
	v2 =	vld [tilespmem:s19+$0x30];
	[tilespmem:s18+$0x60] =	vst v1  }
0x28d: {  	v1 =	vld [tilespmem:s19+$0x70];
	[tilespmem:s18+$0xA0] =	vst v4;
	v9 =	vmul.f32 $8.000000000e+00, v3  }
0x28e: {  	[tilespmem:s18+$0xFFFFFF20] =	vst v5;
	v6 =	vmul.f32 $8.000000000e+00, v8;
	v3 =	vld [tilespmem:s19+$0xB0]  }
0x28f: {  	v4 =	vld [tilespmem:s19+$0xFFFFFF30];
	v5 =	vmul.f32 $8.000000000e+00, v7;
	[tilespmem:s18+$0xF0] =	vst v9;
	s19 =	sadd.s32 $0x200, s19  }
0x290: {  	[tilespmem:s18+$0xFFFFFF70] =	vst v6;
	v0 =	vmul.f32 $8.000000000e+00, v0  }
0x291: {  	[tilespmem:s18+$0xFFFFFFB0] =	vst v5;
	v2 =	vmul.f32 $8.000000000e+00, v2  }
0x292: {  	[tilespmem:s18+$0xFFFFFFF0] =	vst v0;
	v61 =	vmul.f32 $8.000000000e+00, v1  }
0x293: {  	s5 =	sadd.s32 s17, s13;
	s15 =	sadd.s32 $0x1, s15;
	[tilespmem:s18+$0x30] =	vst v2;
	v62 =	vmul.f32 $8.000000000e+00, v3  }
0x294: {  	s5 =	sshll.u32 s5, $0x3;
	p0 =	sne.s32 s15, $0x31;
	v63 =	vmul.f32 $8.000000000e+00, v4;
	[tilespmem:s18+$0x70] =	vst v61  }
.Ltmp8:
0x295: {  	s5 =	sand.u32 $0x1FFFFC00, s5;
	[tilespmem:s18+$0xB0] =	vst v62;
	(pc) =	sbr.rel @p0 .LBB2_10-.Ltmp8, $4  }
0x296: {  	s5 =	sadd.s32 s2, s5;
	[tilespmem:s18+$0xFFFFFF30] =	vst v63  }
0x297: {  	[hbm4b:s5+s3] =	stream.linear.scatter [tilespmem:s30], [sflag:$0x8], $0x2000, $0x38;
	[tilespmem:$0x16400] =	vst v63  }
0x298: {  	s19 =	sadd.s32 $0x380, s16  }
0x299: {  	[tilespmem:s26], [sflag:$0x4] =	stream.indirect.gather [hbm4b:s4+s20], $0x40, s19, s20, $0xb8;
	[tilespmem:$0x16400] =	vst v63  }
0x29a: {  	_ =	swait.ge [sflag:s28], $0x2000  }
0x29b: {  	[sflag:s28] =	ssyncset.done $0x0  }
0x29c: {  	[sflag:s28] =	ssyncadd.s32 $0xFFFFE000  }
0x29d: {  	_ =	swait.ge [sflag:s7], $0x2000  }
0x29e: {  	[sflag:s7] =	ssyncset.done $0x0  }
0x29f: {  	s16 =	simm.s32 $0x6500;
	[sflag:s7] =	ssyncadd.s32 $0xFFFFE000  }
0x2a0: {  	v0 =	vld [tilespmem:s16+$0xC0]  }
0x2a1: {  	v1 =	vld [tilespmem:s16+$0xFFFFFF40]  }
0x2a2: {  	v2 =	vld [tilespmem:s16+$0xFFFFFF80]  }
0x2a3: {  	v3 =	vld [tilespmem:s16+$0xFFFFFFC0]  }
0x2a4: {  	v4 =	vld [tilespmem:s16+$0x0]  }
0x2a5: {  	v5 =	vld [tilespmem:s16+$0x40];
	v0 =	vmul.f32 $8.000000000e+00, v0  }
0x2a6: {  	s15 =	simm.s32 $0xE500;
	v6 =	vld [tilespmem:s16+$0x80];
	v1 =	vmul.f32 $8.000000000e+00, v1  }
0x2a7: {  	v7 =	vld [tilespmem:s16+$0xFFFFFF00];
	v2 =	vmul.f32 $8.000000000e+00, v2;
	[tilespmem:s15+$0xC0] =	vst v0  }
0x2a8: {  	[tilespmem:s15+$0xFFFFFF40] =	vst v1;
	v0 =	vmul.f32 $8.000000000e+00, v3;
	v1 =	vld [tilespmem:s16+$0xD0]  }
0x2a9: {  	[tilespmem:s15+$0xFFFFFF80] =	vst v2;
	v2 =	vmul.f32 $8.000000000e+00, v4;
	v3 =	vld [tilespmem:s16+$0xFFFFFF50]  }
0x2aa: {  	v4 =	vld [tilespmem:s16+$0xFFFFFF90];
	[tilespmem:s15+$0xFFFFFFC0] =	vst v0;
	v0 =	vmul.f32 $8.000000000e+00, v5  }
0x2ab: {  	[tilespmem:s15+$0x0] =	vst v2;
	v2 =	vmul.f32 $8.000000000e+00, v6;
	v5 =	vld [tilespmem:s16+$0xFFFFFFD0]  }
0x2ac: {  	v6 =	vmul.f32 $8.000000000e+00, v7;
	v7 =	vld [tilespmem:s16+$0x10];
	[tilespmem:s15+$0x40] =	vst v0  }
0x2ad: {  	[tilespmem:s15+$0x80] =	vst v2;
	v0 =	vld [tilespmem:s16+$0x50];
	v1 =	vmul.f32 $8.000000000e+00, v1  }
0x2ae: {  	[tilespmem:s15+$0xFFFFFF00] =	vst v6;
	v2 =	vmul.f32 $8.000000000e+00, v3;
	v3 =	vld [tilespmem:s16+$0x90]  }
0x2af: {  	v6 =	vld [tilespmem:s16+$0xFFFFFF10];
	v4 =	vmul.f32 $8.000000000e+00, v4;
	[tilespmem:s15+$0xD0] =	vst v1  }
0x2b0: {  	[tilespmem:s15+$0xFFFFFF50] =	vst v2;
	v1 =	vmul.f32 $8.000000000e+00, v5;
	v2 =	vld [tilespmem:s16+$0xE0]  }
0x2b1: {  	[tilespmem:s15+$0xFFFFFF90] =	vst v4;
	v4 =	vmul.f32 $8.000000000e+00, v7;
	v5 =	vld [tilespmem:s16+$0xFFFFFF60]  }
0x2b2: {  	v7 =	vld [tilespmem:s16+$0xFFFFFFA0];
	[tilespmem:s15+$0xFFFFFFD0] =	vst v1;
	v0 =	vmul.f32 $8.000000000e+00, v0  }
0x2b3: {  	[tilespmem:s15+$0x10] =	vst v4;
	v1 =	vld [tilespmem:s16+$0xFFFFFFE0];
	v3 =	vmul.f32 $8.000000000e+00, v3  }
0x2b4: {  	v4 =	vmul.f32 $8.000000000e+00, v6;
	v6 =	vld [tilespmem:s16+$0x20];
	[tilespmem:s15+$0x50] =	vst v0  }
0x2b5: {  	v0 =	vld [tilespmem:s16+$0x60];
	[tilespmem:s15+$0x90] =	vst v3;
	v2 =	vmul.f32 $8.000000000e+00, v2  }
0x2b6: {  	[tilespmem:s15+$0xFFFFFF10] =	vst v4;
	v3 =	vmul.f32 $8.000000000e+00, v5;
	v4 =	vld [tilespmem:s16+$0xA0]  }
0x2b7: {  	v5 =	vld [tilespmem:s16+$0xFFFFFF20];
	v7 =	vmul.f32 $8.000000000e+00, v7;
	[tilespmem:s15+$0xE0] =	vst v2  }
0x2b8: {  	[tilespmem:s15+$0xFFFFFF60] =	vst v3;
	v1 =	vmul.f32 $8.000000000e+00, v1;
	v3 =	vld [tilespmem:s16+$0xF0]  }
0x2b9: {  	[tilespmem:s15+$0xFFFFFFA0] =	vst v7;
	v2 =	vmul.f32 $8.000000000e+00, v6;
	v8 =	vld [tilespmem:s16+$0xFFFFFF70]  }
0x2ba: {  	v7 =	vld [tilespmem:s16+$0xFFFFFFB0];
	[tilespmem:s15+$0xFFFFFFE0] =	vst v1;
	v1 =	vmul.f32 $8.000000000e+00, v0  }
0x2bb: {  	[tilespmem:s15+$0x20] =	vst v2;
	v0 =	vld [tilespmem:s16+$0xFFFFFFF0];
	v4 =	vmul.f32 $8.000000000e+00, v4  }
0x2bc: {  	v5 =	vmul.f32 $8.000000000e+00, v5;
	v2 =	vld [tilespmem:s16+$0x30];
	[tilespmem:s15+$0x60] =	vst v1  }
0x2bd: {  	v1 =	vld [tilespmem:s16+$0x70];
	[tilespmem:s15+$0xA0] =	vst v4;
	v9 =	vmul.f32 $8.000000000e+00, v3  }
0x2be: {  	[tilespmem:s15+$0xFFFFFF20] =	vst v5;
	v3 =	vld [tilespmem:s16+$0xB0];
	v6 =	vmul.f32 $8.000000000e+00, v8  }
0x2bf: {  	s5 =	simm.s32 $0x0;
	v4 =	vld [tilespmem:s16+$0xFFFFFF30];
	v5 =	vmul.f32 $8.000000000e+00, v7;
	s16 =	simm.s32 $0x6700;
	[tilespmem:s15+$0xF0] =	vst v9  }
.LBB2_20:
0x2c0: {  	v7 =	vld [tilespmem:s16+$0xC0];
	s5 =	sadd.s32 $0x8, s5;
	[tilespmem:s15+$0xFFFFFF70] =	vst v6;
	v0 =	vmul.f32 $8.000000000e+00, v0  }
0x2c1: {  	v6 =	vld [tilespmem:s16+$0xFFFFFF40];
	p0 =	slt.u32 s5, $0x78;
	[tilespmem:s15+$0xFFFFFFB0] =	vst v5;
	v2 =	vmul.f32 $8.000000000e+00, v2  }
0x2c2: {  	v5 =	vld [tilespmem:s16+$0xFFFFFF80];
	[tilespmem:s15+$0xFFFFFFF0] =	vst v0;
	v0 =	vmul.f32 $8.000000000e+00, v1  }
0x2c3: {  	v1 =	vld [tilespmem:s16+$0xFFFFFFC0];
	[tilespmem:s15+$0x30] =	vst v2;
	v2 =	vmul.f32 $8.000000000e+00, v3  }
0x2c4: {  	v3 =	vld [tilespmem:s16+$0x0];
	v4 =	vmul.f32 $8.000000000e+00, v4;
	[tilespmem:s15+$0x70] =	vst v0  }
0x2c5: {  	v0 =	vld [tilespmem:s16+$0x40];
	v7 =	vmul.f32 $8.000000000e+00, v7;
	[tilespmem:s15+$0xB0] =	vst v2  }
0x2c6: {  	v2 =	vmul.f32 $8.000000000e+00, v6;
	v6 =	vld [tilespmem:s16+$0x80];
	[tilespmem:s15+$0xFFFFFF30] =	vst v4;
	s15 =	sadd.s32 $0x200, s15  }
0x2c7: {  	v4 =	vld [tilespmem:s16+$0xFFFFFF00];
	v5 =	vmul.f32 $8.000000000e+00, v5;
	[tilespmem:s15+$0xC0] =	vst v7  }
0x2c8: {  	[tilespmem:s15+$0xFFFFFF40] =	vst v2;
	v1 =	vmul.f32 $8.000000000e+00, v1;
	v2 =	vld [tilespmem:s16+$0xD0]  }
0x2c9: {  	v7 =	vld [tilespmem:s16+$0xFFFFFF50];
	[tilespmem:s15+$0xFFFFFF80] =	vst v5;
	v3 =	vmul.f32 $8.000000000e+00, v3  }
0x2ca: {  	v5 =	vld [tilespmem:s16+$0xFFFFFF90];
	[tilespmem:s15+$0xFFFFFFC0] =	vst v1;
	v0 =	vmul.f32 $8.000000000e+00, v0  }
0x2cb: {  	v1 =	vld [tilespmem:s16+$0xFFFFFFD0];
	[tilespmem:s15+$0x0] =	vst v3;
	v3 =	vmul.f32 $8.000000000e+00, v6  }
0x2cc: {  	v4 =	vmul.f32 $8.000000000e+00, v4;
	v6 =	vld [tilespmem:s16+$0x10];
	[tilespmem:s15+$0x40] =	vst v0  }
0x2cd: {  	v0 =	vld [tilespmem:s16+$0x50];
	[tilespmem:s15+$0x80] =	vst v3;
	v2 =	vmul.f32 $8.000000000e+00, v2  }
0x2ce: {  	[tilespmem:s15+$0xFFFFFF00] =	vst v4;
	v3 =	vmul.f32 $8.000000000e+00, v7;
	v4 =	vld [tilespmem:s16+$0x90]  }
0x2cf: {  	v7 =	vld [tilespmem:s16+$0xFFFFFF10];
	v5 =	vmul.f32 $8.000000000e+00, v5;
	[tilespmem:s15+$0xD0] =	vst v2  }
0x2d0: {  	[tilespmem:s15+$0xFFFFFF50] =	vst v3;
	v1 =	vmul.f32 $8.000000000e+00, v1;
	v2 =	vld [tilespmem:s16+$0xE0]  }
0x2d1: {  	v3 =	vld [tilespmem:s16+$0xFFFFFF60];
	[tilespmem:s15+$0xFFFFFF90] =	vst v5;
	v5 =	vmul.f32 $8.000000000e+00, v6  }
0x2d2: {  	v6 =	vld [tilespmem:s16+$0xFFFFFFA0];
	[tilespmem:s15+$0xFFFFFFD0] =	vst v1;
	v0 =	vmul.f32 $8.000000000e+00, v0  }
0x2d3: {  	v1 =	vld [tilespmem:s16+$0xFFFFFFE0];
	[tilespmem:s15+$0x10] =	vst v5;
	v4 =	vmul.f32 $8.000000000e+00, v4  }
0x2d4: {  	v5 =	vmul.f32 $8.000000000e+00, v7;
	v7 =	vld [tilespmem:s16+$0x20];
	[tilespmem:s15+$0x50] =	vst v0  }
0x2d5: {  	v0 =	vld [tilespmem:s16+$0x60];
	[tilespmem:s15+$0x90] =	vst v4;
	v2 =	vmul.f32 $8.000000000e+00, v2  }
0x2d6: {  	[tilespmem:s15+$0xFFFFFF10] =	vst v5;
	v3 =	vmul.f32 $8.000000000e+00, v3;
	v4 =	vld [tilespmem:s16+$0xA0]  }
0x2d7: {  	v5 =	vld [tilespmem:s16+$0xFFFFFF20];
	v6 =	vmul.f32 $8.000000000e+00, v6;
	[tilespmem:s15+$0xE0] =	vst v2  }
0x2d8: {  	[tilespmem:s15+$0xFFFFFF60] =	vst v3;
	v1 =	vmul.f32 $8.000000000e+00, v1;
	v3 =	vld [tilespmem:s16+$0xF0]  }
0x2d9: {  	v8 =	vld [tilespmem:s16+$0xFFFFFF70];
	[tilespmem:s15+$0xFFFFFFA0] =	vst v6;
	v2 =	vmul.f32 $8.000000000e+00, v7  }
0x2da: {  	v7 =	vld [tilespmem:s16+$0xFFFFFFB0];
	[tilespmem:s15+$0xFFFFFFE0] =	vst v1;
	v1 =	vmul.f32 $8.000000000e+00, v0  }
.Ltmp9:
0x2db: {  	v0 =	vld [tilespmem:s16+$0xFFFFFFF0];
	[tilespmem:s15+$0x20] =	vst v2;
	v4 =	vmul.f32 $8.000000000e+00, v4;
	(pc) =	sbr.rel @p0 .LBB2_20-.Ltmp9, $4  }
0x2dc: {  	v5 =	vmul.f32 $8.000000000e+00, v5;
	v2 =	vld [tilespmem:s16+$0x30];
	[tilespmem:s15+$0x60] =	vst v1  }
0x2dd: {  	v1 =	vld [tilespmem:s16+$0x70];
	[tilespmem:s15+$0xA0] =	vst v4;
	v9 =	vmul.f32 $8.000000000e+00, v3  }
0x2de: {  	[tilespmem:s15+$0xFFFFFF20] =	vst v5;
	v6 =	vmul.f32 $8.000000000e+00, v8;
	v3 =	vld [tilespmem:s16+$0xB0]  }
0x2df: {  	v4 =	vld [tilespmem:s16+$0xFFFFFF30];
	v5 =	vmul.f32 $8.000000000e+00, v7;
	[tilespmem:s15+$0xF0] =	vst v9;
	s16 =	sadd.s32 $0x200, s16  }
0x2e0: {  	[tilespmem:s15+$0xFFFFFF70] =	vst v6;
	v0 =	vmul.f32 $8.000000000e+00, v0  }
0x2e1: {  	[tilespmem:s15+$0xFFFFFFB0] =	vst v5;
	v2 =	vmul.f32 $8.000000000e+00, v2  }
0x2e2: {  	[tilespmem:s15+$0xFFFFFFF0] =	vst v0;
	v0 =	vmul.f32 $8.000000000e+00, v1  }
0x2e3: {  	[tilespmem:s15+$0x30] =	vst v2;
	v1 =	vmul.f32 $8.000000000e+00, v3  }
0x2e4: {  	v2 =	vmul.f32 $8.000000000e+00, v4;
	[tilespmem:s15+$0x70] =	vst v0  }
0x2e5: {  	[tilespmem:s15+$0xB0] =	vst v1  }
0x2e6: {  	[tilespmem:s15+$0xFFFFFF30] =	vst v2  }
0x2e7: {  	s5 =	rddreg [dreg:$0x8]  }
0x2e8: {  	[hbm4b:s5+s3] =	stream.linear.scatter [tilespmem:s29], [sflag:$0x5], $0x2000, $0x38;
	[tilespmem:$0x16400] =	vst v63  }
0x2e9: {  	_ =	swait.ge [sflag:s31], $0x2000  }
0x2ea: {  	[sflag:s31] =	ssyncset.done $0x0  }
0x2eb: {  	[sflag:s31] =	ssyncadd.s32 $0xFFFFE000  }
0x2ec: {  	_ =	swait.ge [sflag:s8], $0x2000  }
0x2ed: {  	[sflag:s8] =	ssyncset.done $0x0  }
0x2ee: {  	s16 =	simm.s32 $0x8500;
	[sflag:s8] =	ssyncadd.s32 $0xFFFFE000  }
0x2ef: {  	v0 =	vld [tilespmem:s16+$0xC0]  }
0x2f0: {  	v1 =	vld [tilespmem:s16+$0xFFFFFF40]  }
0x2f1: {  	v2 =	vld [tilespmem:s16+$0xFFFFFF80]  }
0x2f2: {  	v3 =	vld [tilespmem:s16+$0xFFFFFFC0]  }
0x2f3: {  	v4 =	vld [tilespmem:s16+$0x0]  }
0x2f4: {  	v5 =	vld [tilespmem:s16+$0x40];
	v0 =	vmul.f32 $8.000000000e+00, v0  }
0x2f5: {  	s15 =	simm.s32 $0x10500;
	v6 =	vld [tilespmem:s16+$0x80];
	v1 =	vmul.f32 $8.000000000e+00, v1  }
0x2f6: {  	v7 =	vld [tilespmem:s16+$0xFFFFFF00];
	v2 =	vmul.f32 $8.000000000e+00, v2;
	[tilespmem:s15+$0xC0] =	vst v0  }
0x2f7: {  	[tilespmem:s15+$0xFFFFFF40] =	vst v1;
	v0 =	vmul.f32 $8.000000000e+00, v3;
	v1 =	vld [tilespmem:s16+$0xD0]  }
0x2f8: {  	[tilespmem:s15+$0xFFFFFF80] =	vst v2;
	v2 =	vmul.f32 $8.000000000e+00, v4;
	v3 =	vld [tilespmem:s16+$0xFFFFFF50]  }
0x2f9: {  	v4 =	vld [tilespmem:s16+$0xFFFFFF90];
	[tilespmem:s15+$0xFFFFFFC0] =	vst v0;
	v0 =	vmul.f32 $8.000000000e+00, v5  }
0x2fa: {  	[tilespmem:s15+$0x0] =	vst v2;
	v2 =	vmul.f32 $8.000000000e+00, v6;
	v5 =	vld [tilespmem:s16+$0xFFFFFFD0]  }
0x2fb: {  	v6 =	vmul.f32 $8.000000000e+00, v7;
	v7 =	vld [tilespmem:s16+$0x10];
	[tilespmem:s15+$0x40] =	vst v0  }
0x2fc: {  	[tilespmem:s15+$0x80] =	vst v2;
	v0 =	vld [tilespmem:s16+$0x50];
	v1 =	vmul.f32 $8.000000000e+00, v1  }
0x2fd: {  	[tilespmem:s15+$0xFFFFFF00] =	vst v6;
	v2 =	vmul.f32 $8.000000000e+00, v3;
	v3 =	vld [tilespmem:s16+$0x90]  }
0x2fe: {  	v6 =	vld [tilespmem:s16+$0xFFFFFF10];
	v4 =	vmul.f32 $8.000000000e+00, v4;
	[tilespmem:s15+$0xD0] =	vst v1  }
0x2ff: {  	[tilespmem:s15+$0xFFFFFF50] =	vst v2;
	v1 =	vmul.f32 $8.000000000e+00, v5;
	v2 =	vld [tilespmem:s16+$0xE0]  }
0x300: {  	[tilespmem:s15+$0xFFFFFF90] =	vst v4;
	v4 =	vmul.f32 $8.000000000e+00, v7;
	v5 =	vld [tilespmem:s16+$0xFFFFFF60]  }
0x301: {  	v7 =	vld [tilespmem:s16+$0xFFFFFFA0];
	[tilespmem:s15+$0xFFFFFFD0] =	vst v1;
	v0 =	vmul.f32 $8.000000000e+00, v0  }
0x302: {  	[tilespmem:s15+$0x10] =	vst v4;
	v1 =	vld [tilespmem:s16+$0xFFFFFFE0];
	v3 =	vmul.f32 $8.000000000e+00, v3  }
0x303: {  	v4 =	vmul.f32 $8.000000000e+00, v6;
	v6 =	vld [tilespmem:s16+$0x20];
	[tilespmem:s15+$0x50] =	vst v0  }
0x304: {  	v0 =	vld [tilespmem:s16+$0x60];
	[tilespmem:s15+$0x90] =	vst v3;
	v2 =	vmul.f32 $8.000000000e+00, v2  }
0x305: {  	[tilespmem:s15+$0xFFFFFF10] =	vst v4;
	v3 =	vmul.f32 $8.000000000e+00, v5;
	v4 =	vld [tilespmem:s16+$0xA0]  }
0x306: {  	v5 =	vld [tilespmem:s16+$0xFFFFFF20];
	v7 =	vmul.f32 $8.000000000e+00, v7;
	[tilespmem:s15+$0xE0] =	vst v2  }
0x307: {  	[tilespmem:s15+$0xFFFFFF60] =	vst v3;
	v1 =	vmul.f32 $8.000000000e+00, v1;
	v3 =	vld [tilespmem:s16+$0xF0]  }
0x308: {  	[tilespmem:s15+$0xFFFFFFA0] =	vst v7;
	v2 =	vmul.f32 $8.000000000e+00, v6;
	v8 =	vld [tilespmem:s16+$0xFFFFFF70]  }
0x309: {  	v7 =	vld [tilespmem:s16+$0xFFFFFFB0];
	[tilespmem:s15+$0xFFFFFFE0] =	vst v1;
	v1 =	vmul.f32 $8.000000000e+00, v0  }
0x30a: {  	[tilespmem:s15+$0x20] =	vst v2;
	v0 =	vld [tilespmem:s16+$0xFFFFFFF0];
	v4 =	vmul.f32 $8.000000000e+00, v4  }
0x30b: {  	v5 =	vmul.f32 $8.000000000e+00, v5;
	v2 =	vld [tilespmem:s16+$0x30];
	[tilespmem:s15+$0x60] =	vst v1  }
0x30c: {  	v1 =	vld [tilespmem:s16+$0x70];
	[tilespmem:s15+$0xA0] =	vst v4;
	v9 =	vmul.f32 $8.000000000e+00, v3  }
0x30d: {  	[tilespmem:s15+$0xFFFFFF20] =	vst v5;
	v3 =	vld [tilespmem:s16+$0xB0];
	v6 =	vmul.f32 $8.000000000e+00, v8  }
0x30e: {  	s5 =	simm.s32 $0x0;
	v4 =	vld [tilespmem:s16+$0xFFFFFF30];
	v5 =	vmul.f32 $8.000000000e+00, v7;
	s16 =	simm.s32 $0x8700;
	[tilespmem:s15+$0xF0] =	vst v9  }
.LBB2_22:
0x30f: {  	v7 =	vld [tilespmem:s16+$0xC0];
	s5 =	sadd.s32 $0x8, s5;
	[tilespmem:s15+$0xFFFFFF70] =	vst v6;
	v0 =	vmul.f32 $8.000000000e+00, v0  }
0x310: {  	v6 =	vld [tilespmem:s16+$0xFFFFFF40];
	p0 =	slt.u32 s5, $0x78;
	[tilespmem:s15+$0xFFFFFFB0] =	vst v5;
	v2 =	vmul.f32 $8.000000000e+00, v2  }
0x311: {  	v5 =	vld [tilespmem:s16+$0xFFFFFF80];
	[tilespmem:s15+$0xFFFFFFF0] =	vst v0;
	v0 =	vmul.f32 $8.000000000e+00, v1  }
0x312: {  	v1 =	vld [tilespmem:s16+$0xFFFFFFC0];
	[tilespmem:s15+$0x30] =	vst v2;
	v2 =	vmul.f32 $8.000000000e+00, v3  }
0x313: {  	v3 =	vld [tilespmem:s16+$0x0];
	v4 =	vmul.f32 $8.000000000e+00, v4;
	[tilespmem:s15+$0x70] =	vst v0  }
0x314: {  	v0 =	vld [tilespmem:s16+$0x40];
	v7 =	vmul.f32 $8.000000000e+00, v7;
	[tilespmem:s15+$0xB0] =	vst v2  }
0x315: {  	v2 =	vmul.f32 $8.000000000e+00, v6;
	v6 =	vld [tilespmem:s16+$0x80];
	[tilespmem:s15+$0xFFFFFF30] =	vst v4;
	s15 =	sadd.s32 $0x200, s15  }
0x316: {  	v4 =	vld [tilespmem:s16+$0xFFFFFF00];
	v5 =	vmul.f32 $8.000000000e+00, v5;
	[tilespmem:s15+$0xC0] =	vst v7  }
0x317: {  	[tilespmem:s15+$0xFFFFFF40] =	vst v2;
	v1 =	vmul.f32 $8.000000000e+00, v1;
	v2 =	vld [tilespmem:s16+$0xD0]  }
0x318: {  	v7 =	vld [tilespmem:s16+$0xFFFFFF50];
	[tilespmem:s15+$0xFFFFFF80] =	vst v5;
	v3 =	vmul.f32 $8.000000000e+00, v3  }
0x319: {  	v5 =	vld [tilespmem:s16+$0xFFFFFF90];
	[tilespmem:s15+$0xFFFFFFC0] =	vst v1;
	v0 =	vmul.f32 $8.000000000e+00, v0  }
0x31a: {  	v1 =	vld [tilespmem:s16+$0xFFFFFFD0];
	[tilespmem:s15+$0x0] =	vst v3;
	v3 =	vmul.f32 $8.000000000e+00, v6  }
0x31b: {  	v4 =	vmul.f32 $8.000000000e+00, v4;
	v6 =	vld [tilespmem:s16+$0x10];
	[tilespmem:s15+$0x40] =	vst v0  }
0x31c: {  	v0 =	vld [tilespmem:s16+$0x50];
	[tilespmem:s15+$0x80] =	vst v3;
	v2 =	vmul.f32 $8.000000000e+00, v2  }
0x31d: {  	[tilespmem:s15+$0xFFFFFF00] =	vst v4;
	v3 =	vmul.f32 $8.000000000e+00, v7;
	v4 =	vld [tilespmem:s16+$0x90]  }
0x31e: {  	v7 =	vld [tilespmem:s16+$0xFFFFFF10];
	v5 =	vmul.f32 $8.000000000e+00, v5;
	[tilespmem:s15+$0xD0] =	vst v2  }
0x31f: {  	[tilespmem:s15+$0xFFFFFF50] =	vst v3;
	v1 =	vmul.f32 $8.000000000e+00, v1;
	v2 =	vld [tilespmem:s16+$0xE0]  }
0x320: {  	v3 =	vld [tilespmem:s16+$0xFFFFFF60];
	[tilespmem:s15+$0xFFFFFF90] =	vst v5;
	v5 =	vmul.f32 $8.000000000e+00, v6  }
0x321: {  	v6 =	vld [tilespmem:s16+$0xFFFFFFA0];
	[tilespmem:s15+$0xFFFFFFD0] =	vst v1;
	v0 =	vmul.f32 $8.000000000e+00, v0  }
0x322: {  	v1 =	vld [tilespmem:s16+$0xFFFFFFE0];
	[tilespmem:s15+$0x10] =	vst v5;
	v4 =	vmul.f32 $8.000000000e+00, v4  }
0x323: {  	v5 =	vmul.f32 $8.000000000e+00, v7;
	v7 =	vld [tilespmem:s16+$0x20];
	[tilespmem:s15+$0x50] =	vst v0  }
0x324: {  	v0 =	vld [tilespmem:s16+$0x60];
	[tilespmem:s15+$0x90] =	vst v4;
	v2 =	vmul.f32 $8.000000000e+00, v2  }
0x325: {  	[tilespmem:s15+$0xFFFFFF10] =	vst v5;
	v3 =	vmul.f32 $8.000000000e+00, v3;
	v4 =	vld [tilespmem:s16+$0xA0]  }
0x326: {  	v5 =	vld [tilespmem:s16+$0xFFFFFF20];
	v6 =	vmul.f32 $8.000000000e+00, v6;
	[tilespmem:s15+$0xE0] =	vst v2  }
0x327: {  	[tilespmem:s15+$0xFFFFFF60] =	vst v3;
	v1 =	vmul.f32 $8.000000000e+00, v1;
	v3 =	vld [tilespmem:s16+$0xF0]  }
0x328: {  	v8 =	vld [tilespmem:s16+$0xFFFFFF70];
	[tilespmem:s15+$0xFFFFFFA0] =	vst v6;
	v2 =	vmul.f32 $8.000000000e+00, v7  }
0x329: {  	v7 =	vld [tilespmem:s16+$0xFFFFFFB0];
	[tilespmem:s15+$0xFFFFFFE0] =	vst v1;
	v1 =	vmul.f32 $8.000000000e+00, v0  }
.Ltmp10:
0x32a: {  	v0 =	vld [tilespmem:s16+$0xFFFFFFF0];
	[tilespmem:s15+$0x20] =	vst v2;
	v4 =	vmul.f32 $8.000000000e+00, v4;
	(pc) =	sbr.rel @p0 .LBB2_22-.Ltmp10, $4  }
0x32b: {  	v5 =	vmul.f32 $8.000000000e+00, v5;
	v2 =	vld [tilespmem:s16+$0x30];
	[tilespmem:s15+$0x60] =	vst v1  }
0x32c: {  	v1 =	vld [tilespmem:s16+$0x70];
	[tilespmem:s15+$0xA0] =	vst v4;
	v9 =	vmul.f32 $8.000000000e+00, v3  }
0x32d: {  	[tilespmem:s15+$0xFFFFFF20] =	vst v5;
	v6 =	vmul.f32 $8.000000000e+00, v8;
	v3 =	vld [tilespmem:s16+$0xB0]  }
0x32e: {  	v4 =	vld [tilespmem:s16+$0xFFFFFF30];
	v5 =	vmul.f32 $8.000000000e+00, v7;
	[tilespmem:s15+$0xF0] =	vst v9;
	s16 =	sadd.s32 $0x200, s16  }
0x32f: {  	[tilespmem:s15+$0xFFFFFF70] =	vst v6;
	v0 =	vmul.f32 $8.000000000e+00, v0  }
0x330: {  	[tilespmem:s15+$0xFFFFFFB0] =	vst v5;
	v2 =	vmul.f32 $8.000000000e+00, v2  }
0x331: {  	[tilespmem:s15+$0xFFFFFFF0] =	vst v0;
	v0 =	vmul.f32 $8.000000000e+00, v1  }
0x332: {  	[tilespmem:s15+$0x30] =	vst v2;
	v1 =	vmul.f32 $8.000000000e+00, v3  }
0x333: {  	v2 =	vmul.f32 $8.000000000e+00, v4;
	[tilespmem:s15+$0x70] =	vst v0  }
0x334: {  	[tilespmem:s15+$0xB0] =	vst v1  }
0x335: {  	[tilespmem:s15+$0xFFFFFF30] =	vst v2  }
0x336: {  	s5 =	rddreg [dreg:$0x9]  }
0x337: {  	[hbm4b:s5+s3] =	stream.linear.scatter [tilespmem:s1], [sflag:$0x6], $0x2000, $0x38;
	[tilespmem:$0x16400] =	vst v63  }
0x338: {  	_ =	swait.ge [sflag:s23], $0x2000  }
0x339: {  	[sflag:s23] =	ssyncset.done $0x0  }
0x33a: {  	[sflag:s23] =	ssyncadd.s32 $0xFFFFE000  }
0x33b: {  	_ =	swait.ge [sflag:s9], $0x2000  }
0x33c: {  	[sflag:s9] =	ssyncset.done $0x0  }
0x33d: {  	s16 =	simm.s32 $0xA500;
	[sflag:s9] =	ssyncadd.s32 $0xFFFFE000  }
0x33e: {  	v0 =	vld [tilespmem:s16+$0xC0]  }
0x33f: {  	v1 =	vld [tilespmem:s16+$0xFFFFFF40]  }
0x340: {  	v2 =	vld [tilespmem:s16+$0xFFFFFF80]  }
0x341: {  	v3 =	vld [tilespmem:s16+$0xFFFFFFC0]  }
0x342: {  	v4 =	vld [tilespmem:s16+$0x0]  }
0x343: {  	v5 =	vld [tilespmem:s16+$0x40];
	v0 =	vmul.f32 $8.000000000e+00, v0  }
0x344: {  	s15 =	simm.s32 $0x12500;
	v6 =	vld [tilespmem:s16+$0x80];
	v1 =	vmul.f32 $8.000000000e+00, v1  }
0x345: {  	v7 =	vld [tilespmem:s16+$0xFFFFFF00];
	v2 =	vmul.f32 $8.000000000e+00, v2;
	[tilespmem:s15+$0xC0] =	vst v0  }
0x346: {  	[tilespmem:s15+$0xFFFFFF40] =	vst v1;
	v0 =	vmul.f32 $8.000000000e+00, v3;
	v1 =	vld [tilespmem:s16+$0xD0]  }
0x347: {  	[tilespmem:s15+$0xFFFFFF80] =	vst v2;
	v2 =	vmul.f32 $8.000000000e+00, v4;
	v3 =	vld [tilespmem:s16+$0xFFFFFF50]  }
0x348: {  	v4 =	vld [tilespmem:s16+$0xFFFFFF90];
	[tilespmem:s15+$0xFFFFFFC0] =	vst v0;
	v0 =	vmul.f32 $8.000000000e+00, v5  }
0x349: {  	[tilespmem:s15+$0x0] =	vst v2;
	v2 =	vmul.f32 $8.000000000e+00, v6;
	v5 =	vld [tilespmem:s16+$0xFFFFFFD0]  }
0x34a: {  	v6 =	vmul.f32 $8.000000000e+00, v7;
	v7 =	vld [tilespmem:s16+$0x10];
	[tilespmem:s15+$0x40] =	vst v0  }
0x34b: {  	[tilespmem:s15+$0x80] =	vst v2;
	v0 =	vld [tilespmem:s16+$0x50];
	v1 =	vmul.f32 $8.000000000e+00, v1  }
0x34c: {  	[tilespmem:s15+$0xFFFFFF00] =	vst v6;
	v2 =	vmul.f32 $8.000000000e+00, v3;
	v3 =	vld [tilespmem:s16+$0x90]  }
0x34d: {  	v6 =	vld [tilespmem:s16+$0xFFFFFF10];
	v4 =	vmul.f32 $8.000000000e+00, v4;
	[tilespmem:s15+$0xD0] =	vst v1  }
0x34e: {  	[tilespmem:s15+$0xFFFFFF50] =	vst v2;
	v1 =	vmul.f32 $8.000000000e+00, v5;
	v2 =	vld [tilespmem:s16+$0xE0]  }
0x34f: {  	[tilespmem:s15+$0xFFFFFF90] =	vst v4;
	v4 =	vmul.f32 $8.000000000e+00, v7;
	v5 =	vld [tilespmem:s16+$0xFFFFFF60]  }
0x350: {  	v7 =	vld [tilespmem:s16+$0xFFFFFFA0];
	[tilespmem:s15+$0xFFFFFFD0] =	vst v1;
	v0 =	vmul.f32 $8.000000000e+00, v0  }
0x351: {  	[tilespmem:s15+$0x10] =	vst v4;
	v1 =	vld [tilespmem:s16+$0xFFFFFFE0];
	v3 =	vmul.f32 $8.000000000e+00, v3  }
0x352: {  	v4 =	vmul.f32 $8.000000000e+00, v6;
	v6 =	vld [tilespmem:s16+$0x20];
	[tilespmem:s15+$0x50] =	vst v0  }
0x353: {  	v0 =	vld [tilespmem:s16+$0x60];
	[tilespmem:s15+$0x90] =	vst v3;
	v2 =	vmul.f32 $8.000000000e+00, v2  }
0x354: {  	[tilespmem:s15+$0xFFFFFF10] =	vst v4;
	v3 =	vmul.f32 $8.000000000e+00, v5;
	v4 =	vld [tilespmem:s16+$0xA0]  }
0x355: {  	v5 =	vld [tilespmem:s16+$0xFFFFFF20];
	v7 =	vmul.f32 $8.000000000e+00, v7;
	[tilespmem:s15+$0xE0] =	vst v2  }
0x356: {  	[tilespmem:s15+$0xFFFFFF60] =	vst v3;
	v1 =	vmul.f32 $8.000000000e+00, v1;
	v3 =	vld [tilespmem:s16+$0xF0]  }
0x357: {  	[tilespmem:s15+$0xFFFFFFA0] =	vst v7;
	v2 =	vmul.f32 $8.000000000e+00, v6;
	v8 =	vld [tilespmem:s16+$0xFFFFFF70]  }
0x358: {  	v7 =	vld [tilespmem:s16+$0xFFFFFFB0];
	[tilespmem:s15+$0xFFFFFFE0] =	vst v1;
	v1 =	vmul.f32 $8.000000000e+00, v0  }
0x359: {  	[tilespmem:s15+$0x20] =	vst v2;
	v0 =	vld [tilespmem:s16+$0xFFFFFFF0];
	v4 =	vmul.f32 $8.000000000e+00, v4  }
0x35a: {  	v5 =	vmul.f32 $8.000000000e+00, v5;
	v2 =	vld [tilespmem:s16+$0x30];
	[tilespmem:s15+$0x60] =	vst v1  }
0x35b: {  	v1 =	vld [tilespmem:s16+$0x70];
	[tilespmem:s15+$0xA0] =	vst v4;
	v9 =	vmul.f32 $8.000000000e+00, v3  }
0x35c: {  	[tilespmem:s15+$0xFFFFFF20] =	vst v5;
	v3 =	vld [tilespmem:s16+$0xB0];
	v6 =	vmul.f32 $8.000000000e+00, v8  }
0x35d: {  	s5 =	simm.s32 $0x0;
	v4 =	vld [tilespmem:s16+$0xFFFFFF30];
	v5 =	vmul.f32 $8.000000000e+00, v7;
	s16 =	simm.s32 $0xA700;
	[tilespmem:s15+$0xF0] =	vst v9  }
.LBB2_24:
0x35e: {  	v7 =	vld [tilespmem:s16+$0xC0];
	s5 =	sadd.s32 $0x8, s5;
	[tilespmem:s15+$0xFFFFFF70] =	vst v6;
	v0 =	vmul.f32 $8.000000000e+00, v0  }
0x35f: {  	v6 =	vld [tilespmem:s16+$0xFFFFFF40];
	p0 =	slt.u32 s5, $0x78;
	[tilespmem:s15+$0xFFFFFFB0] =	vst v5;
	v2 =	vmul.f32 $8.000000000e+00, v2  }
0x360: {  	v5 =	vld [tilespmem:s16+$0xFFFFFF80];
	[tilespmem:s15+$0xFFFFFFF0] =	vst v0;
	v0 =	vmul.f32 $8.000000000e+00, v1  }
0x361: {  	v1 =	vld [tilespmem:s16+$0xFFFFFFC0];
	[tilespmem:s15+$0x30] =	vst v2;
	v2 =	vmul.f32 $8.000000000e+00, v3  }
0x362: {  	v3 =	vld [tilespmem:s16+$0x0];
	v4 =	vmul.f32 $8.000000000e+00, v4;
	[tilespmem:s15+$0x70] =	vst v0  }
0x363: {  	v0 =	vld [tilespmem:s16+$0x40];
	v7 =	vmul.f32 $8.000000000e+00, v7;
	[tilespmem:s15+$0xB0] =	vst v2  }
0x364: {  	v2 =	vmul.f32 $8.000000000e+00, v6;
	v6 =	vld [tilespmem:s16+$0x80];
	[tilespmem:s15+$0xFFFFFF30] =	vst v4;
	s15 =	sadd.s32 $0x200, s15  }
0x365: {  	v4 =	vld [tilespmem:s16+$0xFFFFFF00];
	v5 =	vmul.f32 $8.000000000e+00, v5;
	[tilespmem:s15+$0xC0] =	vst v7  }
0x366: {  	[tilespmem:s15+$0xFFFFFF40] =	vst v2;
	v1 =	vmul.f32 $8.000000000e+00, v1;
	v2 =	vld [tilespmem:s16+$0xD0]  }
0x367: {  	v7 =	vld [tilespmem:s16+$0xFFFFFF50];
	[tilespmem:s15+$0xFFFFFF80] =	vst v5;
	v3 =	vmul.f32 $8.000000000e+00, v3  }
0x368: {  	v5 =	vld [tilespmem:s16+$0xFFFFFF90];
	[tilespmem:s15+$0xFFFFFFC0] =	vst v1;
	v0 =	vmul.f32 $8.000000000e+00, v0  }
0x369: {  	v1 =	vld [tilespmem:s16+$0xFFFFFFD0];
	[tilespmem:s15+$0x0] =	vst v3;
	v3 =	vmul.f32 $8.000000000e+00, v6  }
0x36a: {  	v4 =	vmul.f32 $8.000000000e+00, v4;
	v6 =	vld [tilespmem:s16+$0x10];
	[tilespmem:s15+$0x40] =	vst v0  }
0x36b: {  	v0 =	vld [tilespmem:s16+$0x50];
	[tilespmem:s15+$0x80] =	vst v3;
	v2 =	vmul.f32 $8.000000000e+00, v2  }
0x36c: {  	[tilespmem:s15+$0xFFFFFF00] =	vst v4;
	v3 =	vmul.f32 $8.000000000e+00, v7;
	v4 =	vld [tilespmem:s16+$0x90]  }
0x36d: {  	v7 =	vld [tilespmem:s16+$0xFFFFFF10];
	v5 =	vmul.f32 $8.000000000e+00, v5;
	[tilespmem:s15+$0xD0] =	vst v2  }
0x36e: {  	[tilespmem:s15+$0xFFFFFF50] =	vst v3;
	v1 =	vmul.f32 $8.000000000e+00, v1;
	v2 =	vld [tilespmem:s16+$0xE0]  }
0x36f: {  	v3 =	vld [tilespmem:s16+$0xFFFFFF60];
	[tilespmem:s15+$0xFFFFFF90] =	vst v5;
	v5 =	vmul.f32 $8.000000000e+00, v6  }
0x370: {  	v6 =	vld [tilespmem:s16+$0xFFFFFFA0];
	[tilespmem:s15+$0xFFFFFFD0] =	vst v1;
	v0 =	vmul.f32 $8.000000000e+00, v0  }
0x371: {  	v1 =	vld [tilespmem:s16+$0xFFFFFFE0];
	[tilespmem:s15+$0x10] =	vst v5;
	v4 =	vmul.f32 $8.000000000e+00, v4  }
0x372: {  	v5 =	vmul.f32 $8.000000000e+00, v7;
	v7 =	vld [tilespmem:s16+$0x20];
	[tilespmem:s15+$0x50] =	vst v0  }
0x373: {  	v0 =	vld [tilespmem:s16+$0x60];
	[tilespmem:s15+$0x90] =	vst v4;
	v2 =	vmul.f32 $8.000000000e+00, v2  }
0x374: {  	[tilespmem:s15+$0xFFFFFF10] =	vst v5;
	v3 =	vmul.f32 $8.000000000e+00, v3;
	v4 =	vld [tilespmem:s16+$0xA0]  }
0x375: {  	v5 =	vld [tilespmem:s16+$0xFFFFFF20];
	v6 =	vmul.f32 $8.000000000e+00, v6;
	[tilespmem:s15+$0xE0] =	vst v2  }
0x376: {  	[tilespmem:s15+$0xFFFFFF60] =	vst v3;
	v1 =	vmul.f32 $8.000000000e+00, v1;
	v3 =	vld [tilespmem:s16+$0xF0]  }
0x377: {  	v8 =	vld [tilespmem:s16+$0xFFFFFF70];
	[tilespmem:s15+$0xFFFFFFA0] =	vst v6;
	v2 =	vmul.f32 $8.000000000e+00, v7  }
0x378: {  	v7 =	vld [tilespmem:s16+$0xFFFFFFB0];
	[tilespmem:s15+$0xFFFFFFE0] =	vst v1;
	v1 =	vmul.f32 $8.000000000e+00, v0  }
.Ltmp11:
0x379: {  	v0 =	vld [tilespmem:s16+$0xFFFFFFF0];
	[tilespmem:s15+$0x20] =	vst v2;
	v4 =	vmul.f32 $8.000000000e+00, v4;
	(pc) =	sbr.rel @p0 .LBB2_24-.Ltmp11, $4  }
0x37a: {  	v5 =	vmul.f32 $8.000000000e+00, v5;
	v2 =	vld [tilespmem:s16+$0x30];
	[tilespmem:s15+$0x60] =	vst v1  }
0x37b: {  	v1 =	vld [tilespmem:s16+$0x70];
	[tilespmem:s15+$0xA0] =	vst v4;
	v9 =	vmul.f32 $8.000000000e+00, v3  }
0x37c: {  	[tilespmem:s15+$0xFFFFFF20] =	vst v5;
	v6 =	vmul.f32 $8.000000000e+00, v8;
	v3 =	vld [tilespmem:s16+$0xB0]  }
0x37d: {  	v4 =	vld [tilespmem:s16+$0xFFFFFF30];
	v5 =	vmul.f32 $8.000000000e+00, v7;
	[tilespmem:s15+$0xF0] =	vst v9;
	s16 =	sadd.s32 $0x200, s16  }
0x37e: {  	[tilespmem:s15+$0xFFFFFF70] =	vst v6;
	v0 =	vmul.f32 $8.000000000e+00, v0  }
0x37f: {  	[tilespmem:s15+$0xFFFFFFB0] =	vst v5;
	v2 =	vmul.f32 $8.000000000e+00, v2  }
0x380: {  	[tilespmem:s15+$0xFFFFFFF0] =	vst v0;
	v0 =	vmul.f32 $8.000000000e+00, v1  }
0x381: {  	[tilespmem:s15+$0x30] =	vst v2;
	v1 =	vmul.f32 $8.000000000e+00, v3  }
0x382: {  	v2 =	vmul.f32 $8.000000000e+00, v4;
	[tilespmem:s15+$0x70] =	vst v0  }
0x383: {  	[tilespmem:s15+$0xB0] =	vst v1  }
0x384: {  	[tilespmem:s15+$0xFFFFFF30] =	vst v2  }
0x385: {  	s5 =	rddreg [dreg:$0xa]  }
0x386: {  	[hbm4b:s5+s3] =	stream.linear.scatter [tilespmem:s25], [sflag:$0x7], $0x2000, $0x38;
	[tilespmem:$0x16400] =	vst v63  }
0x387: {  	_ =	swait.ge [sflag:s0], $0x2000  }
0x388: {  	[sflag:s0] =	ssyncset.done $0x0  }
0x389: {  	[sflag:s0] =	ssyncadd.s32 $0xFFFFE000  }
0x38a: {  	_ =	swait.ge [sflag:s10], $0x2000  }
0x38b: {  	[sflag:s10] =	ssyncset.done $0x0  }
0x38c: {  	s16 =	simm.s32 $0xC500;
	[sflag:s10] =	ssyncadd.s32 $0xFFFFE000  }
0x38d: {  	v0 =	vld [tilespmem:s16+$0xC0]  }
0x38e: {  	v1 =	vld [tilespmem:s16+$0xFFFFFF40]  }
0x38f: {  	v2 =	vld [tilespmem:s16+$0xFFFFFF80]  }
0x390: {  	v3 =	vld [tilespmem:s16+$0xFFFFFFC0]  }
0x391: {  	v4 =	vld [tilespmem:s16+$0x0]  }
0x392: {  	v5 =	vld [tilespmem:s16+$0x40];
	v0 =	vmul.f32 $8.000000000e+00, v0  }
0x393: {  	s15 =	simm.s32 $0x14500;
	v6 =	vld [tilespmem:s16+$0x80];
	v1 =	vmul.f32 $8.000000000e+00, v1  }
0x394: {  	v7 =	vld [tilespmem:s16+$0xFFFFFF00];
	v2 =	vmul.f32 $8.000000000e+00, v2;
	[tilespmem:s15+$0xC0] =	vst v0  }
0x395: {  	[tilespmem:s15+$0xFFFFFF40] =	vst v1;
	v0 =	vmul.f32 $8.000000000e+00, v3;
	v1 =	vld [tilespmem:s16+$0xD0]  }
0x396: {  	[tilespmem:s15+$0xFFFFFF80] =	vst v2;
	v2 =	vmul.f32 $8.000000000e+00, v4;
	v3 =	vld [tilespmem:s16+$0xFFFFFF50]  }
0x397: {  	v4 =	vld [tilespmem:s16+$0xFFFFFF90];
	[tilespmem:s15+$0xFFFFFFC0] =	vst v0;
	v0 =	vmul.f32 $8.000000000e+00, v5  }
0x398: {  	[tilespmem:s15+$0x0] =	vst v2;
	v2 =	vmul.f32 $8.000000000e+00, v6;
	v5 =	vld [tilespmem:s16+$0xFFFFFFD0]  }
0x399: {  	v6 =	vmul.f32 $8.000000000e+00, v7;
	v7 =	vld [tilespmem:s16+$0x10];
	[tilespmem:s15+$0x40] =	vst v0  }
0x39a: {  	[tilespmem:s15+$0x80] =	vst v2;
	v0 =	vld [tilespmem:s16+$0x50];
	v1 =	vmul.f32 $8.000000000e+00, v1  }
0x39b: {  	[tilespmem:s15+$0xFFFFFF00] =	vst v6;
	v2 =	vmul.f32 $8.000000000e+00, v3;
	v3 =	vld [tilespmem:s16+$0x90]  }
0x39c: {  	v6 =	vld [tilespmem:s16+$0xFFFFFF10];
	v4 =	vmul.f32 $8.000000000e+00, v4;
	[tilespmem:s15+$0xD0] =	vst v1  }
0x39d: {  	[tilespmem:s15+$0xFFFFFF50] =	vst v2;
	v1 =	vmul.f32 $8.000000000e+00, v5;
	v2 =	vld [tilespmem:s16+$0xE0]  }
0x39e: {  	[tilespmem:s15+$0xFFFFFF90] =	vst v4;
	v4 =	vmul.f32 $8.000000000e+00, v7;
	v5 =	vld [tilespmem:s16+$0xFFFFFF60]  }
0x39f: {  	v7 =	vld [tilespmem:s16+$0xFFFFFFA0];
	[tilespmem:s15+$0xFFFFFFD0] =	vst v1;
	v0 =	vmul.f32 $8.000000000e+00, v0  }
0x3a0: {  	[tilespmem:s15+$0x10] =	vst v4;
	v1 =	vld [tilespmem:s16+$0xFFFFFFE0];
	v3 =	vmul.f32 $8.000000000e+00, v3  }
0x3a1: {  	v4 =	vmul.f32 $8.000000000e+00, v6;
	v6 =	vld [tilespmem:s16+$0x20];
	[tilespmem:s15+$0x50] =	vst v0  }
0x3a2: {  	v0 =	vld [tilespmem:s16+$0x60];
	[tilespmem:s15+$0x90] =	vst v3;
	v2 =	vmul.f32 $8.000000000e+00, v2  }
0x3a3: {  	[tilespmem:s15+$0xFFFFFF10] =	vst v4;
	v3 =	vmul.f32 $8.000000000e+00, v5;
	v4 =	vld [tilespmem:s16+$0xA0]  }
0x3a4: {  	v5 =	vld [tilespmem:s16+$0xFFFFFF20];
	v7 =	vmul.f32 $8.000000000e+00, v7;
	[tilespmem:s15+$0xE0] =	vst v2  }
0x3a5: {  	[tilespmem:s15+$0xFFFFFF60] =	vst v3;
	v1 =	vmul.f32 $8.000000000e+00, v1;
	v3 =	vld [tilespmem:s16+$0xF0]  }
0x3a6: {  	[tilespmem:s15+$0xFFFFFFA0] =	vst v7;
	v2 =	vmul.f32 $8.000000000e+00, v6;
	v8 =	vld [tilespmem:s16+$0xFFFFFF70]  }
0x3a7: {  	v7 =	vld [tilespmem:s16+$0xFFFFFFB0];
	[tilespmem:s15+$0xFFFFFFE0] =	vst v1;
	v1 =	vmul.f32 $8.000000000e+00, v0  }
0x3a8: {  	[tilespmem:s15+$0x20] =	vst v2;
	v0 =	vld [tilespmem:s16+$0xFFFFFFF0];
	v4 =	vmul.f32 $8.000000000e+00, v4  }
0x3a9: {  	v5 =	vmul.f32 $8.000000000e+00, v5;
	v2 =	vld [tilespmem:s16+$0x30];
	[tilespmem:s15+$0x60] =	vst v1  }
0x3aa: {  	v1 =	vld [tilespmem:s16+$0x70];
	[tilespmem:s15+$0xA0] =	vst v4;
	v9 =	vmul.f32 $8.000000000e+00, v3  }
0x3ab: {  	[tilespmem:s15+$0xFFFFFF20] =	vst v5;
	v3 =	vld [tilespmem:s16+$0xB0];
	v6 =	vmul.f32 $8.000000000e+00, v8  }
0x3ac: {  	s5 =	simm.s32 $0x0;
	v4 =	vld [tilespmem:s16+$0xFFFFFF30];
	v5 =	vmul.f32 $8.000000000e+00, v7;
	s16 =	simm.s32 $0xC700;
	[tilespmem:s15+$0xF0] =	vst v9  }
.LBB2_26:
0x3ad: {  	v7 =	vld [tilespmem:s16+$0xC0];
	s5 =	sadd.s32 $0x8, s5;
	[tilespmem:s15+$0xFFFFFF70] =	vst v6;
	v0 =	vmul.f32 $8.000000000e+00, v0  }
0x3ae: {  	v6 =	vld [tilespmem:s16+$0xFFFFFF40];
	p0 =	slt.u32 s5, $0x78;
	[tilespmem:s15+$0xFFFFFFB0] =	vst v5;
	v2 =	vmul.f32 $8.000000000e+00, v2  }
0x3af: {  	v5 =	vld [tilespmem:s16+$0xFFFFFF80];
	[tilespmem:s15+$0xFFFFFFF0] =	vst v0;
	v0 =	vmul.f32 $8.000000000e+00, v1  }
0x3b0: {  	v1 =	vld [tilespmem:s16+$0xFFFFFFC0];
	[tilespmem:s15+$0x30] =	vst v2;
	v2 =	vmul.f32 $8.000000000e+00, v3  }
0x3b1: {  	v3 =	vld [tilespmem:s16+$0x0];
	v4 =	vmul.f32 $8.000000000e+00, v4;
	[tilespmem:s15+$0x70] =	vst v0  }
0x3b2: {  	v0 =	vld [tilespmem:s16+$0x40];
	v7 =	vmul.f32 $8.000000000e+00, v7;
	[tilespmem:s15+$0xB0] =	vst v2  }
0x3b3: {  	v2 =	vmul.f32 $8.000000000e+00, v6;
	v6 =	vld [tilespmem:s16+$0x80];
	[tilespmem:s15+$0xFFFFFF30] =	vst v4;
	s15 =	sadd.s32 $0x200, s15  }
0x3b4: {  	v4 =	vld [tilespmem:s16+$0xFFFFFF00];
	v5 =	vmul.f32 $8.000000000e+00, v5;
	[tilespmem:s15+$0xC0] =	vst v7  }
0x3b5: {  	[tilespmem:s15+$0xFFFFFF40] =	vst v2;
	v1 =	vmul.f32 $8.000000000e+00, v1;
	v2 =	vld [tilespmem:s16+$0xD0]  }
0x3b6: {  	v7 =	vld [tilespmem:s16+$0xFFFFFF50];
	[tilespmem:s15+$0xFFFFFF80] =	vst v5;
	v3 =	vmul.f32 $8.000000000e+00, v3  }
0x3b7: {  	v5 =	vld [tilespmem:s16+$0xFFFFFF90];
	[tilespmem:s15+$0xFFFFFFC0] =	vst v1;
	v0 =	vmul.f32 $8.000000000e+00, v0  }
0x3b8: {  	v1 =	vld [tilespmem:s16+$0xFFFFFFD0];
	[tilespmem:s15+$0x0] =	vst v3;
	v3 =	vmul.f32 $8.000000000e+00, v6  }
0x3b9: {  	v4 =	vmul.f32 $8.000000000e+00, v4;
	v6 =	vld [tilespmem:s16+$0x10];
	[tilespmem:s15+$0x40] =	vst v0  }
0x3ba: {  	v0 =	vld [tilespmem:s16+$0x50];
	[tilespmem:s15+$0x80] =	vst v3;
	v2 =	vmul.f32 $8.000000000e+00, v2  }
0x3bb: {  	[tilespmem:s15+$0xFFFFFF00] =	vst v4;
	v3 =	vmul.f32 $8.000000000e+00, v7;
	v4 =	vld [tilespmem:s16+$0x90]  }
0x3bc: {  	v7 =	vld [tilespmem:s16+$0xFFFFFF10];
	v5 =	vmul.f32 $8.000000000e+00, v5;
	[tilespmem:s15+$0xD0] =	vst v2  }
0x3bd: {  	[tilespmem:s15+$0xFFFFFF50] =	vst v3;
	v1 =	vmul.f32 $8.000000000e+00, v1;
	v2 =	vld [tilespmem:s16+$0xE0]  }
0x3be: {  	v3 =	vld [tilespmem:s16+$0xFFFFFF60];
	[tilespmem:s15+$0xFFFFFF90] =	vst v5;
	v5 =	vmul.f32 $8.000000000e+00, v6  }
0x3bf: {  	v6 =	vld [tilespmem:s16+$0xFFFFFFA0];
	[tilespmem:s15+$0xFFFFFFD0] =	vst v1;
	v0 =	vmul.f32 $8.000000000e+00, v0  }
0x3c0: {  	v1 =	vld [tilespmem:s16+$0xFFFFFFE0];
	[tilespmem:s15+$0x10] =	vst v5;
	v4 =	vmul.f32 $8.000000000e+00, v4  }
0x3c1: {  	v5 =	vmul.f32 $8.000000000e+00, v7;
	v7 =	vld [tilespmem:s16+$0x20];
	[tilespmem:s15+$0x50] =	vst v0  }
0x3c2: {  	v0 =	vld [tilespmem:s16+$0x60];
	[tilespmem:s15+$0x90] =	vst v4;
	v2 =	vmul.f32 $8.000000000e+00, v2  }
0x3c3: {  	[tilespmem:s15+$0xFFFFFF10] =	vst v5;
	v3 =	vmul.f32 $8.000000000e+00, v3;
	v4 =	vld [tilespmem:s16+$0xA0]  }
0x3c4: {  	v5 =	vld [tilespmem:s16+$0xFFFFFF20];
	v6 =	vmul.f32 $8.000000000e+00, v6;
	[tilespmem:s15+$0xE0] =	vst v2  }
0x3c5: {  	[tilespmem:s15+$0xFFFFFF60] =	vst v3;
	v1 =	vmul.f32 $8.000000000e+00, v1;
	v3 =	vld [tilespmem:s16+$0xF0]  }
0x3c6: {  	v8 =	vld [tilespmem:s16+$0xFFFFFF70];
	[tilespmem:s15+$0xFFFFFFA0] =	vst v6;
	v2 =	vmul.f32 $8.000000000e+00, v7  }
0x3c7: {  	v7 =	vld [tilespmem:s16+$0xFFFFFFB0];
	[tilespmem:s15+$0xFFFFFFE0] =	vst v1;
	v1 =	vmul.f32 $8.000000000e+00, v0  }
.Ltmp12:
0x3c8: {  	v0 =	vld [tilespmem:s16+$0xFFFFFFF0];
	[tilespmem:s15+$0x20] =	vst v2;
	v4 =	vmul.f32 $8.000000000e+00, v4;
	(pc) =	sbr.rel @p0 .LBB2_26-.Ltmp12, $4  }
0x3c9: {  	v5 =	vmul.f32 $8.000000000e+00, v5;
	v2 =	vld [tilespmem:s16+$0x30];
	[tilespmem:s15+$0x60] =	vst v1  }
0x3ca: {  	v1 =	vld [tilespmem:s16+$0x70];
	[tilespmem:s15+$0xA0] =	vst v4;
	v9 =	vmul.f32 $8.000000000e+00, v3  }
0x3cb: {  	[tilespmem:s15+$0xFFFFFF20] =	vst v5;
	v6 =	vmul.f32 $8.000000000e+00, v8;
	v3 =	vld [tilespmem:s16+$0xB0]  }
0x3cc: {  	v4 =	vld [tilespmem:s16+$0xFFFFFF30];
	v5 =	vmul.f32 $8.000000000e+00, v7;
	[tilespmem:s15+$0xF0] =	vst v9;
	s16 =	sadd.s32 $0x200, s16  }
0x3cd: {  	[tilespmem:s15+$0xFFFFFF70] =	vst v6;
	v0 =	vmul.f32 $8.000000000e+00, v0  }
0x3ce: {  	[tilespmem:s15+$0xFFFFFFB0] =	vst v5;
	v2 =	vmul.f32 $8.000000000e+00, v2  }
0x3cf: {  	[tilespmem:s15+$0xFFFFFFF0] =	vst v0;
	v61 =	vmul.f32 $8.000000000e+00, v1  }
0x3d0: {  	[tilespmem:s15+$0x30] =	vst v2;
	v62 =	vmul.f32 $8.000000000e+00, v3  }
0x3d1: {  	v63 =	vmul.f32 $8.000000000e+00, v4;
	[tilespmem:s15+$0x70] =	vst v61  }
0x3d2: {  	[tilespmem:s15+$0xB0] =	vst v62  }
0x3d3: {  	[tilespmem:s15+$0xFFFFFF30] =	vst v63  }
0x3d4: {  	s5 =	rddreg [dreg:$0xb]  }
0x3d5: {  	[hbm4b:s5+s3] =	stream.linear.scatter [tilespmem:s30], [sflag:$0x8], $0x2000, $0x38;
	[tilespmem:$0x16400] =	vst v63  }
0x3d6: {  	_ =	swait.ge [sflag:s7], $0x2000  }
0x3d7: {  	[sflag:s7] =	ssyncset.done $0x0  }
0x3d8: {  	[sflag:s7] =	ssyncadd.s32 $0xFFFFE000  }
0x3d9: {  	_ =	swait.ge [sflag:s8], $0x2000  }
0x3da: {  	[sflag:s8] =	ssyncset.done $0x0  }
0x3db: {  	[sflag:s8] =	ssyncadd.s32 $0xFFFFE000  }
0x3dc: {  	_ =	swait.ge [sflag:s9], $0x2000  }
0x3dd: {  	[sflag:s9] =	ssyncset.done $0x0  }
0x3de: {  	[sflag:s9] =	ssyncadd.s32 $0xFFFFE000  }
0x3df: {  	_ =	swait.ge [sflag:s10], $0x2000  }
0x3e0: {  	s14 =	sadd.s32 $0x1, s14;
	s19 =	rddreg [dreg:$0xc]  }
0x3e1: {  	p0 =	sne.s32 s14, s19  }
.Ltmp13:
0x3e2: {  	_ = 	snop;
	(pc) =	sbr.rel @p0 .LBB2_1-.Ltmp13, $3  }
0x3e3: {  	_ =	sdelay $0x1  }
0x3e4: {  	[sflag:s10] =	ssyncset.done $0x0  }
0x3e5: {  	[sflag:s10] =	ssyncadd.s32 $0xFFFFE000  }
0x3e6: {  	_ =	sfence.sel $0x180000  }
0x3e7: {  	[bflag:$0x0] =	sbarrier.arrive $0xFFFF  }
0x3e8: {  	_ =	strace $0x90000047  }
0x3e9: {  	s0 =	stileid.u32;
	[bflag:$0x2] =	sbarrier.arrive $0xFFFF  }
0x3ea: {  	p0 =	sne.s32 s0, $0x0;
	s0 =	rddreg [dreg:$0x2]  }
0x3eb: {  	s0 =	sadd.s32 @!p0 $0x100000, s0  }
0x3ec: {  	[sflag:s0] =	ssyncadd.tile.s32 @!p0 $0x1;
	_ =	shalt  }
.Lfunc_end2:
_tile_overlayer_lowered:
.L_overlay_start_2:
0x3ed: {  	(tag) =	ssettag $0x2  }
0x3ee: {  	s0 =	rddreg [dreg:$0x0];
	s2 =	stileid.u32  }
0x3ef: {  	s1 =	rddreg [dreg:$0x1];
	p0 =	sne.s32 s2, $0x0  }
0x3f0: {  	s3 =	rddreg [dreg:$0x2];
	[bflag:$0x3] =	sbarrier.arrive $0xFFFF;
	s2 =	simm.s32 @!p0 $0x1C09  }
0x3f1: {  	[timem:s3], [sflag:s2] =	dma.local @!p0 [hbm:s0], s1  }
0x3f2: {  	s0 =	simm.s32 @!p0 $0x9  }
0x3f3: {  	_ =	swait.ge @!p0 [sflag:s0], s1  }
0x3f4: {  	s1 =	ssub.s32 @!p0 $0x0, s1;
	[sflag:s0] =	ssyncset.done @!p0 $0x0  }
0x3f5: {  	[sflag:s0] =	ssyncadd.s32 @!p0 s1  }
0x3f6: {  	[bflag:$0x3] =	sbarrier.arrive $0xFFFF  }
0x3f7: {  	_ =	shalt  }

// kernel: sparse-core-data-format-call.cloned.1.call-start
scs
called_computation_lowered:
.L_overlay_start_0:
0x0: {  	s2 =	sld [smem:$0x3FD9]  }
0x1: {  	s3 =	sld [smem:$0x3FFE];
	_ =	sdelay $0x1  }
0x2: {  	s1 =	srdreg.scid  }
0x3: {  	s0 =	sand.u32 $0x1, s1  }
0x4: {  	s18 =	sshll.u32 s0, $0xA;
	s2 =	sadd.s32 s3, s2  }
0x5: {  	s2 =	sadd.s32 s2, s18  }
0x6: {  	[smem:$0x3FC6] =	sst s2  }
0x7: {  	_ = 	snop  }
0x8: {  	s2 =	sld [smem:$0x3FD0];
	(tm) =	ssettm $0x1  }
0x9: {  	s19 =	sld [smem:$0x3FFB];
	_ =	sdelay $0x3  }
0xa: {  	_ =	strace s19  }
0xb: {  	s3 =	sld [smem:$0x3FFC];
	_ =	sdelay $0x3  }
0xc: {  	_ =	strace s3  }
0xd: {  	s3 =	sld [smem:$0x3FFD];
	_ =	sdelay $0x3  }
0xe: {  	_ =	strace s3  }
0xf: {  	_ =	strace $0x8FFFFFFF  }
0x10: {  	s20 =	sld [smem:$0x3FDB];
	_ =	sdelay $0x1  }
0x11: {  	s4 =	simm.s32 $_scs_section_size  }
0x12: {  	s5 =	simm.s32 $_size__tile_overlayer_lowered;
	s6 =	simm.s32 $_tile_overlayer_lowered  }
0x13: {  	s23 =	simm.s32 $0x1BFF;
	s22 =	sshll.u32 s6, $0x1;
	s3 =	sadd.s32 s4, s20  }
0x14: {  	s7 =	simm.s32 $0x0;
	s21 =	sshll.u32 s5, $0x1;
	s5 =	sadd.s32 s22, s3  }
0x15: {  	[timem:s7], [sflag:s23] =	dma.local [hbm:s5], s21  }
0x16: {  	_ =	swait.ge [sflag:s23], s21  }
0x17: {  	s4 =	ssub.s32 $0x0, s21;
	[sflag:s23] =	ssyncset.done $0x0  }
0x18: {  	[sflag:s23] =	ssyncadd.s32 s4;
	_ =	sdelay $0x1  }
0x19: {  	s24 =	simm.s32 $0x1B8B  }
0x1a: {  	_ =	swait.ge [sflag:s24], $0x1  }
0x1b: {  	[sflag:s24] =	ssyncset.done $0x0  }
0x1c: {  	s26 =	simm.s32 $0x1B8E;
	s25 =	sld [smem:$0x3FFE];
	[sflag:s24] =	ssyncadd.s32 $0xFFFFFFFF  }
0x1d: {  	s27 =	simm.s32 $execute0_lowered;
	[smem:$0x3FD2] =	sst s26  }
0x1e: {  	s5 =	sshll.u32 s27, $0x1;
	_ =	strace $0x80000049;
	[dreg:$0x1] =	wrdreg $0xFFFFFFFF  }
0x1f: {  	s28 =	simm.s32 $_size_execute0_lowered;
	s3 =	sadd.s32 s3, s5;
	[dreg:$0x0] =	wrdreg $0x0  }
0x20: {  	s5 =	sshll.u32 s28, $0x1;
	[dreg:$0x2] =	wrdreg s3  }
0x21: {  	[dreg:$0x3] =	wrdreg s5  }
0x22: {  	[dreg:$0x4] =	wrdreg $0xC0  }
0x23: {  	_ =	task [dreg:s7], $0x5FFFF  }
0x24: {  	[dreg:$0x1] =	wrdreg $0xFFFFFFFF  }
0x25: {  	[dreg:$0x0] =	wrdreg $0x60  }
0x26: {  	[dreg:$0x2] =	wrdreg s25  }
0x27: {  	[dreg:$0x3] =	wrdreg s2  }
0x28: {  	[dreg:$0x4] =	wrdreg $0x9  }
0x29: {  	_ =	task.clear_ibuf [dreg:s7], $0x5FFFF;
	_ =	strace $0x90000049  }
0x2a: {  	s29 =	simm.s32 $0x9;
	_ =	strace $0x8000004B  }
0x2b: {  	_ =	swait.ge [sflag:s29], $0x1  }
0x2c: {  	[sflag:s29] =	ssyncadd.s32 $0xFFFFFFFF  }
0x2d: {  	_ =	strace $0x9000004B  }
0x2e: {  	_ =	sfence  }
0x2f: {  	s30 =	sld [smem:$0x0];
	_ =	sdelay $0x2  }
0x30: {  	s31 =	sshll.u32 s1, $0xD;
	s1 =	sshrl.u32 s1, $0x2  }
0x31: {  	s3 =	sand.u32 $0x4000, s31;
	s1 =	sadd.s32 s1, s30  }
0x32: {  	s0 =	sor.u32 s3, s0;
	s1 =	sshll.u32 s1, $0x11  }
0x33: {  	s0 =	sor.u32 s1, s0  }
0x34: {  	s0 =	sadd.s32 $0x8F2B, s0  }
0x35: {  	[sflag:s0] =	ssyncadd.remote.s32 $0x1  }
0x36: {  	_ =	sfence.sel $0xFFFF  }
0x37: {  	[dreg:$0x0] =	wrdreg $0xFFFFFFFF;
	(pc) =	sbr.abs _section_cstart, $3  }
0x38: {  	[dreg:$0x1] =	wrdreg $0xFFFFFFFF  }
0x39: {  	_ =	task.clear_ibuf [dreg:s7], $0x2FFFF;
	_ =	strace $0x9FFFFFFF  }
0x3a: {  	(tm) =	ssettm $0x7FFFFFFF  }
0x3b: {  	_ =	shalt  }
tec
execute0_lowered:
.L_overlay_start_1:
0x0: {  	(tag) =	ssettag $0x1  }
0x1: {  	s0 =	srdreg.scid  }
0x2: {  	s1 =	sshll.u32 s0, $0x4  }
0x3: {  	s5 =	rddreg [dreg:$0x0];
	s0 =	stileid.u32;
	s1 =	sand.u32 $0x10, s1  }
0x4: {  	s3 =	rddreg [dreg:$0x1];
	s31 =	simm.s32 $0x2;
	s4 =	sor.u32 s0, s1  }
0x5: {  	s13 =	simm.s32 $0x0;
	s9 =	simm.s32 $0x400;
	s2 =	sshll.u32 s4, $0x7  }
0x6: {  	s10 =	simm.s32 $0x8000;
	s14 =	simm.s32 $0x0;
	s6 =	ssub.s32 $0x1000, s2  }
0x7: {  	s1 =	rddreg [dreg:$0x2];
	_ =	strace $0x8000004A;
	s7 =	sand.u32 $0xF80, s6  }
0x8: {  	s4 =	sshll.u32 s4, $0xB;
	p0 =	sne.s32 s7, $0x0;
	s7 =	simm.s32 $0x1  }
.Ltmp0:
0x9: {  	s6 =	sshrl.u32 s6, $0xC;
	s7 =	simm.s32 @!p0 $0x0;
	(pc) =	sbr.rel .LBB1_1-.Ltmp0, $4  }
0xa: {  	s8 =	sadd.s32 s4, s5;
	s4 =	simm.s32 $0x1;
	s30 =	sadd.s32 s7, s6  }
0xb: {  	s11 =	simm.s32 $0x0;
	[sflag:s4] =	ssyncpa.u1 $0x0;
	s5 =	smul.u32 $0x64, s30  }
0xc: {  	s12 =	simm.s32 $0x0;
	[sflag:s31] =	ssyncpa.u1 $0x0;
	p0 =	por $0x0, $0x0  }
0xd: {  	s6 =	sadd.s32 $0xA00, s8;
	s7 =	sadd.s32 $0x10A00, s8;
	s8 =	sor.u32 $0x1, s5  }
.LBB1_7:
0xe: {  	s15 =	sadd.s32 $0x2, s11  }
0xf: {  	p2 =	sgt.s32 s15, $0xC7  }
0x10: {  	s15 =	simm.s32 @p2 $0x0;
	p2 =	sne.s32 s12, s8  }
.Ltmp1:
0x11: {  	p1 =	slt.u32 s12, $0x2;
	(pc) =	sbr.rel @!p2 .LBB1_8-.Ltmp1, $4  }
0x12: {  	s13 =	simm.s32 @!p1 $0x2  }
0x13: {  	s16 =	sadd.s32 $0x1, s12;
	s14 =	smov.u32 s11;
	_ =	swait.ge @!p1 [sflag:s13], $0x4000  }
0x14: {  	p0 =	por !p0, !p0;
	s12 =	smov.u32 s16;
	[sflag:s13] =	ssyncset.done @!p1 $0x0  }
0x15: {  	s11 =	smov.u32 s15;
	[sflag:s13] =	ssyncadd.s32 @!p1 $0xFFFFC000;
	s13 =	smov.u32 s2  }
.LBB1_1:
0x16: {  	p1 =	sge.u32 s12, s5  }
0x17: {  	s15 =	sxor.u32 @!p1 $0xFFFFFFFF, s12  }
0x18: {  	s16 =	sshll.u32 @!p1 s11, $0x10;
	s18 =	simm.s32 @!p1 $0x40;
	s15 =	sshll.u32 @!p1 s15, $0xE  }
0x19: {  	s19 =	simm.s32 @!p1 $0x80;
	s17 =	sadd.s32 @!p1 s16, s6;
	s15 =	sand.u32 @!p1 $0x4000, s15  }
0x1a: {  	[tilespmem:s15], [sflag:$0x1] =	stream.strided.gather @!p1 [hbm4b:s17+s18], $0x2000, s19, s18, $0x38;
	[tilespmem:$0x10100] =	vst v63  }
0x1b: {  	s31 =	sadd.s32 $0xFFFFFFFF, s12;
	s16 =	sadd.s32 @!p1 s16, s7;
	s15 =	sor.u32 @!p1 $0x2000, s15  }
0x1c: {  	[tilespmem:s15], [sflag:$0x1] =	stream.strided.gather @!p1 [hbm4b:s16+s18], $0x2000, s19, s18, $0x38;
	[tilespmem:$0x10100] =	vst v63  }
0x1d: {  	p1 =	sge.u32 s31, s5  }
.Ltmp2:
0x1e: {  	_ = 	snop;
	(pc) =	sbr.rel @p1 .LBB1_7-.Ltmp2, $1  }
0x1f: {  	_ =	sdelay $0x3  }
0x20: {  	s15 =	simm.s32 $0x1;
	s17 =	sand.u32 $0x1, s12  }
0x21: {  	_ =	swait.ge [sflag:s4], $0x4000;
	s15 =	simm.s32 @!p0 $0x0;
	s17 =	smul.u32 $0x10200, s17  }
0x22: {  	p2 =	por $0x1, $0x1;
	[sflag:s4] =	ssyncset.done $0x0;
	s16 =	smul.u32 $0x10200, s15  }
0x23: {  	s18 =	sshll.u32 s15, $0x10;
	[sflag:s4] =	ssyncadd.s32 $0xFFFFC000;
	s30 =	sshrl.u32 s17, $0x2  }
0x24: {  	s31 =	sshrl.u32 s18, $0x2;
	s18 =	simm.s32 $0x0;
	s16 =	sshrl.u32 s16, $0x2  }
0x25: {  	s15 =	sor.u32 $0x8000, s30;
	s17 =	sadd.s32 $0x20, s31;
	s16 =	sor.u32 $0x8000, s16  }
.LBB1_3:
0x26: {  	s19 =	sshll.u32 s18, $0xD  }
0x27: {  	s19 =	sand.u32 $0x3FFFE000, s19  }
0x28: {  	s21 =	sadd.s32 s19, s17  }
0x29: {  	s31 =	smul.u32 $0x8100, s18;
	v3 =	vld [tilespmem:s21+$0x10]  }
0x2a: {  	v1 =	vld [tilespmem:s21+$0xFFFFFFF0]  }
0x2b: {  	s18 =	sshra.s32 s31, $0x2;
	v0 =	vld [tilespmem:s21+$0x0]  }
0x2c: {  	s18 =	sadd.s32 s18, s16;
	v2 =	vld [tilespmem:s21+$0xFFFFFFE0]  }
0x2d: {  	s19 =	sadd.s32 $0x0, s18  }
0x2e: {  	p1 =	por p2, p2;
	s20 =	simm.s32 $0x4;
	s21 =	sadd.s32 $0x40, s21;
	[tilespmem:s19+$0x1830 ss:$0x81] =	vst.msk $0xffff, v3  }
.LBB1_4:
0x2f: {  	v3 =	vld [tilespmem:s21+$0x10];
	p2 =	sne.s32 s20, $0x1FC;
	[tilespmem:s19+$0x810 ss:$0x81] =	vst.msk $0xffff, v1;
	s22 =	smov.u32 s20;
	s20 =	sadd.s32 $0x4, s20  }
.Ltmp3:
0x30: {  	v1 =	vld [tilespmem:s21+$0xFFFFFFF0];
	[tilespmem:s19+$0x1020 ss:$0x81] =	vst.msk $0xffff, v0;
	(pc) =	sbr.rel @p2 .LBB1_4-.Ltmp3, $4  }
0x31: {  	v0 =	vld [tilespmem:s21+$0x0];
	[tilespmem:s19+$0x0 ss:$0x81] =	vst.msk $0xffff, v2  }
0x32: {  	s19 =	sshra.s32 s22, $0x2;
	v2 =	vld [tilespmem:s21+$0xFFFFFFE0]  }
0x33: {  	s19 =	sadd.s32 s19, s18  }
0x34: {  	s21 =	sadd.s32 $0x40, s21;
	[tilespmem:s19+$0x1830 ss:$0x81] =	vst.msk $0xffff, v3  }
.Ltmp4:
0x35: {  	(pc) =	sbr.rel @p1 .LBB1_3-.Ltmp4, $4  }
0x36: {  	_ = 	snop  }
0x37: {  	[tilespmem:s19+$0x810 ss:$0x81] =	vst.msk $0xffff, v1  }
0x38: {  	[tilespmem:s19+$0x1020 ss:$0x81] =	vst.msk $0xffff, v0  }
0x39: {  	s18 =	simm.s32 $0x1;
	p2 =	por $0x0, $0x0;
	[tilespmem:s19+$0x0 ss:$0x81] =	vst.msk $0xffff, v2  }
.Ltmp5:
0x3a: {  	(pc) =	sbr.rel .LBB1_7-.Ltmp5, $4  }
0x3b: {  	s14 =	sshll.u32 s14, $0xF  }
0x3c: {  	s14 =	sadd.s32 s3, s14  }
0x3d: {  	s13 =	sadd.s32 s13, s14  }
0x3e: {  	[hbm4b:s13+s9] =	stream.strided.scatter [tilespmem:s15], [sflag:$0x2], $0x4000, s10, s9, $0x20;
	[tilespmem:$0x10100] =	vst v63  }
.LBB1_8:
0x3f: {  	_ =	sfence.sel $0x180000  }
0x40: {  	s2 =	simm.s32 $0x1;
	[bflag:$0x0] =	sbarrier.arrive $0xFFFF  }
0x41: {  	s31 =	simm.s32 $0x2;
	[sflag:s2] =	ssyncpa.u1 $0x1  }
0x42: {  	[sflag:s31] =	ssyncpa.u1 $0x1  }
0x43: {  	p0 =	sne.s32 s0, $0x0;
	_ =	strace $0x9000004A  }
0x44: {  	s0 =	sadd.s32 @!p0 $0x100000, s1;
	[bflag:$0x2] =	sbarrier.arrive $0xFFFF  }
0x45: {  	[sflag:s0] =	ssyncadd.tile.s32 @!p0 $0x1;
	_ =	shalt  }
.Lfunc_end1:
_tile_overlayer_lowered:
.L_overlay_start_2:
0x46: {  	(tag) =	ssettag $0x2  }
0x47: {  	s0 =	rddreg [dreg:$0x0];
	s2 =	stileid.u32  }
0x48: {  	s1 =	rddreg [dreg:$0x1];
	p0 =	sne.s32 s2, $0x0  }
0x49: {  	s3 =	rddreg [dreg:$0x2];
	[bflag:$0x3] =	sbarrier.arrive $0xFFFF;
	s2 =	simm.s32 @!p0 $0x1C01  }
0x4a: {  	[timem:s3], [sflag:s2] =	dma.local @!p0 [hbm:s0], s1  }
0x4b: {  	s0 =	simm.s32 @!p0 $0x1  }
0x4c: {  	_ =	swait.ge @!p0 [sflag:s0], s1  }
0x4d: {  	s1 =	ssub.s32 @!p0 $0x0, s1;
	[sflag:s0] =	ssyncset.done @!p0 $0x0  }
0x4e: {  	[sflag:s0] =	ssyncadd.s32 @!p0 s1  }
0x4f: {  	[bflag:$0x3] =	sbarrier.arrive $0xFFFF  }
0x50: {  	_ =	shalt  }

</sc_bundles>
